<compile_context>
chip_gen: v7x
topology: tpu7x:2x2x1
jax: 0.10.2.dev20260603
libtpu: 0.0.44.dev20260713+nightly
codegen_flags: <defaults>
</compile_context>

<pallas_src>
import functools

import jax
import jax.numpy as jnp
from jax import lax
from jax.experimental import pallas as pl
from jax.experimental.pallas import tpu as pltpu
from jax.experimental.pallas import tpu_sc as plsc

NC, NS, L = 2, 16, 16
NW = NC * NS
CHUNK = 128
NSLOT = 4
LOOKAHEAD = 2

_CP = pltpu.CompilerParams(use_tc_tiling_on_sc=True)

_mesh = plsc.VectorSubcoreMesh(core_axis_name="c", subcore_axis_name="s",
                               num_cores=NC, num_subcores=NS)


def _worker_id():
    return lax.axis_index("s") * NC + lax.axis_index("c")


def _build_combined(char_table, syll_pad, conv_pad, n_rows):
    d = char_table.shape[1]
    dp = syll_pad.shape[1]
    n_full = n_rows // CHUNK
    rem = n_rows - n_full * CHUNK
    per_small = n_full // NW
    n_big = n_full % NW

    @functools.partial(
        pl.kernel,
        out_type=jax.ShapeDtypeStruct((n_rows, dp), jnp.float32),
        mesh=_mesh,
        scratch_types=[
            pltpu.VMEM(((per_small + 2) * CHUNK,), jnp.int32),
            pltpu.VMEM((CHUNK, dp), jnp.float32),
            pltpu.VMEM((CHUNK, d), jnp.float32),
            pltpu.SemaphoreType.DMA,
        ],
        compiler_params=_CP,
    )
    def build(char_hbm, syll_hbm, conv_hbm, comb_hbm, conv_v, sv, acc, sem):
        wid = _worker_id()
        start = wid * per_small + jnp.minimum(wid, n_big)
        extra = wid < n_big

        pltpu.sync_copy(conv_hbm.at[pl.ds(start * CHUNK, per_small * CHUNK)],
                        conv_v.at[pl.ds(0, per_small * CHUNK)])

        @pl.when(extra)
        def _():
            pltpu.sync_copy(
                conv_hbm.at[pl.ds((start + per_small) * CHUNK, CHUNK)],
                conv_v.at[pl.ds(per_small * CHUNK, CHUNK)])

        def do_chunk(base, conv_off, size):
            cp = pltpu.async_copy(
                syll_hbm.at[conv_v.at[pl.ds(conv_off, CHUNK)]],
                sv, sem)
            pltpu.sync_copy(char_hbm.at[pl.ds(base, size)],
                            acc.at[pl.ds(0, size)])
            cp.wait()

            def row_body(i, _):
                for j in range(d // L):
                    sl = pl.ds(j * L, L)
                    sv[i, sl] = acc[i, sl] + sv[i, sl]
                return 0
            lax.fori_loop(0, size, row_body, 0, unroll=4)

            pltpu.sync_copy(sv.at[pl.ds(0, size)],
                            comb_hbm.at[pl.ds(base, size)])

        def loop_body(t, _):
            do_chunk((start + t) * CHUNK, t * CHUNK, CHUNK)
            return 0

        lax.fori_loop(0, per_small, loop_body, 0)

        @pl.when(extra)
        def _():
            do_chunk((start + per_small) * CHUNK, per_small * CHUNK, CHUNK)

        if rem:
            @pl.when(wid == NW - 1)
            def _():
                pltpu.sync_copy(
                    conv_hbm.at[pl.ds(n_full * CHUNK, CHUNK)],
                    conv_v.at[pl.ds((per_small + 1) * CHUNK, CHUNK)])
                do_chunk(n_full * CHUNK, (per_small + 1) * CHUNK, rem)

    return build(char_table, syll_pad, conv_pad)


def _lookup(combined, x2d, d):
    n_rows, dp = combined.shape
    n_chunks = x2d.shape[0]
    per_w = n_chunks // NW

    @functools.partial(
        pl.kernel,
        out_type=jax.ShapeDtypeStruct((n_chunks, CHUNK, d), jnp.float32),
        mesh=_mesh,
        scratch_types=[
            pltpu.VMEM((per_w, CHUNK), jnp.int32),
            pltpu.VMEM((NSLOT, CHUNK, dp), jnp.float32),
            pltpu.VMEM((2, CHUNK, d), jnp.float32),
            pltpu.SemaphoreType.DMA((NSLOT,)),
            pltpu.SemaphoreType.DMA((2,)),
        ],
        compiler_params=_CP,
    )
    def lookup(comb_hbm, idx_hbm, out_hbm, idx_v, rows, slim, gsem, osem):
        wid = _worker_id()
        c0 = wid * per_w

        pltpu.sync_copy(idx_hbm.at[pl.ds(c0, per_w)], idx_v)

        def gather(t, slot):
            return pltpu.async_copy(comb_hbm.at[idx_v.at[t]], rows.at[slot],
                                    gsem.at[slot])

        def compact(slot, sslot):
            def row_body(i, _):
                for j in range(d // L):
                    sl = pl.ds(j * L, L)
                    slim[sslot, i, sl] = rows[slot, i, sl]
                return 0
            lax.fori_loop(0, CHUNK, row_body, 0, unroll=4)

        def writeback(t, sslot):
            return pltpu.async_copy(slim.at[sslot], out_hbm.at[c0 + t],
                                    osem.at[sslot])

        def wait_gather(slot):
            pltpu.make_async_copy(comb_hbm.at[pl.ds(0, CHUNK)], rows.at[slot],
                                  gsem.at[slot]).wait()

        def wait_writeback(sslot):
            pltpu.make_async_copy(slim.at[sslot], out_hbm.at[0],
                                  osem.at[sslot]).wait()

        for b in range(LOOKAHEAD):
            gather(b, b)

        def group(g, _):
            for b in range(NSLOT):
                t = g * NSLOT + b
                sb = b % 2
                wait_gather(b)
                u = t + LOOKAHEAD
                s = (b + LOOKAHEAD) % NSLOT

                @pl.when(u < per_w)
                def _():
                    gather(u, s)

                if b >= 2:
                    wait_writeback(sb)
                else:
                    @pl.when(g > 0)
                    def _():
                        wait_writeback(sb)
                compact(b, sb)
                writeback(t, sb)
            return 0

        lax.fori_loop(0, per_w // NSLOT, group, 0)

        for sb in range(2):
            wait_writeback(sb)

    return lookup(combined, x2d)


def kernel(x, char_table, syllable_table, converter):
    xshape = x.shape
    n_rows, d = char_table.shape
    dp = 2 * d
    x2d = x.reshape(-1, CHUNK).astype(jnp.int32)
    syll_pad = jnp.pad(syllable_table, ((0, 0), (0, dp - d)))
    pad_n = (-n_rows) % CHUNK
    conv_pad = jnp.pad(converter.astype(jnp.int32), (0, pad_n))
    combined = _build_combined(char_table, syll_pad, conv_pad, n_rows)
    out = _lookup(combined, x2d, d)
    return out.reshape(*xshape, d)

# --- scband reference (transcript-rebuilt; emitter-appended) ---
"""Pipeline reference for scband-syllable-embedding-8804682957442 (READ-ONLY COPY).

The authoritative reference and input builder live on the scoring server;
editing this copy changes nothing except your own understanding.
"""

import jax, jax.numpy as jnp
import numpy as np

NUM_CLASSES = 100000
DIM_EMB = 64
NUM_SYLLABLES = 1024

def setup_inputs(seed: int = 0) -> dict:
    key = jax.random.key(seed)
    k1, k2, k3, k4 = jax.random.split(key, 4)
    x = jax.random.randint(k1, (4096, 200), 0, NUM_CLASSES, dtype=jnp.int64 if jax.config.jax_enable_x64 else jnp.int32)
    char_table = jax.random.normal(k2, (NUM_CLASSES, DIM_EMB), dtype=jnp.float32) * 0.02
    syllable_table = jax.random.normal(k3, (NUM_SYLLABLES, DIM_EMB), dtype=jnp.float32) * 0.02
    # converter buffer: char id -> syllable id (emulates pypinyin-generated mapping)
    converter = jax.random.randint(k4, (NUM_CLASSES,), 0, NUM_SYLLABLES, dtype=jnp.int32)
    return {"x": x, "char_table": char_table, "syllable_table": syllable_table, "converter": converter}

def reference(x, char_table, syllable_table, converter):
    xshape = x.shape
    x_syllable = jnp.take(converter, x.reshape(-1), axis=0).reshape(xshape)
    char_emb = jnp.take(char_table, x, axis=0)
    syll_emb = jnp.take(syllable_table, x_syllable, axis=0)
    return char_emb + syll_emb

if __name__ == "__main__":
    import jax
    _d = setup_inputs()
    print(jax.jit(kernel)(*tuple(_d.values())))

</pallas_src>

<mosaic_0001>
#map = affine_map<(d0, d1) -> (0, 0)>
#map1 = affine_map<(d0, d1) -> (0, 0, 0)>
module attributes {stable_mosaic.version = 14 : i64} {
  func.func @lookup(%arg0: i32, %arg1: i32, %arg2: memref<100000x128xf32, #tpu.memory_space<hbm>>, %arg3: memref<6400x128xi32, #tpu.memory_space<hbm>>, %arg4: memref<6400x128x64xf32, #tpu.memory_space<hbm>>, %arg5: memref<200x128xi32, #tpu.memory_space<vmem>>, %arg6: memref<4x128x128xf32, #tpu.memory_space<vmem>>, %arg7: memref<2x128x64xf32, #tpu.memory_space<vmem>>, %arg8: memref<4x!tpu.dma_semaphore, #tpu.memory_space<semaphore_mem>>, %arg9: memref<2x!tpu.dma_semaphore, #tpu.memory_space<semaphore_mem>>) attributes {dimension_semantics = [#tpu.dimension_semantics<core_parallel>, #tpu.dimension_semantics<subcore_parallel>], iteration_bounds = array<i64: 2, 16>, scalar_prefetch = 0 : i64, scratch_operands = 5 : i64, tpu.core_type = #tpu.core_type<sc_vector_subcore>, window_params = [{transform_indices = #map}, {transform_indices = #map}, {transform_indices = #map1}]} {
    %mul3A = arith.constant 2 : i32
    %mul3A_0 = arith.muli %arg1, %mul3A : i32
    %add3A = arith.addi %mul3A_0, %arg0 : i32
    %mul3A_1 = arith.constant 200 : i32
    %mul3A_2 = arith.muli %add3A, %mul3A_1 : i32
    "tpu.region"() ({
      %run_scoped3A = tpu.sem_alloc : memref<!tpu.dma_semaphore, #tpu.memory_space<semaphore_mem>>
      %dma_start3A_79 = arith.constant 0 : i32
      %dma_start3A_80 = tpu.memref_slice %arg3[%mul3A_2, %dma_start3A_79] : memref<6400x128xi32, #tpu.memory_space<hbm>> -> memref<200x128xi32, #tpu.memory_space<hbm>>
      %dma_start3A_81 = arith.constant 0 : i32
      %dma_start3A_82 = tpu.memref_slice %arg3[%mul3A_2, %dma_start3A_81] : memref<6400x128xi32, #tpu.memory_space<hbm>> -> memref<200x128xi32, #tpu.memory_space<hbm>>
      tpu.enqueue_dma source(%dma_start3A_82 : memref<200x128xi32, #tpu.memory_space<hbm>>) target(%arg5 : memref<200x128xi32, #tpu.memory_space<vmem>>) target_semaphore(%run_scoped3A : memref<!tpu.dma_semaphore, #tpu.memory_space<semaphore_mem>>)
      %dma_wait3A_83 = arith.constant 0 : i32
      %dma_wait3A_84 = tpu.memref_slice %arg3[%mul3A_2, %dma_wait3A_83] : memref<6400x128xi32, #tpu.memory_space<hbm>> -> memref<200x128xi32, #tpu.memory_space<hbm>>
      %dma_wait3A_85 = arith.constant 0 : i32
      %dma_wait3A_86 = tpu.memref_slice %arg3[%mul3A_2, %dma_wait3A_85] : memref<6400x128xi32, #tpu.memory_space<hbm>> -> memref<200x128xi32, #tpu.memory_space<hbm>>
      tpu.wait_dma2 semaphore(%run_scoped3A : memref<!tpu.dma_semaphore, #tpu.memory_space<semaphore_mem>>) src(%dma_wait3A_86 : memref<200x128xi32, #tpu.memory_space<hbm>>) dst(%arg5 : memref<200x128xi32, #tpu.memory_space<vmem>>)
      tpu.yield
    }) : () -> ()
    %dma_start3A = arith.constant 0 : i32
    %dma_start3A_3 = arith.constant 0 : i32
    %dma_start3A_4 = arith.constant 0 : i32
    %dma_start3A_5 = arith.constant 0 : i32
    %dma_start3A_6 = arith.constant 0 : i32
    %dma_start3A_7 = tpu.memref_slice %arg6[%dma_start3A_3, %dma_start3A_5, %dma_start3A_6] : memref<4x128x128xf32, #tpu.memory_space<vmem>> -> memref<1x128x128xf32, #tpu.memory_space<vmem>>
    %dma_start3A_8 = tpu.memref_squeeze %dma_start3A_7 : memref<1x128x128xf32, #tpu.memory_space<vmem>> -> memref<128x128xf32, #tpu.memory_space<vmem>>
    %dma_start3A_9 = arith.constant 0 : i32
    %dma_start3A_10 = tpu.memref_slice %arg5[%dma_start3A, %dma_start3A_9] : memref<200x128xi32, #tpu.memory_space<vmem>> -> memref<1x128xi32, #tpu.memory_space<vmem>>
    %dma_start3A_11 = tpu.memref_squeeze %dma_start3A_10 : memref<1x128xi32, #tpu.memory_space<vmem>> -> memref<128xi32, #tpu.memory_space<vmem>>
    %dma_start3A_12 = arith.constant 0 : i32
    %dma_start3A_13 = arith.constant 0 : i32
    %dma_start3A_14 = tpu.memref_slice %arg2[%dma_start3A_12, %dma_start3A_13] : memref<100000x128xf32, #tpu.memory_space<hbm>> -> memref<100000x128xf32, #tpu.memory_space<hbm>>
    %dma_start3A_15 = tpu.memref_slice %arg8[%dma_start3A_4] : memref<4x!tpu.dma_semaphore, #tpu.memory_space<semaphore_mem>> -> memref<1x!tpu.dma_semaphore, #tpu.memory_space<semaphore_mem>>
    %dma_start3A_16 = tpu.memref_squeeze %dma_start3A_15 : memref<1x!tpu.dma_semaphore, #tpu.memory_space<semaphore_mem>> -> memref<!tpu.dma_semaphore, #tpu.memory_space<semaphore_mem>>
    tpu.enqueue_indirect_dma source(%dma_start3A_14 : memref<100000x128xf32, #tpu.memory_space<hbm>>) target(%dma_start3A_8 : memref<128x128xf32, #tpu.memory_space<vmem>>) offsets(%dma_start3A_11 : memref<128xi32, #tpu.memory_space<vmem>>) semaphore(%dma_start3A_16 : memref<!tpu.dma_semaphore, #tpu.memory_space<semaphore_mem>>)
    %dma_start3A_17 = arith.constant 1 : i32
    %dma_start3A_18 = arith.constant 1 : i32
    %dma_start3A_19 = arith.constant 1 : i32
    %dma_start3A_20 = arith.constant 0 : i32
    %dma_start3A_21 = arith.constant 0 : i32
    %dma_start3A_22 = tpu.memref_slice %arg6[%dma_start3A_18, %dma_start3A_20, %dma_start3A_21] : memref<4x128x128xf32, #tpu.memory_space<vmem>> -> memref<1x128x128xf32, #tpu.memory_space<vmem>>
    %dma_start3A_23 = tpu.memref_squeeze %dma_start3A_22 : memref<1x128x128xf32, #tpu.memory_space<vmem>> -> memref<128x128xf32, #tpu.memory_space<vmem>>
    %dma_start3A_24 = arith.constant 0 : i32
    %dma_start3A_25 = tpu.memref_slice %arg5[%dma_start3A_17, %dma_start3A_24] : memref<200x128xi32, #tpu.memory_space<vmem>> -> memref<1x128xi32, #tpu.memory_space<vmem>>
    %dma_start3A_26 = tpu.memref_squeeze %dma_start3A_25 : memref<1x128xi32, #tpu.memory_space<vmem>> -> memref<128xi32, #tpu.memory_space<vmem>>
    %dma_start3A_27 = arith.constant 0 : i32
    %dma_start3A_28 = arith.constant 0 : i32
    %dma_start3A_29 = tpu.memref_slice %arg2[%dma_start3A_27, %dma_start3A_28] : memref<100000x128xf32, #tpu.memory_space<hbm>> -> memref<100000x128xf32, #tpu.memory_space<hbm>>
    %dma_start3A_30 = tpu.memref_slice %arg8[%dma_start3A_19] : memref<4x!tpu.dma_semaphore, #tpu.memory_space<semaphore_mem>> -> memref<1x!tpu.dma_semaphore, #tpu.memory_space<semaphore_mem>>
    %dma_start3A_31 = tpu.memref_squeeze %dma_start3A_30 : memref<1x!tpu.dma_semaphore, #tpu.memory_space<semaphore_mem>> -> memref<!tpu.dma_semaphore, #tpu.memory_space<semaphore_mem>>
    tpu.enqueue_indirect_dma source(%dma_start3A_29 : memref<100000x128xf32, #tpu.memory_space<hbm>>) target(%dma_start3A_23 : memref<128x128xf32, #tpu.memory_space<vmem>>) offsets(%dma_start3A_26 : memref<128xi32, #tpu.memory_space<vmem>>) semaphore(%dma_start3A_31 : memref<!tpu.dma_semaphore, #tpu.memory_space<semaphore_mem>>)
    %scan3A = arith.constant 0 : i32
    %scan3A_32 = arith.constant 0 : i32
    %scan3A_33 = arith.constant 50 : i32
    %scan3A_34 = arith.addi %scan3A_32, %scan3A_33 : i32
    %scan3A_35 = arith.constant 1 : i32
    %scan3A_36 = scf.for %scan3A_79 = %scan3A_32 to %scan3A_34 step %scan3A_35 iter_args(%scan3A_80 = %scan3A) -> (i32)  : i32 {
      %mul3A_81 = arith.constant 4 : i32
      %mul3A_82 = arith.muli %scan3A_79, %mul3A_81 : i32
      %add3A_83 = arith.constant 0 : i32
      %add3A_84 = arith.addi %mul3A_82, %add3A_83 : i32
      %dma_wait3A_85 = arith.constant 0 : i32
      %dma_wait3A_86 = arith.constant 0 : i32
      %dma_wait3A_87 = arith.constant 0 : i32
      %dma_wait3A_88 = arith.constant 0 : i32
      %dma_wait3A_89 = tpu.memref_slice %arg6[%dma_wait3A_85, %dma_wait3A_87, %dma_wait3A_88] : memref<4x128x128xf32, #tpu.memory_space<vmem>> -> memref<1x128x128xf32, #tpu.memory_space<vmem>>
      %dma_wait3A_90 = tpu.memref_squeeze %dma_wait3A_89 : memref<1x128x128xf32, #tpu.memory_space<vmem>> -> memref<128x128xf32, #tpu.memory_space<vmem>>
      %dma_wait3A_91 = arith.constant 0 : i32
      %dma_wait3A_92 = arith.constant 0 : i32
      %dma_wait3A_93 = tpu.memref_slice %arg2[%dma_wait3A_91, %dma_wait3A_92] : memref<100000x128xf32, #tpu.memory_space<hbm>> -> memref<128x128xf32, #tpu.memory_space<hbm>>
      %dma_wait3A_94 = tpu.memref_slice %arg8[%dma_wait3A_86] : memref<4x!tpu.dma_semaphore, #tpu.memory_space<semaphore_mem>> -> memref<1x!tpu.dma_semaphore, #tpu.memory_space<semaphore_mem>>
      %dma_wait3A_95 = tpu.memref_squeeze %dma_wait3A_94 : memref<1x!tpu.dma_semaphore, #tpu.memory_space<semaphore_mem>> -> memref<!tpu.dma_semaphore, #tpu.memory_space<semaphore_mem>>
      %dma_wait3A_96 = arith.constant 0 : i32
      %dma_wait3A_97 = arith.constant 0 : i32
      %dma_wait3A_98 = tpu.memref_slice %arg6[%dma_wait3A_85, %dma_wait3A_96, %dma_wait3A_97] : memref<4x128x128xf32, #tpu.memory_space<vmem>> -> memref<1x128x128xf32, #tpu.memory_space<vmem>>
      %dma_wait3A_99 = tpu.memref_squeeze %dma_wait3A_98 : memref<1x128x128xf32, #tpu.memory_space<vmem>> -> memref<128x128xf32, #tpu.memory_space<vmem>>
      %dma_wait3A_100 = arith.constant 0 : i32
      %dma_wait3A_101 = arith.constant 0 : i32
      %dma_wait3A_102 = tpu.memref_slice %arg2[%dma_wait3A_100, %dma_wait3A_101] : memref<100000x128xf32, #tpu.memory_space<hbm>> -> memref<128x128xf32, #tpu.memory_space<hbm>>
      tpu.wait_dma2 semaphore(%dma_wait3A_95 : memref<!tpu.dma_semaphore, #tpu.memory_space<semaphore_mem>>) src(%dma_wait3A_102 : memref<128x128xf32, #tpu.memory_space<hbm>>) dst(%dma_wait3A_99 : memref<128x128xf32, #tpu.memory_space<vmem>>)
      %add3A_103 = arith.constant 2 : i32
      %add3A_104 = arith.addi %add3A_84, %add3A_103 : i32
      %lt3A = arith.constant 200 : i32
      %lt3A_105 = arith.cmpi slt, %add3A_104, %lt3A : i32
      %convert_element_type3A = arith.extui %lt3A_105 : i1 to i32
      %cond3A = arith.constant 0 : i32
      %cond3A_106 = arith.cmpi ne, %convert_element_type3A, %cond3A : i32
      scf.if %cond3A_106 {
        %dma_start3A_358 = arith.constant 2 : i32
        %dma_start3A_359 = arith.constant 2 : i32
        %dma_start3A_360 = arith.constant 0 : i32
        %dma_start3A_361 = arith.constant 0 : i32
        %dma_start3A_362 = tpu.memref_slice %arg6[%dma_start3A_358, %dma_start3A_360, %dma_start3A_361] : memref<4x128x128xf32, #tpu.memory_space<vmem>> -> memref<1x128x128xf32, #tpu.memory_space<vmem>>
        %dma_start3A_363 = tpu.memref_squeeze %dma_start3A_362 : memref<1x128x128xf32, #tpu.memory_space<vmem>> -> memref<128x128xf32, #tpu.memory_space<vmem>>
        %dma_start3A_364 = arith.constant 0 : i32
        %dma_start3A_365 = tpu.memref_slice %arg5[%add3A_104, %dma_start3A_364] : memref<200x128xi32, #tpu.memory_space<vmem>> -> memref<1x128xi32, #tpu.memory_space<vmem>>
        %dma_start3A_366 = tpu.memref_squeeze %dma_start3A_365 : memref<1x128xi32, #tpu.memory_space<vmem>> -> memref<128xi32, #tpu.memory_space<vmem>>
        %dma_start3A_367 = arith.constant 0 : i32
        %dma_start3A_368 = arith.constant 0 : i32
        %dma_start3A_369 = tpu.memref_slice %arg2[%dma_start3A_367, %dma_start3A_368] : memref<100000x128xf32, #tpu.memory_space<hbm>> -> memref<100000x128xf32, #tpu.memory_space<hbm>>
        %dma_start3A_370 = tpu.memref_slice %arg8[%dma_start3A_359] : memref<4x!tpu.dma_semaphore, #tpu.memory_space<semaphore_mem>> -> memref<1x!tpu.dma_semaphore, #tpu.memory_space<semaphore_mem>>
        %dma_start3A_371 = tpu.memref_squeeze %dma_start3A_370 : memref<1x!tpu.dma_semaphore, #tpu.memory_space<semaphore_mem>> -> memref<!tpu.dma_semaphore, #tpu.memory_space<semaphore_mem>>
        tpu.enqueue_indirect_dma source(%dma_start3A_369 : memref<100000x128xf32, #tpu.memory_space<hbm>>) target(%dma_start3A_363 : memref<128x128xf32, #tpu.memory_space<vmem>>) offsets(%dma_start3A_366 : memref<128xi32, #tpu.memory_space<vmem>>) semaphore(%dma_start3A_371 : memref<!tpu.dma_semaphore, #tpu.memory_space<semaphore_mem>>)
      } else {
      }
      %gt3A = arith.constant 0 : i32
      %gt3A_107 = arith.cmpi sgt, %scan3A_79, %gt3A : i32
      %convert_element_type3A_108 = arith.extui %gt3A_107 : i1 to i32
      %cond3A_109 = arith.constant 0 : i32
      %cond3A_110 = arith.cmpi ne, %convert_element_type3A_108, %cond3A_109 : i32
      scf.if %cond3A_110 {
        %dma_wait3A_358 = arith.constant 0 : i32
        %dma_wait3A_359 = arith.constant 0 : i32
        %dma_wait3A_360 = arith.constant 0 : i32
        %dma_wait3A_361 = arith.constant 0 : i32
        %dma_wait3A_362 = arith.constant 0 : i32
        %dma_wait3A_363 = tpu.memref_slice %arg7[%dma_wait3A_358, %dma_wait3A_361, %dma_wait3A_362] : memref<2x128x64xf32, #tpu.memory_space<vmem>> -> memref<1x128x64xf32, #tpu.memory_space<vmem>>
        %dma_wait3A_364 = tpu.memref_squeeze %dma_wait3A_363 : memref<1x128x64xf32, #tpu.memory_space<vmem>> -> memref<128x64xf32, #tpu.memory_space<vmem>>
        %dma_wait3A_365 = arith.constant 0 : i32
        %dma_wait3A_366 = arith.constant 0 : i32
        %dma_wait3A_367 = tpu.memref_slice %arg4[%dma_wait3A_359, %dma_wait3A_365, %dma_wait3A_366] : memref<6400x128x64xf32, #tpu.memory_space<hbm>> -> memref<1x128x64xf32, #tpu.memory_space<hbm>>
        %dma_wait3A_368 = tpu.memref_squeeze %dma_wait3A_367 : memref<1x128x64xf32, #tpu.memory_space<hbm>> -> memref<128x64xf32, #tpu.memory_space<hbm>>
        %dma_wait3A_369 = tpu.memref_slice %arg9[%dma_wait3A_360] : memref<2x!tpu.dma_semaphore, #tpu.memory_space<semaphore_mem>> -> memref<1x!tpu.dma_semaphore, #tpu.memory_space<semaphore_mem>>
        %dma_wait3A_370 = tpu.memref_squeeze %dma_wait3A_369 : memref<1x!tpu.dma_semaphore, #tpu.memory_space<semaphore_mem>> -> memref<!tpu.dma_semaphore, #tpu.memory_space<semaphore_mem>>
        %dma_wait3A_371 = arith.constant 0 : i32
        %dma_wait3A_372 = arith.constant 0 : i32
        %dma_wait3A_373 = tpu.memref_slice %arg4[%dma_wait3A_359, %dma_wait3A_371, %dma_wait3A_372] : memref<6400x128x64xf32, #tpu.memory_space<hbm>> -> memref<1x128x64xf32, #tpu.memory_space<hbm>>
        %dma_wait3A_374 = tpu.memref_squeeze %dma_wait3A_373 : memref<1x128x64xf32, #tpu.memory_space<hbm>> -> memref<128x64xf32, #tpu.memory_space<hbm>>
        %dma_wait3A_375 = arith.constant 0 : i32
        %dma_wait3A_376 = arith.constant 0 : i32
        %dma_wait3A_377 = tpu.memref_slice %arg7[%dma_wait3A_358, %dma_wait3A_375, %dma_wait3A_376] : memref<2x128x64xf32, #tpu.memory_space<vmem>> -> memref<1x128x64xf32, #tpu.memory_space<vmem>>
        %dma_wait3A_378 = tpu.memref_squeeze %dma_wait3A_377 : memref<1x128x64xf32, #tpu.memory_space<vmem>> -> memref<128x64xf32, #tpu.memory_space<vmem>>
        tpu.wait_dma2 semaphore(%dma_wait3A_370 : memref<!tpu.dma_semaphore, #tpu.memory_space<semaphore_mem>>) src(%dma_wait3A_378 : memref<128x64xf32, #tpu.memory_space<vmem>>) dst(%dma_wait3A_374 : memref<128x64xf32, #tpu.memory_space<hbm>>)
      } else {
      }
      %scan3A_111 = arith.constant 0 : i32
      %scan3A_112 = arith.constant 0 : i32
      %scan3A_113 = arith.constant 128 : i32
      %scan3A_114 = arith.addi %scan3A_112, %scan3A_113 : i32
      %scan3A_115 = arith.constant 4 : i32
      %scan3A_116 = scf.for %scan3A_358 = %scan3A_112 to %scan3A_114 step %scan3A_115 iter_args(%scan3A_359 = %scan3A_111) -> (i32)  : i32 {
        %get3A = arith.constant 0 : i32
        %get3A_360 = arith.index_cast %get3A : i32 to index
        %get3A_361 = arith.index_cast %scan3A_358 : i32 to index
        %get3A_362 = arith.constant 0 : index
        %get3A_363 = tpu.vector_load %arg6[%get3A_360, %get3A_361, %get3A_362] {strides = array<i32>} : memref<4x128x128xf32, #tpu.memory_space<vmem>>, vector<1x1x16xf32>,
        %get3A_364 = vector.shape_cast %get3A_363 : vector<1x1x16xf32> to vector<16xf32>
        %swap3A = arith.constant 0 : i32
        %swap3A_365 = arith.index_cast %swap3A : i32 to index
        %swap3A_366 = arith.index_cast %scan3A_358 : i32 to index
        %swap3A_367 = arith.constant 0 : index
        %swap3A_368 = tpu.vector_load %arg7[%swap3A_365, %swap3A_366, %swap3A_367] {strides = array<i32>} : memref<2x128x64xf32, #tpu.memory_space<vmem>>, vector<1x1x16xf32>,
        %swap3A_369 = vector.shape_cast %swap3A_368 : vector<1x1x16xf32> to vector<16xf32>
        %swap3A_370 = vector.shape_cast %get3A_364 : vector<16xf32> to vector<1x1x16xf32>
        tpu.vector_store %arg7[%swap3A_365, %swap3A_366, %swap3A_367], %swap3A_370 {strides = array<i32>} : memref<2x128x64xf32, #tpu.memory_space<vmem>>, vector<1x1x16xf32>,
        %get3A_371 = arith.constant 0 : i32
        %get3A_372 = arith.index_cast %get3A_371 : i32 to index
        %get3A_373 = arith.index_cast %scan3A_358 : i32 to index
        %get3A_374 = arith.constant 16 : index
        %get3A_375 = tpu.vector_load %arg6[%get3A_372, %get3A_373, %get3A_374] {strides = array<i32>} : memref<4x128x128xf32, #tpu.memory_space<vmem>>, vector<1x1x16xf32>,
        %get3A_376 = vector.shape_cast %get3A_375 : vector<1x1x16xf32> to vector<16xf32>
        %swap3A_377 = arith.constant 0 : i32
        %swap3A_378 = arith.index_cast %swap3A_377 : i32 to index
        %swap3A_379 = arith.index_cast %scan3A_358 : i32 to index
        %swap3A_380 = arith.constant 16 : index
        %swap3A_381 = tpu.vector_load %arg7[%swap3A_378, %swap3A_379, %swap3A_380] {strides = array<i32>} : memref<2x128x64xf32, #tpu.memory_space<vmem>>, vector<1x1x16xf32>,
        %swap3A_382 = vector.shape_cast %swap3A_381 : vector<1x1x16xf32> to vector<16xf32>
        %swap3A_383 = vector.shape_cast %get3A_376 : vector<16xf32> to vector<1x1x16xf32>
        tpu.vector_store %arg7[%swap3A_378, %swap3A_379, %swap3A_380], %swap3A_383 {strides = array<i32>} : memref<2x128x64xf32, #tpu.memory_space<vmem>>, vector<1x1x16xf32>,
        %get3A_384 = arith.constant 0 : i32
        %get3A_385 = arith.index_cast %get3A_384 : i32 to index
        %get3A_386 = arith.index_cast %scan3A_358 : i32 to index
        %get3A_387 = arith.constant 32 : index
        %get3A_388 = tpu.vector_load %arg6[%get3A_385, %get3A_386, %get3A_387] {strides = array<i32>} : memref<4x128x128xf32, #tpu.memory_space<vmem>>, vector<1x1x16xf32>,
        %get3A_389 = vector.shape_cast %get3A_388 : vector<1x1x16xf32> to vector<16xf32>
        %swap3A_390 = arith.constant 0 : i32
        %swap3A_391 = arith.index_cast %swap3A_390 : i32 to index
        %swap3A_392 = arith.index_cast %scan3A_358 : i32 to index
        %swap3A_393 = arith.constant 32 : index
        %swap3A_394 = tpu.vector_load %arg7[%swap3A_391, %swap3A_392, %swap3A_393] {strides = array<i32>} : memref<2x128x64xf32, #tpu.memory_space<vmem>>, vector<1x1x16xf32>,
        %swap3A_395 = vector.shape_cast %swap3A_394 : vector<1x1x16xf32> to vector<16xf32>
        %swap3A_396 = vector.shape_cast %get3A_389 : vector<16xf32> to vector<1x1x16xf32>
        tpu.vector_store %arg7[%swap3A_391, %swap3A_392, %swap3A_393], %swap3A_396 {strides = array<i32>} : memref<2x128x64xf32, #tpu.memory_space<vmem>>, vector<1x1x16xf32>,
        %get3A_397 = arith.constant 0 : i32
        %get3A_398 = arith.index_cast %get3A_397 : i32 to index
        %get3A_399 = arith.index_cast %scan3A_358 : i32 to index
        %get3A_400 = arith.constant 48 : index
        %get3A_401 = tpu.vector_load %arg6[%get3A_398, %get3A_399, %get3A_400] {strides = array<i32>} : memref<4x128x128xf32, #tpu.memory_space<vmem>>, vector<1x1x16xf32>,
        %get3A_402 = vector.shape_cast %get3A_401 : vector<1x1x16xf32> to vector<16xf32>
        %swap3A_403 = arith.constant 0 : i32
        %swap3A_404 = arith.index_cast %swap3A_403 : i32 to index
        %swap3A_405 = arith.index_cast %scan3A_358 : i32 to index
        %swap3A_406 = arith.constant 48 : index
        %swap3A_407 = tpu.vector_load %arg7[%swap3A_404, %swap3A_405, %swap3A_406] {strides = array<i32>} : memref<2x128x64xf32, #tpu.memory_space<vmem>>, vector<1x1x16xf32>,
        %swap3A_408 = vector.shape_cast %swap3A_407 : vector<1x1x16xf32> to vector<16xf32>
        %swap3A_409 = vector.shape_cast %get3A_402 : vector<16xf32> to vector<1x1x16xf32>
        tpu.vector_store %arg7[%swap3A_404, %swap3A_405, %swap3A_406], %swap3A_409 {strides = array<i32>} : memref<2x128x64xf32, #tpu.memory_space<vmem>>, vector<1x1x16xf32>,
        %scan3A_410 = arith.constant 0 : i32
        %scan3A_411 = arith.constant 1 : i32
        %scan3A_412 = arith.addi %scan3A_358, %scan3A_411 : i32
        %get3A_413 = arith.constant 0 : i32
        %get3A_414 = arith.index_cast %get3A_413 : i32 to index
        %get3A_415 = arith.index_cast %scan3A_412 : i32 to index
        %get3A_416 = arith.constant 0 : index
        %get3A_417 = tpu.vector_load %arg6[%get3A_414, %get3A_415, %get3A_416] {strides = array<i32>} : memref<4x128x128xf32, #tpu.memory_space<vmem>>, vector<1x1x16xf32>,
        %get3A_418 = vector.shape_cast %get3A_417 : vector<1x1x16xf32> to vector<16xf32>
        %swap3A_419 = arith.constant 0 : i32
        %swap3A_420 = arith.index_cast %swap3A_419 : i32 to index
        %swap3A_421 = arith.index_cast %scan3A_412 : i32 to index
        %swap3A_422 = arith.constant 0 : index
        %swap3A_423 = tpu.vector_load %arg7[%swap3A_420, %swap3A_421, %swap3A_422] {strides = array<i32>} : memref<2x128x64xf32, #tpu.memory_space<vmem>>, vector<1x1x16xf32>,
        %swap3A_424 = vector.shape_cast %swap3A_423 : vector<1x1x16xf32> to vector<16xf32>
        %swap3A_425 = vector.shape_cast %get3A_418 : vector<16xf32> to vector<1x1x16xf32>
        tpu.vector_store %arg7[%swap3A_420, %swap3A_421, %swap3A_422], %swap3A_425 {strides = array<i32>} : memref<2x128x64xf32, #tpu.memory_space<vmem>>, vector<1x1x16xf32>,
        %get3A_426 = arith.constant 0 : i32
        %get3A_427 = arith.index_cast %get3A_426 : i32 to index
        %get3A_428 = arith.index_cast %scan3A_412 : i32 to index
        %get3A_429 = arith.constant 16 : index
        %get3A_430 = tpu.vector_load %arg6[%get3A_427, %get3A_428, %get3A_429] {strides = array<i32>} : memref<4x128x128xf32, #tpu.memory_space<vmem>>, vector<1x1x16xf32>,
        %get3A_431 = vector.shape_cast %get3A_430 : vector<1x1x16xf32> to vector<16xf32>
        %swap3A_432 = arith.constant 0 : i32
        %swap3A_433 = arith.index_cast %swap3A_432 : i32 to index
        %swap3A_434 = arith.index_cast %scan3A_412 : i32 to index
        %swap3A_435 = arith.constant 16 : index
        %swap3A_436 = tpu.vector_load %arg7[%swap3A_433, %swap3A_434, %swap3A_435] {strides = array<i32>} : memref<2x128x64xf32, #tpu.memory_space<vmem>>, vector<1x1x16xf32>,
        %swap3A_437 = vector.shape_cast %swap3A_436 : vector<1x1x16xf32> to vector<16xf32>
        %swap3A_438 = vector.shape_cast %get3A_431 : vector<16xf32> to vector<1x1x16xf32>
        tpu.vector_store %arg7[%swap3A_433, %swap3A_434, %swap3A_435], %swap3A_438 {strides = array<i32>} : memref<2x128x64xf32, #tpu.memory_space<vmem>>, vector<1x1x16xf32>,
        %get3A_439 = arith.constant 0 : i32
        %get3A_440 = arith.index_cast %get3A_439 : i32 to index
        %get3A_441 = arith.index_cast %scan3A_412 : i32 to index
        %get3A_442 = arith.constant 32 : index
        %get3A_443 = tpu.vector_load %arg6[%get3A_440, %get3A_441, %get3A_442] {strides = array<i32>} : memref<4x128x128xf32, #tpu.memory_space<vmem>>, vector<1x1x16xf32>,
        %get3A_444 = vector.shape_cast %get3A_443 : vector<1x1x16xf32> to vector<16xf32>
        %swap3A_445 = arith.constant 0 : i32
        %swap3A_446 = arith.index_cast %swap3A_445 : i32 to index
        %swap3A_447 = arith.index_cast %scan3A_412 : i32 to index
        %swap3A_448 = arith.constant 32 : index
        %swap3A_449 = tpu.vector_load %arg7[%swap3A_446, %swap3A_447, %swap3A_448] {strides = array<i32>} : memref<2x128x64xf32, #tpu.memory_space<vmem>>, vector<1x1x16xf32>,
        %swap3A_450 = vector.shape_cast %swap3A_449 : vector<1x1x16xf32> to vector<16xf32>
        %swap3A_451 = vector.shape_cast %get3A_444 : vector<16xf32> to vector<1x1x16xf32>
        tpu.vector_store %arg7[%swap3A_446, %swap3A_447, %swap3A_448], %swap3A_451 {strides = array<i32>} : memref<2x128x64xf32, #tpu.memory_space<vmem>>, vector<1x1x16xf32>,
        %get3A_452 = arith.constant 0 : i32
        %get3A_453 = arith.index_cast %get3A_452 : i32 to index
        %get3A_454 = arith.index_cast %scan3A_412 : i32 to index
        %get3A_455 = arith.constant 48 : index
        %get3A_456 = tpu.vector_load %arg6[%get3A_453, %get3A_454, %get3A_455] {strides = array<i32>} : memref<4x128x128xf32, #tpu.memory_space<vmem>>, vector<1x1x16xf32>,
        %get3A_457 = vector.shape_cast %get3A_456 : vector<1x1x16xf32> to vector<16xf32>
        %swap3A_458 = arith.constant 0 : i32
        %swap3A_459 = arith.index_cast %swap3A_458 : i32 to index
        %swap3A_460 = arith.index_cast %scan3A_412 : i32 to index
        %swap3A_461 = arith.constant 48 : index
        %swap3A_462 = tpu.vector_load %arg7[%swap3A_459, %swap3A_460, %swap3A_461] {strides = array<i32>} : memref<2x128x64xf32, #tpu.memory_space<vmem>>, vector<1x1x16xf32>,
        %swap3A_463 = vector.shape_cast %swap3A_462 : vector<1x1x16xf32> to vector<16xf32>
        %swap3A_464 = vector.shape_cast %get3A_457 : vector<16xf32> to vector<1x1x16xf32>
        tpu.vector_store %arg7[%swap3A_459, %swap3A_460, %swap3A_461], %swap3A_464 {strides = array<i32>} : memref<2x128x64xf32, #tpu.memory_space<vmem>>, vector<1x1x16xf32>,
        %scan3A_465 = arith.constant 0 : i32
        %scan3A_466 = arith.constant 2 : i32
        %scan3A_467 = arith.addi %scan3A_358, %scan3A_466 : i32
        %get3A_468 = arith.constant 0 : i32
        %get3A_469 = arith.index_cast %get3A_468 : i32 to index
        %get3A_470 = arith.index_cast %scan3A_467 : i32 to index
        %get3A_471 = arith.constant 0 : index
        %get3A_472 = tpu.vector_load %arg6[%get3A_469, %get3A_470, %get3A_471] {strides = array<i32>} : memref<4x128x128xf32, #tpu.memory_space<vmem>>, vector<1x1x16xf32>,
        %get3A_473 = vector.shape_cast %get3A_472 : vector<1x1x16xf32> to vector<16xf32>
        %swap3A_474 = arith.constant 0 : i32
        %swap3A_475 = arith.index_cast %swap3A_474 : i32 to index
        %swap3A_476 = arith.index_cast %scan3A_467 : i32 to index
        %swap3A_477 = arith.constant 0 : index
        %swap3A_478 = tpu.vector_load %arg7[%swap3A_475, %swap3A_476, %swap3A_477] {strides = array<i32>} : memref<2x128x64xf32, #tpu.memory_space<vmem>>, vector<1x1x16xf32>,
        %swap3A_479 = vector.shape_cast %swap3A_478 : vector<1x1x16xf32> to vector<16xf32>
        %swap3A_480 = vector.shape_cast %get3A_473 : vector<16xf32> to vector<1x1x16xf32>
        tpu.vector_store %arg7[%swap3A_475, %swap3A_476, %swap3A_477], %swap3A_480 {strides = array<i32>} : memref<2x128x64xf32, #tpu.memory_space<vmem>>, vector<1x1x16xf32>,
        %get3A_481 = arith.constant 0 : i32
        %get3A_482 = arith.index_cast %get3A_481 : i32 to index
        %get3A_483 = arith.index_cast %scan3A_467 : i32 to index
        %get3A_484 = arith.constant 16 : index
        %get3A_485 = tpu.vector_load %arg6[%get3A_482, %get3A_483, %get3A_484] {strides = array<i32>} : memref<4x128x128xf32, #tpu.memory_space<vmem>>, vector<1x1x16xf32>,
        %get3A_486 = vector.shape_cast %get3A_485 : vector<1x1x16xf32> to vector<16xf32>
        %swap3A_487 = arith.constant 0 : i32
        %swap3A_488 = arith.index_cast %swap3A_487 : i32 to index
        %swap3A_489 = arith.index_cast %scan3A_467 : i32 to index
        %swap3A_490 = arith.constant 16 : index
        %swap3A_491 = tpu.vector_load %arg7[%swap3A_488, %swap3A_489, %swap3A_490] {strides = array<i32>} : memref<2x128x64xf32, #tpu.memory_space<vmem>>, vector<1x1x16xf32>,
        %swap3A_492 = vector.shape_cast %swap3A_491 : vector<1x1x16xf32> to vector<16xf32>
        %swap3A_493 = vector.shape_cast %get3A_486 : vector<16xf32> to vector<1x1x16xf32>
        tpu.vector_store %arg7[%swap3A_488, %swap3A_489, %swap3A_490], %swap3A_493 {strides = array<i32>} : memref<2x128x64xf32, #tpu.memory_space<vmem>>, vector<1x1x16xf32>,
        %get3A_494 = arith.constant 0 : i32
        %get3A_495 = arith.index_cast %get3A_494 : i32 to index
        %get3A_496 = arith.index_cast %scan3A_467 : i32 to index
        %get3A_497 = arith.constant 32 : index
        %get3A_498 = tpu.vector_load %arg6[%get3A_495, %get3A_496, %get3A_497] {strides = array<i32>} : memref<4x128x128xf32, #tpu.memory_space<vmem>>, vector<1x1x16xf32>,
        %get3A_499 = vector.shape_cast %get3A_498 : vector<1x1x16xf32> to vector<16xf32>
        %swap3A_500 = arith.constant 0 : i32
        %swap3A_501 = arith.index_cast %swap3A_500 : i32 to index
        %swap3A_502 = arith.index_cast %scan3A_467 : i32 to index
        %swap3A_503 = arith.constant 32 : index
        %swap3A_504 = tpu.vector_load %arg7[%swap3A_501, %swap3A_502, %swap3A_503] {strides = array<i32>} : memref<2x128x64xf32, #tpu.memory_space<vmem>>, vector<1x1x16xf32>,
        %swap3A_505 = vector.shape_cast %swap3A_504 : vector<1x1x16xf32> to vector<16xf32>
        %swap3A_506 = vector.shape_cast %get3A_499 : vector<16xf32> to vector<1x1x16xf32>
        tpu.vector_store %arg7[%swap3A_501, %swap3A_502, %swap3A_503], %swap3A_506 {strides = array<i32>} : memref<2x128x64xf32, #tpu.memory_space<vmem>>, vector<1x1x16xf32>,
        %get3A_507 = arith.constant 0 : i32
        %get3A_508 = arith.index_cast %get3A_507 : i32 to index
        %get3A_509 = arith.index_cast %scan3A_467 : i32 to index
        %get3A_510 = arith.constant 48 : index
        %get3A_511 = tpu.vector_load %arg6[%get3A_508, %get3A_509, %get3A_510] {strides = array<i32>} : memref<4x128x128xf32, #tpu.memory_space<vmem>>, vector<1x1x16xf32>,
        %get3A_512 = vector.shape_cast %get3A_511 : vector<1x1x16xf32> to vector<16xf32>
        %swap3A_513 = arith.constant 0 : i32
        %swap3A_514 = arith.index_cast %swap3A_513 : i32 to index
        %swap3A_515 = arith.index_cast %scan3A_467 : i32 to index
        %swap3A_516 = arith.constant 48 : index
        %swap3A_517 = tpu.vector_load %arg7[%swap3A_514, %swap3A_515, %swap3A_516] {strides = array<i32>} : memref<2x128x64xf32, #tpu.memory_space<vmem>>, vector<1x1x16xf32>,
        %swap3A_518 = vector.shape_cast %swap3A_517 : vector<1x1x16xf32> to vector<16xf32>
        %swap3A_519 = vector.shape_cast %get3A_512 : vector<16xf32> to vector<1x1x16xf32>
        tpu.vector_store %arg7[%swap3A_514, %swap3A_515, %swap3A_516], %swap3A_519 {strides = array<i32>} : memref<2x128x64xf32, #tpu.memory_space<vmem>>, vector<1x1x16xf32>,
        %scan3A_520 = arith.constant 0 : i32
        %scan3A_521 = arith.constant 3 : i32
        %scan3A_522 = arith.addi %scan3A_358, %scan3A_521 : i32
        %get3A_523 = arith.constant 0 : i32
        %get3A_524 = arith.index_cast %get3A_523 : i32 to index
        %get3A_525 = arith.index_cast %scan3A_522 : i32 to index
        %get3A_526 = arith.constant 0 : index
        %get3A_527 = tpu.vector_load %arg6[%get3A_524, %get3A_525, %get3A_526] {strides = array<i32>} : memref<4x128x128xf32, #tpu.memory_space<vmem>>, vector<1x1x16xf32>,
        %get3A_528 = vector.shape_cast %get3A_527 : vector<1x1x16xf32> to vector<16xf32>
        %swap3A_529 = arith.constant 0 : i32
        %swap3A_530 = arith.index_cast %swap3A_529 : i32 to index
        %swap3A_531 = arith.index_cast %scan3A_522 : i32 to index
        %swap3A_532 = arith.constant 0 : index
        %swap3A_533 = tpu.vector_load %arg7[%swap3A_530, %swap3A_531, %swap3A_532] {strides = array<i32>} : memref<2x128x64xf32, #tpu.memory_space<vmem>>, vector<1x1x16xf32>,
        %swap3A_534 = vector.shape_cast %swap3A_533 : vector<1x1x16xf32> to vector<16xf32>
        %swap3A_535 = vector.shape_cast %get3A_528 : vector<16xf32> to vector<1x1x16xf32>
        tpu.vector_store %arg7[%swap3A_530, %swap3A_531, %swap3A_532], %swap3A_535 {strides = array<i32>} : memref<2x128x64xf32, #tpu.memory_space<vmem>>, vector<1x1x16xf32>,
        %get3A_536 = arith.constant 0 : i32
        %get3A_537 = arith.index_cast %get3A_536 : i32 to index
        %get3A_538 = arith.index_cast %scan3A_522 : i32 to index
        %get3A_539 = arith.constant 16 : index
        %get3A_540 = tpu.vector_load %arg6[%get3A_537, %get3A_538, %get3A_539] {strides = array<i32>} : memref<4x128x128xf32, #tpu.memory_space<vmem>>, vector<1x1x16xf32>,
        %get3A_541 = vector.shape_cast %get3A_540 : vector<1x1x16xf32> to vector<16xf32>
        %swap3A_542 = arith.constant 0 : i32
        %swap3A_543 = arith.index_cast %swap3A_542 : i32 to index
        %swap3A_544 = arith.index_cast %scan3A_522 : i32 to index
        %swap3A_545 = arith.constant 16 : index
        %swap3A_546 = tpu.vector_load %arg7[%swap3A_543, %swap3A_544, %swap3A_545] {strides = array<i32>} : memref<2x128x64xf32, #tpu.memory_space<vmem>>, vector<1x1x16xf32>,
        %swap3A_547 = vector.shape_cast %swap3A_546 : vector<1x1x16xf32> to vector<16xf32>
        %swap3A_548 = vector.shape_cast %get3A_541 : vector<16xf32> to vector<1x1x16xf32>
        tpu.vector_store %arg7[%swap3A_543, %swap3A_544, %swap3A_545], %swap3A_548 {strides = array<i32>} : memref<2x128x64xf32, #tpu.memory_space<vmem>>, vector<1x1x16xf32>,
        %get3A_549 = arith.constant 0 : i32
        %get3A_550 = arith.index_cast %get3A_549 : i32 to index
        %get3A_551 = arith.index_cast %scan3A_522 : i32 to index
        %get3A_552 = arith.constant 32 : index
        %get3A_553 = tpu.vector_load %arg6[%get3A_550, %get3A_551, %get3A_552] {strides = array<i32>} : memref<4x128x128xf32, #tpu.memory_space<vmem>>, vector<1x1x16xf32>,
        %get3A_554 = vector.shape_cast %get3A_553 : vector<1x1x16xf32> to vector<16xf32>
        %swap3A_555 = arith.constant 0 : i32
        %swap3A_556 = arith.index_cast %swap3A_555 : i32 to index
        %swap3A_557 = arith.index_cast %scan3A_522 : i32 to index
        %swap3A_558 = arith.constant 32 : index
        %swap3A_559 = tpu.vector_load %arg7[%swap3A_556, %swap3A_557, %swap3A_558] {strides = array<i32>} : memref<2x128x64xf32, #tpu.memory_space<vmem>>, vector<1x1x16xf32>,
        %swap3A_560 = vector.shape_cast %swap3A_559 : vector<1x1x16xf32> to vector<16xf32>
        %swap3A_561 = vector.shape_cast %get3A_554 : vector<16xf32> to vector<1x1x16xf32>
        tpu.vector_store %arg7[%swap3A_556, %swap3A_557, %swap3A_558], %swap3A_561 {strides = array<i32>} : memref<2x128x64xf32, #tpu.memory_space<vmem>>, vector<1x1x16xf32>,
        %get3A_562 = arith.constant 0 : i32
        %get3A_563 = arith.index_cast %get3A_562 : i32 to index
        %get3A_564 = arith.index_cast %scan3A_522 : i32 to index
        %get3A_565 = arith.constant 48 : index
        %get3A_566 = tpu.vector_load %arg6[%get3A_563, %get3A_564, %get3A_565] {strides = array<i32>} : memref<4x128x128xf32, #tpu.memory_space<vmem>>, vector<1x1x16xf32>,
        %get3A_567 = vector.shape_cast %get3A_566 : vector<1x1x16xf32> to vector<16xf32>
        %swap3A_568 = arith.constant 0 : i32
        %swap3A_569 = arith.index_cast %swap3A_568 : i32 to index
        %swap3A_570 = arith.index_cast %scan3A_522 : i32 to index
        %swap3A_571 = arith.constant 48 : index
        %swap3A_572 = tpu.vector_load %arg7[%swap3A_569, %swap3A_570, %swap3A_571] {strides = array<i32>} : memref<2x128x64xf32, #tpu.memory_space<vmem>>, vector<1x1x16xf32>,
        %swap3A_573 = vector.shape_cast %swap3A_572 : vector<1x1x16xf32> to vector<16xf32>
        %swap3A_574 = vector.shape_cast %get3A_567 : vector<16xf32> to vector<1x1x16xf32>
        tpu.vector_store %arg7[%swap3A_569, %swap3A_570, %swap3A_571], %swap3A_574 {strides = array<i32>} : memref<2x128x64xf32, #tpu.memory_space<vmem>>, vector<1x1x16xf32>,
        %scan3A_575 = arith.constant 0 : i32
        scf.yield %scan3A_575 : i32
      }
      %scan3A_117 = arith.constant 128 : i32
      %add3A_118 = arith.addi %mul3A_2, %add3A_84 : i32
      %dma_start3A_119 = arith.constant 0 : i32
      %dma_start3A_120 = arith.constant 0 : i32
      %dma_start3A_121 = arith.constant 0 : i32
      %dma_start3A_122 = arith.constant 0 : i32
      %dma_start3A_123 = tpu.memref_slice %arg7[%dma_start3A_119, %dma_start3A_121, %dma_start3A_122] : memref<2x128x64xf32, #tpu.memory_space<vmem>> -> memref<1x128x64xf32, #tpu.memory_space<vmem>>
      %dma_start3A_124 = tpu.memref_squeeze %dma_start3A_123 : memref<1x128x64xf32, #tpu.memory_space<vmem>> -> memref<128x64xf32, #tpu.memory_space<vmem>>
      %dma_start3A_125 = arith.constant 0 : i32
      %dma_start3A_126 = arith.constant 0 : i32
      %dma_start3A_127 = tpu.memref_slice %arg4[%add3A_118, %dma_start3A_125, %dma_start3A_126] : memref<6400x128x64xf32, #tpu.memory_space<hbm>> -> memref<1x128x64xf32, #tpu.memory_space<hbm>>
      %dma_start3A_128 = tpu.memref_squeeze %dma_start3A_127 : memref<1x128x64xf32, #tpu.memory_space<hbm>> -> memref<128x64xf32, #tpu.memory_space<hbm>>
      %dma_start3A_129 = tpu.memref_slice %arg9[%dma_start3A_120] : memref<2x!tpu.dma_semaphore, #tpu.memory_space<semaphore_mem>> -> memref<1x!tpu.dma_semaphore, #tpu.memory_space<semaphore_mem>>
      %dma_start3A_130 = tpu.memref_squeeze %dma_start3A_129 : memref<1x!tpu.dma_semaphore, #tpu.memory_space<semaphore_mem>> -> memref<!tpu.dma_semaphore, #tpu.memory_space<semaphore_mem>>
      %dma_start3A_131 = arith.constant 0 : i32
      %dma_start3A_132 = arith.constant 0 : i32
      %dma_start3A_133 = tpu.memref_slice %arg4[%add3A_118, %dma_start3A_131, %dma_start3A_132] : memref<6400x128x64xf32, #tpu.memory_space<hbm>> -> memref<1x128x64xf32, #tpu.memory_space<hbm>>
      %dma_start3A_134 = tpu.memref_squeeze %dma_start3A_133 : memref<1x128x64xf32, #tpu.memory_space<hbm>> -> memref<128x64xf32, #tpu.memory_space<hbm>>
      %dma_start3A_135 = arith.constant 0 : i32
      %dma_start3A_136 = arith.constant 0 : i32
      %dma_start3A_137 = tpu.memref_slice %arg7[%dma_start3A_119, %dma_start3A_135, %dma_start3A_136] : memref<2x128x64xf32, #tpu.memory_space<vmem>> -> memref<1x128x64xf32, #tpu.memory_space<vmem>>
      %dma_start3A_138 = tpu.memref_squeeze %dma_start3A_137 : memref<1x128x64xf32, #tpu.memory_space<vmem>> -> memref<128x64xf32, #tpu.memory_space<vmem>>
      tpu.enqueue_dma source(%dma_start3A_138 : memref<128x64xf32, #tpu.memory_space<vmem>>) target(%dma_start3A_134 : memref<128x64xf32, #tpu.memory_space<hbm>>) target_semaphore(%dma_start3A_130 : memref<!tpu.dma_semaphore, #tpu.memory_space<semaphore_mem>>)
      %mul3A_139 = arith.constant 4 : i32
      %mul3A_140 = arith.muli %scan3A_79, %mul3A_139 : i32
      %add3A_141 = arith.constant 1 : i32
      %add3A_142 = arith.addi %mul3A_140, %add3A_141 : i32
      %dma_wait3A_143 = arith.constant 1 : i32
      %dma_wait3A_144 = arith.constant 1 : i32
      %dma_wait3A_145 = arith.constant 0 : i32
      %dma_wait3A_146 = arith.constant 0 : i32
      %dma_wait3A_147 = tpu.memref_slice %arg6[%dma_wait3A_143, %dma_wait3A_145, %dma_wait3A_146] : memref<4x128x128xf32, #tpu.memory_space<vmem>> -> memref<1x128x128xf32, #tpu.memory_space<vmem>>
      %dma_wait3A_148 = tpu.memref_squeeze %dma_wait3A_147 : memref<1x128x128xf32, #tpu.memory_space<vmem>> -> memref<128x128xf32, #tpu.memory_space<vmem>>
      %dma_wait3A_149 = arith.constant 0 : i32
      %dma_wait3A_150 = arith.constant 0 : i32
      %dma_wait3A_151 = tpu.memref_slice %arg2[%dma_wait3A_149, %dma_wait3A_150] : memref<100000x128xf32, #tpu.memory_space<hbm>> -> memref<128x128xf32, #tpu.memory_space<hbm>>
      %dma_wait3A_152 = tpu.memref_slice %arg8[%dma_wait3A_144] : memref<4x!tpu.dma_semaphore, #tpu.memory_space<semaphore_mem>> -> memref<1x!tpu.dma_semaphore, #tpu.memory_space<semaphore_mem>>
      %dma_wait3A_153 = tpu.memref_squeeze %dma_wait3A_152 : memref<1x!tpu.dma_semaphore, #tpu.memory_space<semaphore_mem>> -> memref<!tpu.dma_semaphore, #tpu.memory_space<semaphore_mem>>
      %dma_wait3A_154 = arith.constant 0 : i32
      %dma_wait3A_155 = arith.constant 0 : i32
      %dma_wait3A_156 = tpu.memref_slice %arg6[%dma_wait3A_143, %dma_wait3A_154, %dma_wait3A_155] : memref<4x128x128xf32, #tpu.memory_space<vmem>> -> memref<1x128x128xf32, #tpu.memory_space<vmem>>
      %dma_wait3A_157 = tpu.memref_squeeze %dma_wait3A_156 : memref<1x128x128xf32, #tpu.memory_space<vmem>> -> memref<128x128xf32, #tpu.memory_space<vmem>>
      %dma_wait3A_158 = arith.constant 0 : i32
      %dma_wait3A_159 = arith.constant 0 : i32
      %dma_wait3A_160 = tpu.memref_slice %arg2[%dma_wait3A_158, %dma_wait3A_159] : memref<100000x128xf32, #tpu.memory_space<hbm>> -> memref<128x128xf32, #tpu.memory_space<hbm>>
      tpu.wait_dma2 semaphore(%dma_wait3A_153 : memref<!tpu.dma_semaphore, #tpu.memory_space<semaphore_mem>>) src(%dma_wait3A_160 : memref<128x128xf32, #tpu.memory_space<hbm>>) dst(%dma_wait3A_157 : memref<128x128xf32, #tpu.memory_space<vmem>>)
      %add3A_161 = arith.constant 2 : i32
      %add3A_162 = arith.addi %add3A_142, %add3A_161 : i32
      %lt3A_163 = arith.constant 200 : i32
      %lt3A_164 = arith.cmpi slt, %add3A_162, %lt3A_163 : i32
      %convert_element_type3A_165 = arith.extui %lt3A_164 : i1 to i32
      %cond3A_166 = arith.constant 0 : i32
      %cond3A_167 = arith.cmpi ne, %convert_element_type3A_165, %cond3A_166 : i32
      scf.if %cond3A_167 {
        %dma_start3A_358 = arith.constant 3 : i32
        %dma_start3A_359 = arith.constant 3 : i32
        %dma_start3A_360 = arith.constant 0 : i32
        %dma_start3A_361 = arith.constant 0 : i32
        %dma_start3A_362 = tpu.memref_slice %arg6[%dma_start3A_358, %dma_start3A_360, %dma_start3A_361] : memref<4x128x128xf32, #tpu.memory_space<vmem>> -> memref<1x128x128xf32, #tpu.memory_space<vmem>>
        %dma_start3A_363 = tpu.memref_squeeze %dma_start3A_362 : memref<1x128x128xf32, #tpu.memory_space<vmem>> -> memref<128x128xf32, #tpu.memory_space<vmem>>
        %dma_start3A_364 = arith.constant 0 : i32
        %dma_start3A_365 = tpu.memref_slice %arg5[%add3A_162, %dma_start3A_364] : memref<200x128xi32, #tpu.memory_space<vmem>> -> memref<1x128xi32, #tpu.memory_space<vmem>>
        %dma_start3A_366 = tpu.memref_squeeze %dma_start3A_365 : memref<1x128xi32, #tpu.memory_space<vmem>> -> memref<128xi32, #tpu.memory_space<vmem>>
        %dma_start3A_367 = arith.constant 0 : i32
        %dma_start3A_368 = arith.constant 0 : i32
        %dma_start3A_369 = tpu.memref_slice %arg2[%dma_start3A_367, %dma_start3A_368] : memref<100000x128xf32, #tpu.memory_space<hbm>> -> memref<100000x128xf32, #tpu.memory_space<hbm>>
        %dma_start3A_370 = tpu.memref_slice %arg8[%dma_start3A_359] : memref<4x!tpu.dma_semaphore, #tpu.memory_space<semaphore_mem>> -> memref<1x!tpu.dma_semaphore, #tpu.memory_space<semaphore_mem>>
        %dma_start3A_371 = tpu.memref_squeeze %dma_start3A_370 : memref<1x!tpu.dma_semaphore, #tpu.memory_space<semaphore_mem>> -> memref<!tpu.dma_semaphore, #tpu.memory_space<semaphore_mem>>
        tpu.enqueue_indirect_dma source(%dma_start3A_369 : memref<100000x128xf32, #tpu.memory_space<hbm>>) target(%dma_start3A_363 : memref<128x128xf32, #tpu.memory_space<vmem>>) offsets(%dma_start3A_366 : memref<128xi32, #tpu.memory_space<vmem>>) semaphore(%dma_start3A_371 : memref<!tpu.dma_semaphore, #tpu.memory_space<semaphore_mem>>)
      } else {
      }
      %gt3A_168 = arith.constant 0 : i32
      %gt3A_169 = arith.cmpi sgt, %scan3A_79, %gt3A_168 : i32
      %convert_element_type3A_170 = arith.extui %gt3A_169 : i1 to i32
      %cond3A_171 = arith.constant 0 : i32
      %cond3A_172 = arith.cmpi ne, %convert_element_type3A_170, %cond3A_171 : i32
      scf.if %cond3A_172 {
        %dma_wait3A_358 = arith.constant 1 : i32
        %dma_wait3A_359 = arith.constant 0 : i32
        %dma_wait3A_360 = arith.constant 1 : i32
        %dma_wait3A_361 = arith.constant 0 : i32
        %dma_wait3A_362 = arith.constant 0 : i32
        %dma_wait3A_363 = tpu.memref_slice %arg7[%dma_wait3A_358, %dma_wait3A_361, %dma_wait3A_362] : memref<2x128x64xf32, #tpu.memory_space<vmem>> -> memref<1x128x64xf32, #tpu.memory_space<vmem>>
        %dma_wait3A_364 = tpu.memref_squeeze %dma_wait3A_363 : memref<1x128x64xf32, #tpu.memory_space<vmem>> -> memref<128x64xf32, #tpu.memory_space<vmem>>
        %dma_wait3A_365 = arith.constant 0 : i32
        %dma_wait3A_366 = arith.constant 0 : i32
        %dma_wait3A_367 = tpu.memref_slice %arg4[%dma_wait3A_359, %dma_wait3A_365, %dma_wait3A_366] : memref<6400x128x64xf32, #tpu.memory_space<hbm>> -> memref<1x128x64xf32, #tpu.memory_space<hbm>>
        %dma_wait3A_368 = tpu.memref_squeeze %dma_wait3A_367 : memref<1x128x64xf32, #tpu.memory_space<hbm>> -> memref<128x64xf32, #tpu.memory_space<hbm>>
        %dma_wait3A_369 = tpu.memref_slice %arg9[%dma_wait3A_360] : memref<2x!tpu.dma_semaphore, #tpu.memory_space<semaphore_mem>> -> memref<1x!tpu.dma_semaphore, #tpu.memory_space<semaphore_mem>>
        %dma_wait3A_370 = tpu.memref_squeeze %dma_wait3A_369 : memref<1x!tpu.dma_semaphore, #tpu.memory_space<semaphore_mem>> -> memref<!tpu.dma_semaphore, #tpu.memory_space<semaphore_mem>>
        %dma_wait3A_371 = arith.constant 0 : i32
        %dma_wait3A_372 = arith.constant 0 : i32
        %dma_wait3A_373 = tpu.memref_slice %arg4[%dma_wait3A_359, %dma_wait3A_371, %dma_wait3A_372] : memref<6400x128x64xf32, #tpu.memory_space<hbm>> -> memref<1x128x64xf32, #tpu.memory_space<hbm>>
        %dma_wait3A_374 = tpu.memref_squeeze %dma_wait3A_373 : memref<1x128x64xf32, #tpu.memory_space<hbm>> -> memref<128x64xf32, #tpu.memory_space<hbm>>
        %dma_wait3A_375 = arith.constant 0 : i32
        %dma_wait3A_376 = arith.constant 0 : i32
        %dma_wait3A_377 = tpu.memref_slice %arg7[%dma_wait3A_358, %dma_wait3A_375, %dma_wait3A_376] : memref<2x128x64xf32, #tpu.memory_space<vmem>> -> memref<1x128x64xf32, #tpu.memory_space<vmem>>
        %dma_wait3A_378 = tpu.memref_squeeze %dma_wait3A_377 : memref<1x128x64xf32, #tpu.memory_space<vmem>> -> memref<128x64xf32, #tpu.memory_space<vmem>>
        tpu.wait_dma2 semaphore(%dma_wait3A_370 : memref<!tpu.dma_semaphore, #tpu.memory_space<semaphore_mem>>) src(%dma_wait3A_378 : memref<128x64xf32, #tpu.memory_space<vmem>>) dst(%dma_wait3A_374 : memref<128x64xf32, #tpu.memory_space<hbm>>)
      } else {
      }
      %scan3A_173 = arith.constant 0 : i32
      %scan3A_174 = arith.constant 0 : i32
      %scan3A_175 = arith.constant 128 : i32
      %scan3A_176 = arith.addi %scan3A_174, %scan3A_175 : i32
      %scan3A_177 = arith.constant 4 : i32
      %scan3A_178 = scf.for %scan3A_358 = %scan3A_174 to %scan3A_176 step %scan3A_177 iter_args(%scan3A_359 = %scan3A_173) -> (i32)  : i32 {
        %get3A = arith.constant 1 : i32
        %get3A_360 = arith.index_cast %get3A : i32 to index
        %get3A_361 = arith.index_cast %scan3A_358 : i32 to index
        %get3A_362 = arith.constant 0 : index
        %get3A_363 = tpu.vector_load %arg6[%get3A_360, %get3A_361, %get3A_362] {strides = array<i32>} : memref<4x128x128xf32, #tpu.memory_space<vmem>>, vector<1x1x16xf32>,
        %get3A_364 = vector.shape_cast %get3A_363 : vector<1x1x16xf32> to vector<16xf32>
        %swap3A = arith.constant 1 : i32
        %swap3A_365 = arith.index_cast %swap3A : i32 to index
        %swap3A_366 = arith.index_cast %scan3A_358 : i32 to index
        %swap3A_367 = arith.constant 0 : index
        %swap3A_368 = tpu.vector_load %arg7[%swap3A_365, %swap3A_366, %swap3A_367] {strides = array<i32>} : memref<2x128x64xf32, #tpu.memory_space<vmem>>, vector<1x1x16xf32>,
        %swap3A_369 = vector.shape_cast %swap3A_368 : vector<1x1x16xf32> to vector<16xf32>
        %swap3A_370 = vector.shape_cast %get3A_364 : vector<16xf32> to vector<1x1x16xf32>
        tpu.vector_store %arg7[%swap3A_365, %swap3A_366, %swap3A_367], %swap3A_370 {strides = array<i32>} : memref<2x128x64xf32, #tpu.memory_space<vmem>>, vector<1x1x16xf32>,
        %get3A_371 = arith.constant 1 : i32
        %get3A_372 = arith.index_cast %get3A_371 : i32 to index
        %get3A_373 = arith.index_cast %scan3A_358 : i32 to index
        %get3A_374 = arith.constant 16 : index
        %get3A_375 = tpu.vector_load %arg6[%get3A_372, %get3A_373, %get3A_374] {strides = array<i32>} : memref<4x128x128xf32, #tpu.memory_space<vmem>>, vector<1x1x16xf32>,
        %get3A_376 = vector.shape_cast %get3A_375 : vector<1x1x16xf32> to vector<16xf32>
        %swap3A_377 = arith.constant 1 : i32
        %swap3A_378 = arith.index_cast %swap3A_377 : i32 to index
        %swap3A_379 = arith.index_cast %scan3A_358 : i32 to index
        %swap3A_380 = arith.constant 16 : index
        %swap3A_381 = tpu.vector_load %arg7[%swap3A_378, %swap3A_379, %swap3A_380] {strides = array<i32>} : memref<2x128x64xf32, #tpu.memory_space<vmem>>, vector<1x1x16xf32>,
        %swap3A_382 = vector.shape_cast %swap3A_381 : vector<1x1x16xf32> to vector<16xf32>
        %swap3A_383 = vector.shape_cast %get3A_376 : vector<16xf32> to vector<1x1x16xf32>
        tpu.vector_store %arg7[%swap3A_378, %swap3A_379, %swap3A_380], %swap3A_383 {strides = array<i32>} : memref<2x128x64xf32, #tpu.memory_space<vmem>>, vector<1x1x16xf32>,
        %get3A_384 = arith.constant 1 : i32
        %get3A_385 = arith.index_cast %get3A_384 : i32 to index
        %get3A_386 = arith.index_cast %scan3A_358 : i32 to index
        %get3A_387 = arith.constant 32 : index
        %get3A_388 = tpu.vector_load %arg6[%get3A_385, %get3A_386, %get3A_387] {strides = array<i32>} : memref<4x128x128xf32, #tpu.memory_space<vmem>>, vector<1x1x16xf32>,
        %get3A_389 = vector.shape_cast %get3A_388 : vector<1x1x16xf32> to vector<16xf32>
        %swap3A_390 = arith.constant 1 : i32
        %swap3A_391 = arith.index_cast %swap3A_390 : i32 to index
        %swap3A_392 = arith.index_cast %scan3A_358 : i32 to index
        %swap3A_393 = arith.constant 32 : index
        %swap3A_394 = tpu.vector_load %arg7[%swap3A_391, %swap3A_392, %swap3A_393] {strides = array<i32>} : memref<2x128x64xf32, #tpu.memory_space<vmem>>, vector<1x1x16xf32>,
        %swap3A_395 = vector.shape_cast %swap3A_394 : vector<1x1x16xf32> to vector<16xf32>
        %swap3A_396 = vector.shape_cast %get3A_389 : vector<16xf32> to vector<1x1x16xf32>
        tpu.vector_store %arg7[%swap3A_391, %swap3A_392, %swap3A_393], %swap3A_396 {strides = array<i32>} : memref<2x128x64xf32, #tpu.memory_space<vmem>>, vector<1x1x16xf32>,
        %get3A_397 = arith.constant 1 : i32
        %get3A_398 = arith.index_cast %get3A_397 : i32 to index
        %get3A_399 = arith.index_cast %scan3A_358 : i32 to index
        %get3A_400 = arith.constant 48 : index
        %get3A_401 = tpu.vector_load %arg6[%get3A_398, %get3A_399, %get3A_400] {strides = array<i32>} : memref<4x128x128xf32, #tpu.memory_space<vmem>>, vector<1x1x16xf32>,
        %get3A_402 = vector.shape_cast %get3A_401 : vector<1x1x16xf32> to vector<16xf32>
        %swap3A_403 = arith.constant 1 : i32
        %swap3A_404 = arith.index_cast %swap3A_403 : i32 to index
        %swap3A_405 = arith.index_cast %scan3A_358 : i32 to index
        %swap3A_406 = arith.constant 48 : index
        %swap3A_407 = tpu.vector_load %arg7[%swap3A_404, %swap3A_405, %swap3A_406] {strides = array<i32>} : memref<2x128x64xf32, #tpu.memory_space<vmem>>, vector<1x1x16xf32>,
        %swap3A_408 = vector.shape_cast %swap3A_407 : vector<1x1x16xf32> to vector<16xf32>
        %swap3A_409 = vector.shape_cast %get3A_402 : vector<16xf32> to vector<1x1x16xf32>
        tpu.vector_store %arg7[%swap3A_404, %swap3A_405, %swap3A_406], %swap3A_409 {strides = array<i32>} : memref<2x128x64xf32, #tpu.memory_space<vmem>>, vector<1x1x16xf32>,
        %scan3A_410 = arith.constant 0 : i32
        %scan3A_411 = arith.constant 1 : i32
        %scan3A_412 = arith.addi %scan3A_358, %scan3A_411 : i32
        %get3A_413 = arith.constant 1 : i32
        %get3A_414 = arith.index_cast %get3A_413 : i32 to index
        %get3A_415 = arith.index_cast %scan3A_412 : i32 to index
        %get3A_416 = arith.constant 0 : index
        %get3A_417 = tpu.vector_load %arg6[%get3A_414, %get3A_415, %get3A_416] {strides = array<i32>} : memref<4x128x128xf32, #tpu.memory_space<vmem>>, vector<1x1x16xf32>,
        %get3A_418 = vector.shape_cast %get3A_417 : vector<1x1x16xf32> to vector<16xf32>
        %swap3A_419 = arith.constant 1 : i32
        %swap3A_420 = arith.index_cast %swap3A_419 : i32 to index
        %swap3A_421 = arith.index_cast %scan3A_412 : i32 to index
        %swap3A_422 = arith.constant 0 : index
        %swap3A_423 = tpu.vector_load %arg7[%swap3A_420, %swap3A_421, %swap3A_422] {strides = array<i32>} : memref<2x128x64xf32, #tpu.memory_space<vmem>>, vector<1x1x16xf32>,
        %swap3A_424 = vector.shape_cast %swap3A_423 : vector<1x1x16xf32> to vector<16xf32>
        %swap3A_425 = vector.shape_cast %get3A_418 : vector<16xf32> to vector<1x1x16xf32>
        tpu.vector_store %arg7[%swap3A_420, %swap3A_421, %swap3A_422], %swap3A_425 {strides = array<i32>} : memref<2x128x64xf32, #tpu.memory_space<vmem>>, vector<1x1x16xf32>,
        %get3A_426 = arith.constant 1 : i32
        %get3A_427 = arith.index_cast %get3A_426 : i32 to index
        %get3A_428 = arith.index_cast %scan3A_412 : i32 to index
        %get3A_429 = arith.constant 16 : index
        %get3A_430 = tpu.vector_load %arg6[%get3A_427, %get3A_428, %get3A_429] {strides = array<i32>} : memref<4x128x128xf32, #tpu.memory_space<vmem>>, vector<1x1x16xf32>,
        %get3A_431 = vector.shape_cast %get3A_430 : vector<1x1x16xf32> to vector<16xf32>
        %swap3A_432 = arith.constant 1 : i32
        %swap3A_433 = arith.index_cast %swap3A_432 : i32 to index
        %swap3A_434 = arith.index_cast %scan3A_412 : i32 to index
        %swap3A_435 = arith.constant 16 : index
        %swap3A_436 = tpu.vector_load %arg7[%swap3A_433, %swap3A_434, %swap3A_435] {strides = array<i32>} : memref<2x128x64xf32, #tpu.memory_space<vmem>>, vector<1x1x16xf32>,
        %swap3A_437 = vector.shape_cast %swap3A_436 : vector<1x1x16xf32> to vector<16xf32>
        %swap3A_438 = vector.shape_cast %get3A_431 : vector<16xf32> to vector<1x1x16xf32>
        tpu.vector_store %arg7[%swap3A_433, %swap3A_434, %swap3A_435], %swap3A_438 {strides = array<i32>} : memref<2x128x64xf32, #tpu.memory_space<vmem>>, vector<1x1x16xf32>,
        %get3A_439 = arith.constant 1 : i32
        %get3A_440 = arith.index_cast %get3A_439 : i32 to index
        %get3A_441 = arith.index_cast %scan3A_412 : i32 to index
        %get3A_442 = arith.constant 32 : index
        %get3A_443 = tpu.vector_load %arg6[%get3A_440, %get3A_441, %get3A_442] {strides = array<i32>} : memref<4x128x128xf32, #tpu.memory_space<vmem>>, vector<1x1x16xf32>,
        %get3A_444 = vector.shape_cast %get3A_443 : vector<1x1x16xf32> to vector<16xf32>
        %swap3A_445 = arith.constant 1 : i32
        %swap3A_446 = arith.index_cast %swap3A_445 : i32 to index
        %swap3A_447 = arith.index_cast %scan3A_412 : i32 to index
        %swap3A_448 = arith.constant 32 : index
        %swap3A_449 = tpu.vector_load %arg7[%swap3A_446, %swap3A_447, %swap3A_448] {strides = array<i32>} : memref<2x128x64xf32, #tpu.memory_space<vmem>>, vector<1x1x16xf32>,
        %swap3A_450 = vector.shape_cast %swap3A_449 : vector<1x1x16xf32> to vector<16xf32>
        %swap3A_451 = vector.shape_cast %get3A_444 : vector<16xf32> to vector<1x1x16xf32>
        tpu.vector_store %arg7[%swap3A_446, %swap3A_447, %swap3A_448], %swap3A_451 {strides = array<i32>} : memref<2x128x64xf32, #tpu.memory_space<vmem>>, vector<1x1x16xf32>,
        %get3A_452 = arith.constant 1 : i32
        %get3A_453 = arith.index_cast %get3A_452 : i32 to index
        %get3A_454 = arith.index_cast %scan3A_412 : i32 to index
        %get3A_455 = arith.constant 48 : index
        %get3A_456 = tpu.vector_load %arg6[%get3A_453, %get3A_454, %get3A_455] {strides = array<i32>} : memref<4x128x128xf32, #tpu.memory_space<vmem>>, vector<1x1x16xf32>,
        %get3A_457 = vector.shape_cast %get3A_456 : vector<1x1x16xf32> to vector<16xf32>
        %swap3A_458 = arith.constant 1 : i32
        %swap3A_459 = arith.index_cast %swap3A_458 : i32 to index
        %swap3A_460 = arith.index_cast %scan3A_412 : i32 to index
        %swap3A_461 = arith.constant 48 : index
        %swap3A_462 = tpu.vector_load %arg7[%swap3A_459, %swap3A_460, %swap3A_461] {strides = array<i32>} : memref<2x128x64xf32, #tpu.memory_space<vmem>>, vector<1x1x16xf32>,
        %swap3A_463 = vector.shape_cast %swap3A_462 : vector<1x1x16xf32> to vector<16xf32>
        %swap3A_464 = vector.shape_cast %get3A_457 : vector<16xf32> to vector<1x1x16xf32>
        tpu.vector_store %arg7[%swap3A_459, %swap3A_460, %swap3A_461], %swap3A_464 {strides = array<i32>} : memref<2x128x64xf32, #tpu.memory_space<vmem>>, vector<1x1x16xf32>,
        %scan3A_465 = arith.constant 0 : i32
        %scan3A_466 = arith.constant 2 : i32
        %scan3A_467 = arith.addi %scan3A_358, %scan3A_466 : i32
        %get3A_468 = arith.constant 1 : i32
        %get3A_469 = arith.index_cast %get3A_468 : i32 to index
        %get3A_470 = arith.index_cast %scan3A_467 : i32 to index
        %get3A_471 = arith.constant 0 : index
        %get3A_472 = tpu.vector_load %arg6[%get3A_469, %get3A_470, %get3A_471] {strides = array<i32>} : memref<4x128x128xf32, #tpu.memory_space<vmem>>, vector<1x1x16xf32>,
        %get3A_473 = vector.shape_cast %get3A_472 : vector<1x1x16xf32> to vector<16xf32>
        %swap3A_474 = arith.constant 1 : i32
        %swap3A_475 = arith.index_cast %swap3A_474 : i32 to index
        %swap3A_476 = arith.index_cast %scan3A_467 : i32 to index
        %swap3A_477 = arith.constant 0 : index
        %swap3A_478 = tpu.vector_load %arg7[%swap3A_475, %swap3A_476, %swap3A_477] {strides = array<i32>} : memref<2x128x64xf32, #tpu.memory_space<vmem>>, vector<1x1x16xf32>,
        %swap3A_479 = vector.shape_cast %swap3A_478 : vector<1x1x16xf32> to vector<16xf32>
        %swap3A_480 = vector.shape_cast %get3A_473 : vector<16xf32> to vector<1x1x16xf32>
        tpu.vector_store %arg7[%swap3A_475, %swap3A_476, %swap3A_477], %swap3A_480 {strides = array<i32>} : memref<2x128x64xf32, #tpu.memory_space<vmem>>, vector<1x1x16xf32>,
        %get3A_481 = arith.constant 1 : i32
        %get3A_482 = arith.index_cast %get3A_481 : i32 to index
        %get3A_483 = arith.index_cast %scan3A_467 : i32 to index
        %get3A_484 = arith.constant 16 : index
        %get3A_485 = tpu.vector_load %arg6[%get3A_482, %get3A_483, %get3A_484] {strides = array<i32>} : memref<4x128x128xf32, #tpu.memory_space<vmem>>, vector<1x1x16xf32>,
        %get3A_486 = vector.shape_cast %get3A_485 : vector<1x1x16xf32> to vector<16xf32>
        %swap3A_487 = arith.constant 1 : i32
        %swap3A_488 = arith.index_cast %swap3A_487 : i32 to index
        %swap3A_489 = arith.index_cast %scan3A_467 : i32 to index
        %swap3A_490 = arith.constant 16 : index
        %swap3A_491 = tpu.vector_load %arg7[%swap3A_488, %swap3A_489, %swap3A_490] {strides = array<i32>} : memref<2x128x64xf32, #tpu.memory_space<vmem>>, vector<1x1x16xf32>,
        %swap3A_492 = vector.shape_cast %swap3A_491 : vector<1x1x16xf32> to vector<16xf32>
        %swap3A_493 = vector.shape_cast %get3A_486 : vector<16xf32> to vector<1x1x16xf32>
        tpu.vector_store %arg7[%swap3A_488, %swap3A_489, %swap3A_490], %swap3A_493 {strides = array<i32>} : memref<2x128x64xf32, #tpu.memory_space<vmem>>, vector<1x1x16xf32>,
        %get3A_494 = arith.constant 1 : i32
        %get3A_495 = arith.index_cast %get3A_494 : i32 to index
        %get3A_496 = arith.index_cast %scan3A_467 : i32 to index
        %get3A_497 = arith.constant 32 : index
        %get3A_498 = tpu.vector_load %arg6[%get3A_495, %get3A_496, %get3A_497] {strides = array<i32>} : memref<4x128x128xf32, #tpu.memory_space<vmem>>, vector<1x1x16xf32>,
        %get3A_499 = vector.shape_cast %get3A_498 : vector<1x1x16xf32> to vector<16xf32>
        %swap3A_500 = arith.constant 1 : i32
        %swap3A_501 = arith.index_cast %swap3A_500 : i32 to index
        %swap3A_502 = arith.index_cast %scan3A_467 : i32 to index
        %swap3A_503 = arith.constant 32 : index
        %swap3A_504 = tpu.vector_load %arg7[%swap3A_501, %swap3A_502, %swap3A_503] {strides = array<i32>} : memref<2x128x64xf32, #tpu.memory_space<vmem>>, vector<1x1x16xf32>,
        %swap3A_505 = vector.shape_cast %swap3A_504 : vector<1x1x16xf32> to vector<16xf32>
        %swap3A_506 = vector.shape_cast %get3A_499 : vector<16xf32> to vector<1x1x16xf32>
        tpu.vector_store %arg7[%swap3A_501, %swap3A_502, %swap3A_503], %swap3A_506 {strides = array<i32>} : memref<2x128x64xf32, #tpu.memory_space<vmem>>, vector<1x1x16xf32>,
        %get3A_507 = arith.constant 1 : i32
        %get3A_508 = arith.index_cast %get3A_507 : i32 to index
        %get3A_509 = arith.index_cast %scan3A_467 : i32 to index
        %get3A_510 = arith.constant 48 : index
        %get3A_511 = tpu.vector_load %arg6[%get3A_508, %get3A_509, %get3A_510] {strides = array<i32>} : memref<4x128x128xf32, #tpu.memory_space<vmem>>, vector<1x1x16xf32>,
        %get3A_512 = vector.shape_cast %get3A_511 : vector<1x1x16xf32> to vector<16xf32>
        %swap3A_513 = arith.constant 1 : i32
        %swap3A_514 = arith.index_cast %swap3A_513 : i32 to index
        %swap3A_515 = arith.index_cast %scan3A_467 : i32 to index
        %swap3A_516 = arith.constant 48 : index
        %swap3A_517 = tpu.vector_load %arg7[%swap3A_514, %swap3A_515, %swap3A_516] {strides = array<i32>} : memref<2x128x64xf32, #tpu.memory_space<vmem>>, vector<1x1x16xf32>,
        %swap3A_518 = vector.shape_cast %swap3A_517 : vector<1x1x16xf32> to vector<16xf32>
        %swap3A_519 = vector.shape_cast %get3A_512 : vector<16xf32> to vector<1x1x16xf32>
        tpu.vector_store %arg7[%swap3A_514, %swap3A_515, %swap3A_516], %swap3A_519 {strides = array<i32>} : memref<2x128x64xf32, #tpu.memory_space<vmem>>, vector<1x1x16xf32>,
        %scan3A_520 = arith.constant 0 : i32
        %scan3A_521 = arith.constant 3 : i32
        %scan3A_522 = arith.addi %scan3A_358, %scan3A_521 : i32
        %get3A_523 = arith.constant 1 : i32
        %get3A_524 = arith.index_cast %get3A_523 : i32 to index
        %get3A_525 = arith.index_cast %scan3A_522 : i32 to index
        %get3A_526 = arith.constant 0 : index
        %get3A_527 = tpu.vector_load %arg6[%get3A_524, %get3A_525, %get3A_526] {strides = array<i32>} : memref<4x128x128xf32, #tpu.memory_space<vmem>>, vector<1x1x16xf32>,
        %get3A_528 = vector.shape_cast %get3A_527 : vector<1x1x16xf32> to vector<16xf32>
        %swap3A_529 = arith.constant 1 : i32
        %swap3A_530 = arith.index_cast %swap3A_529 : i32 to index
        %swap3A_531 = arith.index_cast %scan3A_522 : i32 to index
        %swap3A_532 = arith.constant 0 : index
        %swap3A_533 = tpu.vector_load %arg7[%swap3A_530, %swap3A_531, %swap3A_532] {strides = array<i32>} : memref<2x128x64xf32, #tpu.memory_space<vmem>>, vector<1x1x16xf32>,
        %swap3A_534 = vector.shape_cast %swap3A_533 : vector<1x1x16xf32> to vector<16xf32>
        %swap3A_535 = vector.shape_cast %get3A_528 : vector<16xf32> to vector<1x1x16xf32>
        tpu.vector_store %arg7[%swap3A_530, %swap3A_531, %swap3A_532], %swap3A_535 {strides = array<i32>} : memref<2x128x64xf32, #tpu.memory_space<vmem>>, vector<1x1x16xf32>,
        %get3A_536 = arith.constant 1 : i32
        %get3A_537 = arith.index_cast %get3A_536 : i32 to index
        %get3A_538 = arith.index_cast %scan3A_522 : i32 to index
        %get3A_539 = arith.constant 16 : index
        %get3A_540 = tpu.vector_load %arg6[%get3A_537, %get3A_538, %get3A_539] {strides = array<i32>} : memref<4x128x128xf32, #tpu.memory_space<vmem>>, vector<1x1x16xf32>,
        %get3A_541 = vector.shape_cast %get3A_540 : vector<1x1x16xf32> to vector<16xf32>
        %swap3A_542 = arith.constant 1 : i32
        %swap3A_543 = arith.index_cast %swap3A_542 : i32 to index
        %swap3A_544 = arith.index_cast %scan3A_522 : i32 to index
        %swap3A_545 = arith.constant 16 : index
        %swap3A_546 = tpu.vector_load %arg7[%swap3A_543, %swap3A_544, %swap3A_545] {strides = array<i32>} : memref<2x128x64xf32, #tpu.memory_space<vmem>>, vector<1x1x16xf32>,
        %swap3A_547 = vector.shape_cast %swap3A_546 : vector<1x1x16xf32> to vector<16xf32>
        %swap3A_548 = vector.shape_cast %get3A_541 : vector<16xf32> to vector<1x1x16xf32>
        tpu.vector_store %arg7[%swap3A_543, %swap3A_544, %swap3A_545], %swap3A_548 {strides = array<i32>} : memref<2x128x64xf32, #tpu.memory_space<vmem>>, vector<1x1x16xf32>,
        %get3A_549 = arith.constant 1 : i32
        %get3A_550 = arith.index_cast %get3A_549 : i32 to index
        %get3A_551 = arith.index_cast %scan3A_522 : i32 to index
        %get3A_552 = arith.constant 32 : index
        %get3A_553 = tpu.vector_load %arg6[%get3A_550, %get3A_551, %get3A_552] {strides = array<i32>} : memref<4x128x128xf32, #tpu.memory_space<vmem>>, vector<1x1x16xf32>,
        %get3A_554 = vector.shape_cast %get3A_553 : vector<1x1x16xf32> to vector<16xf32>
        %swap3A_555 = arith.constant 1 : i32
        %swap3A_556 = arith.index_cast %swap3A_555 : i32 to index
        %swap3A_557 = arith.index_cast %scan3A_522 : i32 to index
        %swap3A_558 = arith.constant 32 : index
        %swap3A_559 = tpu.vector_load %arg7[%swap3A_556, %swap3A_557, %swap3A_558] {strides = array<i32>} : memref<2x128x64xf32, #tpu.memory_space<vmem>>, vector<1x1x16xf32>,
        %swap3A_560 = vector.shape_cast %swap3A_559 : vector<1x1x16xf32> to vector<16xf32>
        %swap3A_561 = vector.shape_cast %get3A_554 : vector<16xf32> to vector<1x1x16xf32>
        tpu.vector_store %arg7[%swap3A_556, %swap3A_557, %swap3A_558], %swap3A_561 {strides = array<i32>} : memref<2x128x64xf32, #tpu.memory_space<vmem>>, vector<1x1x16xf32>,
        %get3A_562 = arith.constant 1 : i32
        %get3A_563 = arith.index_cast %get3A_562 : i32 to index
        %get3A_564 = arith.index_cast %scan3A_522 : i32 to index
        %get3A_565 = arith.constant 48 : index
        %get3A_566 = tpu.vector_load %arg6[%get3A_563, %get3A_564, %get3A_565] {strides = array<i32>} : memref<4x128x128xf32, #tpu.memory_space<vmem>>, vector<1x1x16xf32>,
        %get3A_567 = vector.shape_cast %get3A_566 : vector<1x1x16xf32> to vector<16xf32>
        %swap3A_568 = arith.constant 1 : i32
        %swap3A_569 = arith.index_cast %swap3A_568 : i32 to index
        %swap3A_570 = arith.index_cast %scan3A_522 : i32 to index
        %swap3A_571 = arith.constant 48 : index
        %swap3A_572 = tpu.vector_load %arg7[%swap3A_569, %swap3A_570, %swap3A_571] {strides = array<i32>} : memref<2x128x64xf32, #tpu.memory_space<vmem>>, vector<1x1x16xf32>,
        %swap3A_573 = vector.shape_cast %swap3A_572 : vector<1x1x16xf32> to vector<16xf32>
        %swap3A_574 = vector.shape_cast %get3A_567 : vector<16xf32> to vector<1x1x16xf32>
        tpu.vector_store %arg7[%swap3A_569, %swap3A_570, %swap3A_571], %swap3A_574 {strides = array<i32>} : memref<2x128x64xf32, #tpu.memory_space<vmem>>, vector<1x1x16xf32>,
        %scan3A_575 = arith.constant 0 : i32
        scf.yield %scan3A_575 : i32
      }
      %scan3A_179 = arith.constant 128 : i32
      %add3A_180 = arith.addi %mul3A_2, %add3A_142 : i32
      %dma_start3A_181 = arith.constant 1 : i32
      %dma_start3A_182 = arith.constant 1 : i32
      %dma_start3A_183 = arith.constant 0 : i32
      %dma_start3A_184 = arith.constant 0 : i32
      %dma_start3A_185 = tpu.memref_slice %arg7[%dma_start3A_181, %dma_start3A_183, %dma_start3A_184] : memref<2x128x64xf32, #tpu.memory_space<vmem>> -> memref<1x128x64xf32, #tpu.memory_space<vmem>>
      %dma_start3A_186 = tpu.memref_squeeze %dma_start3A_185 : memref<1x128x64xf32, #tpu.memory_space<vmem>> -> memref<128x64xf32, #tpu.memory_space<vmem>>
      %dma_start3A_187 = arith.constant 0 : i32
      %dma_start3A_188 = arith.constant 0 : i32
      %dma_start3A_189 = tpu.memref_slice %arg4[%add3A_180, %dma_start3A_187, %dma_start3A_188] : memref<6400x128x64xf32, #tpu.memory_space<hbm>> -> memref<1x128x64xf32, #tpu.memory_space<hbm>>
      %dma_start3A_190 = tpu.memref_squeeze %dma_start3A_189 : memref<1x128x64xf32, #tpu.memory_space<hbm>> -> memref<128x64xf32, #tpu.memory_space<hbm>>
      %dma_start3A_191 = tpu.memref_slice %arg9[%dma_start3A_182] : memref<2x!tpu.dma_semaphore, #tpu.memory_space<semaphore_mem>> -> memref<1x!tpu.dma_semaphore, #tpu.memory_space<semaphore_mem>>
      %dma_start3A_192 = tpu.memref_squeeze %dma_start3A_191 : memref<1x!tpu.dma_semaphore, #tpu.memory_space<semaphore_mem>> -> memref<!tpu.dma_semaphore, #tpu.memory_space<semaphore_mem>>
      %dma_start3A_193 = arith.constant 0 : i32
      %dma_start3A_194 = arith.constant 0 : i32
      %dma_start3A_195 = tpu.memref_slice %arg4[%add3A_180, %dma_start3A_193, %dma_start3A_194] : memref<6400x128x64xf32, #tpu.memory_space<hbm>> -> memref<1x128x64xf32, #tpu.memory_space<hbm>>
      %dma_start3A_196 = tpu.memref_squeeze %dma_start3A_195 : memref<1x128x64xf32, #tpu.memory_space<hbm>> -> memref<128x64xf32, #tpu.memory_space<hbm>>
      %dma_start3A_197 = arith.constant 0 : i32
      %dma_start3A_198 = arith.constant 0 : i32
      %dma_start3A_199 = tpu.memref_slice %arg7[%dma_start3A_181, %dma_start3A_197, %dma_start3A_198] : memref<2x128x64xf32, #tpu.memory_space<vmem>> -> memref<1x128x64xf32, #tpu.memory_space<vmem>>
      %dma_start3A_200 = tpu.memref_squeeze %dma_start3A_199 : memref<1x128x64xf32, #tpu.memory_space<vmem>> -> memref<128x64xf32, #tpu.memory_space<vmem>>
      tpu.enqueue_dma source(%dma_start3A_200 : memref<128x64xf32, #tpu.memory_space<vmem>>) target(%dma_start3A_196 : memref<128x64xf32, #tpu.memory_space<hbm>>) target_semaphore(%dma_start3A_192 : memref<!tpu.dma_semaphore, #tpu.memory_space<semaphore_mem>>)
      %mul3A_201 = arith.constant 4 : i32
      %mul3A_202 = arith.muli %scan3A_79, %mul3A_201 : i32
      %add3A_203 = arith.constant 2 : i32
      %add3A_204 = arith.addi %mul3A_202, %add3A_203 : i32
      %dma_wait3A_205 = arith.constant 2 : i32
      %dma_wait3A_206 = arith.constant 2 : i32
      %dma_wait3A_207 = arith.constant 0 : i32
      %dma_wait3A_208 = arith.constant 0 : i32
      %dma_wait3A_209 = tpu.memref_slice %arg6[%dma_wait3A_205, %dma_wait3A_207, %dma_wait3A_208] : memref<4x128x128xf32, #tpu.memory_space<vmem>> -> memref<1x128x128xf32, #tpu.memory_space<vmem>>
      %dma_wait3A_210 = tpu.memref_squeeze %dma_wait3A_209 : memref<1x128x128xf32, #tpu.memory_space<vmem>> -> memref<128x128xf32, #tpu.memory_space<vmem>>
      %dma_wait3A_211 = arith.constant 0 : i32
      %dma_wait3A_212 = arith.constant 0 : i32
      %dma_wait3A_213 = tpu.memref_slice %arg2[%dma_wait3A_211, %dma_wait3A_212] : memref<100000x128xf32, #tpu.memory_space<hbm>> -> memref<128x128xf32, #tpu.memory_space<hbm>>
      %dma_wait3A_214 = tpu.memref_slice %arg8[%dma_wait3A_206] : memref<4x!tpu.dma_semaphore, #tpu.memory_space<semaphore_mem>> -> memref<1x!tpu.dma_semaphore, #tpu.memory_space<semaphore_mem>>
      %dma_wait3A_215 = tpu.memref_squeeze %dma_wait3A_214 : memref<1x!tpu.dma_semaphore, #tpu.memory_space<semaphore_mem>> -> memref<!tpu.dma_semaphore, #tpu.memory_space<semaphore_mem>>
      %dma_wait3A_216 = arith.constant 0 : i32
      %dma_wait3A_217 = arith.constant 0 : i32
      %dma_wait3A_218 = tpu.memref_slice %arg6[%dma_wait3A_205, %dma_wait3A_216, %dma_wait3A_217] : memref<4x128x128xf32, #tpu.memory_space<vmem>> -> memref<1x128x128xf32, #tpu.memory_space<vmem>>
      %dma_wait3A_219 = tpu.memref_squeeze %dma_wait3A_218 : memref<1x128x128xf32, #tpu.memory_space<vmem>> -> memref<128x128xf32, #tpu.memory_space<vmem>>
      %dma_wait3A_220 = arith.constant 0 : i32
      %dma_wait3A_221 = arith.constant 0 : i32
      %dma_wait3A_222 = tpu.memref_slice %arg2[%dma_wait3A_220, %dma_wait3A_221] : memref<100000x128xf32, #tpu.memory_space<hbm>> -> memref<128x128xf32, #tpu.memory_space<hbm>>
      tpu.wait_dma2 semaphore(%dma_wait3A_215 : memref<!tpu.dma_semaphore, #tpu.memory_space<semaphore_mem>>) src(%dma_wait3A_222 : memref<128x128xf32, #tpu.memory_space<hbm>>) dst(%dma_wait3A_219 : memref<128x128xf32, #tpu.memory_space<vmem>>)
      %add3A_223 = arith.constant 2 : i32
      %add3A_224 = arith.addi %add3A_204, %add3A_223 : i32
      %lt3A_225 = arith.constant 200 : i32
      %lt3A_226 = arith.cmpi slt, %add3A_224, %lt3A_225 : i32
      %convert_element_type3A_227 = arith.extui %lt3A_226 : i1 to i32
      %cond3A_228 = arith.constant 0 : i32
      %cond3A_229 = arith.cmpi ne, %convert_element_type3A_227, %cond3A_228 : i32
      scf.if %cond3A_229 {
        %dma_start3A_358 = arith.constant 0 : i32
        %dma_start3A_359 = arith.constant 0 : i32
        %dma_start3A_360 = arith.constant 0 : i32
        %dma_start3A_361 = arith.constant 0 : i32
        %dma_start3A_362 = tpu.memref_slice %arg6[%dma_start3A_358, %dma_start3A_360, %dma_start3A_361] : memref<4x128x128xf32, #tpu.memory_space<vmem>> -> memref<1x128x128xf32, #tpu.memory_space<vmem>>
        %dma_start3A_363 = tpu.memref_squeeze %dma_start3A_362 : memref<1x128x128xf32, #tpu.memory_space<vmem>> -> memref<128x128xf32, #tpu.memory_space<vmem>>
        %dma_start3A_364 = arith.constant 0 : i32
        %dma_start3A_365 = tpu.memref_slice %arg5[%add3A_224, %dma_start3A_364] : memref<200x128xi32, #tpu.memory_space<vmem>> -> memref<1x128xi32, #tpu.memory_space<vmem>>
        %dma_start3A_366 = tpu.memref_squeeze %dma_start3A_365 : memref<1x128xi32, #tpu.memory_space<vmem>> -> memref<128xi32, #tpu.memory_space<vmem>>
        %dma_start3A_367 = arith.constant 0 : i32
        %dma_start3A_368 = arith.constant 0 : i32
        %dma_start3A_369 = tpu.memref_slice %arg2[%dma_start3A_367, %dma_start3A_368] : memref<100000x128xf32, #tpu.memory_space<hbm>> -> memref<100000x128xf32, #tpu.memory_space<hbm>>
        %dma_start3A_370 = tpu.memref_slice %arg8[%dma_start3A_359] : memref<4x!tpu.dma_semaphore, #tpu.memory_space<semaphore_mem>> -> memref<1x!tpu.dma_semaphore, #tpu.memory_space<semaphore_mem>>
        %dma_start3A_371 = tpu.memref_squeeze %dma_start3A_370 : memref<1x!tpu.dma_semaphore, #tpu.memory_space<semaphore_mem>> -> memref<!tpu.dma_semaphore, #tpu.memory_space<semaphore_mem>>
        tpu.enqueue_indirect_dma source(%dma_start3A_369 : memref<100000x128xf32, #tpu.memory_space<hbm>>) target(%dma_start3A_363 : memref<128x128xf32, #tpu.memory_space<vmem>>) offsets(%dma_start3A_366 : memref<128xi32, #tpu.memory_space<vmem>>) semaphore(%dma_start3A_371 : memref<!tpu.dma_semaphore, #tpu.memory_space<semaphore_mem>>)
      } else {
      }
      %dma_wait3A_230 = arith.constant 0 : i32
      %dma_wait3A_231 = arith.constant 0 : i32
      %dma_wait3A_232 = arith.constant 0 : i32
      %dma_wait3A_233 = arith.constant 0 : i32
      %dma_wait3A_234 = arith.constant 0 : i32
      %dma_wait3A_235 = tpu.memref_slice %arg7[%dma_wait3A_230, %dma_wait3A_233, %dma_wait3A_234] : memref<2x128x64xf32, #tpu.memory_space<vmem>> -> memref<1x128x64xf32, #tpu.memory_space<vmem>>
      %dma_wait3A_236 = tpu.memref_squeeze %dma_wait3A_235 : memref<1x128x64xf32, #tpu.memory_space<vmem>> -> memref<128x64xf32, #tpu.memory_space<vmem>>
      %dma_wait3A_237 = arith.constant 0 : i32
      %dma_wait3A_238 = arith.constant 0 : i32
      %dma_wait3A_239 = tpu.memref_slice %arg4[%dma_wait3A_231, %dma_wait3A_237, %dma_wait3A_238] : memref<6400x128x64xf32, #tpu.memory_space<hbm>> -> memref<1x128x64xf32, #tpu.memory_space<hbm>>
      %dma_wait3A_240 = tpu.memref_squeeze %dma_wait3A_239 : memref<1x128x64xf32, #tpu.memory_space<hbm>> -> memref<128x64xf32, #tpu.memory_space<hbm>>
      %dma_wait3A_241 = tpu.memref_slice %arg9[%dma_wait3A_232] : memref<2x!tpu.dma_semaphore, #tpu.memory_space<semaphore_mem>> -> memref<1x!tpu.dma_semaphore, #tpu.memory_space<semaphore_mem>>
      %dma_wait3A_242 = tpu.memref_squeeze %dma_wait3A_241 : memref<1x!tpu.dma_semaphore, #tpu.memory_space<semaphore_mem>> -> memref<!tpu.dma_semaphore, #tpu.memory_space<semaphore_mem>>
      %dma_wait3A_243 = arith.constant 0 : i32
      %dma_wait3A_244 = arith.constant 0 : i32
      %dma_wait3A_245 = tpu.memref_slice %arg4[%dma_wait3A_231, %dma_wait3A_243, %dma_wait3A_244] : memref<6400x128x64xf32, #tpu.memory_space<hbm>> -> memref<1x128x64xf32, #tpu.memory_space<hbm>>
      %dma_wait3A_246 = tpu.memref_squeeze %dma_wait3A_245 : memref<1x128x64xf32, #tpu.memory_space<hbm>> -> memref<128x64xf32, #tpu.memory_space<hbm>>
      %dma_wait3A_247 = arith.constant 0 : i32
      %dma_wait3A_248 = arith.constant 0 : i32
      %dma_wait3A_249 = tpu.memref_slice %arg7[%dma_wait3A_230, %dma_wait3A_247, %dma_wait3A_248] : memref<2x128x64xf32, #tpu.memory_space<vmem>> -> memref<1x128x64xf32, #tpu.memory_space<vmem>>
      %dma_wait3A_250 = tpu.memref_squeeze %dma_wait3A_249 : memref<1x128x64xf32, #tpu.memory_space<vmem>> -> memref<128x64xf32, #tpu.memory_space<vmem>>
      tpu.wait_dma2 semaphore(%dma_wait3A_242 : memref<!tpu.dma_semaphore, #tpu.memory_space<semaphore_mem>>) src(%dma_wait3A_250 : memref<128x64xf32, #tpu.memory_space<vmem>>) dst(%dma_wait3A_246 : memref<128x64xf32, #tpu.memory_space<hbm>>)
      %scan3A_251 = arith.constant 0 : i32
      %scan3A_252 = arith.constant 0 : i32
      %scan3A_253 = arith.constant 128 : i32
      %scan3A_254 = arith.addi %scan3A_252, %scan3A_253 : i32
      %scan3A_255 = arith.constant 4 : i32
      %scan3A_256 = scf.for %scan3A_358 = %scan3A_252 to %scan3A_254 step %scan3A_255 iter_args(%scan3A_359 = %scan3A_251) -> (i32)  : i32 {
        %get3A = arith.constant 2 : i32
        %get3A_360 = arith.index_cast %get3A : i32 to index
        %get3A_361 = arith.index_cast %scan3A_358 : i32 to index
        %get3A_362 = arith.constant 0 : index
        %get3A_363 = tpu.vector_load %arg6[%get3A_360, %get3A_361, %get3A_362] {strides = array<i32>} : memref<4x128x128xf32, #tpu.memory_space<vmem>>, vector<1x1x16xf32>,
        %get3A_364 = vector.shape_cast %get3A_363 : vector<1x1x16xf32> to vector<16xf32>
        %swap3A = arith.constant 0 : i32
        %swap3A_365 = arith.index_cast %swap3A : i32 to index
        %swap3A_366 = arith.index_cast %scan3A_358 : i32 to index
        %swap3A_367 = arith.constant 0 : index
        %swap3A_368 = tpu.vector_load %arg7[%swap3A_365, %swap3A_366, %swap3A_367] {strides = array<i32>} : memref<2x128x64xf32, #tpu.memory_space<vmem>>, vector<1x1x16xf32>,
        %swap3A_369 = vector.shape_cast %swap3A_368 : vector<1x1x16xf32> to vector<16xf32>
        %swap3A_370 = vector.shape_cast %get3A_364 : vector<16xf32> to vector<1x1x16xf32>
        tpu.vector_store %arg7[%swap3A_365, %swap3A_366, %swap3A_367], %swap3A_370 {strides = array<i32>} : memref<2x128x64xf32, #tpu.memory_space<vmem>>, vector<1x1x16xf32>,
        %get3A_371 = arith.constant 2 : i32
        %get3A_372 = arith.index_cast %get3A_371 : i32 to index
        %get3A_373 = arith.index_cast %scan3A_358 : i32 to index
        %get3A_374 = arith.constant 16 : index
        %get3A_375 = tpu.vector_load %arg6[%get3A_372, %get3A_373, %get3A_374] {strides = array<i32>} : memref<4x128x128xf32, #tpu.memory_space<vmem>>, vector<1x1x16xf32>,
        %get3A_376 = vector.shape_cast %get3A_375 : vector<1x1x16xf32> to vector<16xf32>
        %swap3A_377 = arith.constant 0 : i32
        %swap3A_378 = arith.index_cast %swap3A_377 : i32 to index
        %swap3A_379 = arith.index_cast %scan3A_358 : i32 to index
        %swap3A_380 = arith.constant 16 : index
        %swap3A_381 = tpu.vector_load %arg7[%swap3A_378, %swap3A_379, %swap3A_380] {strides = array<i32>} : memref<2x128x64xf32, #tpu.memory_space<vmem>>, vector<1x1x16xf32>,
        %swap3A_382 = vector.shape_cast %swap3A_381 : vector<1x1x16xf32> to vector<16xf32>
        %swap3A_383 = vector.shape_cast %get3A_376 : vector<16xf32> to vector<1x1x16xf32>
        tpu.vector_store %arg7[%swap3A_378, %swap3A_379, %swap3A_380], %swap3A_383 {strides = array<i32>} : memref<2x128x64xf32, #tpu.memory_space<vmem>>, vector<1x1x16xf32>,
        %get3A_384 = arith.constant 2 : i32
        %get3A_385 = arith.index_cast %get3A_384 : i32 to index
        %get3A_386 = arith.index_cast %scan3A_358 : i32 to index
        %get3A_387 = arith.constant 32 : index
        %get3A_388 = tpu.vector_load %arg6[%get3A_385, %get3A_386, %get3A_387] {strides = array<i32>} : memref<4x128x128xf32, #tpu.memory_space<vmem>>, vector<1x1x16xf32>,
        %get3A_389 = vector.shape_cast %get3A_388 : vector<1x1x16xf32> to vector<16xf32>
        %swap3A_390 = arith.constant 0 : i32
        %swap3A_391 = arith.index_cast %swap3A_390 : i32 to index
        %swap3A_392 = arith.index_cast %scan3A_358 : i32 to index
        %swap3A_393 = arith.constant 32 : index
        %swap3A_394 = tpu.vector_load %arg7[%swap3A_391, %swap3A_392, %swap3A_393] {strides = array<i32>} : memref<2x128x64xf32, #tpu.memory_space<vmem>>, vector<1x1x16xf32>,
        %swap3A_395 = vector.shape_cast %swap3A_394 : vector<1x1x16xf32> to vector<16xf32>
        %swap3A_396 = vector.shape_cast %get3A_389 : vector<16xf32> to vector<1x1x16xf32>
        tpu.vector_store %arg7[%swap3A_391, %swap3A_392, %swap3A_393], %swap3A_396 {strides = array<i32>} : memref<2x128x64xf32, #tpu.memory_space<vmem>>, vector<1x1x16xf32>,
        %get3A_397 = arith.constant 2 : i32
        %get3A_398 = arith.index_cast %get3A_397 : i32 to index
        %get3A_399 = arith.index_cast %scan3A_358 : i32 to index
        %get3A_400 = arith.constant 48 : index
        %get3A_401 = tpu.vector_load %arg6[%get3A_398, %get3A_399, %get3A_400] {strides = array<i32>} : memref<4x128x128xf32, #tpu.memory_space<vmem>>, vector<1x1x16xf32>,
        %get3A_402 = vector.shape_cast %get3A_401 : vector<1x1x16xf32> to vector<16xf32>
        %swap3A_403 = arith.constant 0 : i32
        %swap3A_404 = arith.index_cast %swap3A_403 : i32 to index
        %swap3A_405 = arith.index_cast %scan3A_358 : i32 to index
        %swap3A_406 = arith.constant 48 : index
        %swap3A_407 = tpu.vector_load %arg7[%swap3A_404, %swap3A_405, %swap3A_406] {strides = array<i32>} : memref<2x128x64xf32, #tpu.memory_space<vmem>>, vector<1x1x16xf32>,
        %swap3A_408 = vector.shape_cast %swap3A_407 : vector<1x1x16xf32> to vector<16xf32>
        %swap3A_409 = vector.shape_cast %get3A_402 : vector<16xf32> to vector<1x1x16xf32>
        tpu.vector_store %arg7[%swap3A_404, %swap3A_405, %swap3A_406], %swap3A_409 {strides = array<i32>} : memref<2x128x64xf32, #tpu.memory_space<vmem>>, vector<1x1x16xf32>,
        %scan3A_410 = arith.constant 0 : i32
        %scan3A_411 = arith.constant 1 : i32
        %scan3A_412 = arith.addi %scan3A_358, %scan3A_411 : i32
        %get3A_413 = arith.constant 2 : i32
        %get3A_414 = arith.index_cast %get3A_413 : i32 to index
        %get3A_415 = arith.index_cast %scan3A_412 : i32 to index
        %get3A_416 = arith.constant 0 : index
        %get3A_417 = tpu.vector_load %arg6[%get3A_414, %get3A_415, %get3A_416] {strides = array<i32>} : memref<4x128x128xf32, #tpu.memory_space<vmem>>, vector<1x1x16xf32>,
        %get3A_418 = vector.shape_cast %get3A_417 : vector<1x1x16xf32> to vector<16xf32>
        %swap3A_419 = arith.constant 0 : i32
        %swap3A_420 = arith.index_cast %swap3A_419 : i32 to index
        %swap3A_421 = arith.index_cast %scan3A_412 : i32 to index
        %swap3A_422 = arith.constant 0 : index
        %swap3A_423 = tpu.vector_load %arg7[%swap3A_420, %swap3A_421, %swap3A_422] {strides = array<i32>} : memref<2x128x64xf32, #tpu.memory_space<vmem>>, vector<1x1x16xf32>,
        %swap3A_424 = vector.shape_cast %swap3A_423 : vector<1x1x16xf32> to vector<16xf32>
        %swap3A_425 = vector.shape_cast %get3A_418 : vector<16xf32> to vector<1x1x16xf32>
        tpu.vector_store %arg7[%swap3A_420, %swap3A_421, %swap3A_422], %swap3A_425 {strides = array<i32>} : memref<2x128x64xf32, #tpu.memory_space<vmem>>, vector<1x1x16xf32>,
        %get3A_426 = arith.constant 2 : i32
        %get3A_427 = arith.index_cast %get3A_426 : i32 to index
        %get3A_428 = arith.index_cast %scan3A_412 : i32 to index
        %get3A_429 = arith.constant 16 : index
        %get3A_430 = tpu.vector_load %arg6[%get3A_427, %get3A_428, %get3A_429] {strides = array<i32>} : memref<4x128x128xf32, #tpu.memory_space<vmem>>, vector<1x1x16xf32>,
        %get3A_431 = vector.shape_cast %get3A_430 : vector<1x1x16xf32> to vector<16xf32>
        %swap3A_432 = arith.constant 0 : i32
        %swap3A_433 = arith.index_cast %swap3A_432 : i32 to index
        %swap3A_434 = arith.index_cast %scan3A_412 : i32 to index
        %swap3A_435 = arith.constant 16 : index
        %swap3A_436 = tpu.vector_load %arg7[%swap3A_433, %swap3A_434, %swap3A_435] {strides = array<i32>} : memref<2x128x64xf32, #tpu.memory_space<vmem>>, vector<1x1x16xf32>,
        %swap3A_437 = vector.shape_cast %swap3A_436 : vector<1x1x16xf32> to vector<16xf32>
        %swap3A_438 = vector.shape_cast %get3A_431 : vector<16xf32> to vector<1x1x16xf32>
        tpu.vector_store %arg7[%swap3A_433, %swap3A_434, %swap3A_435], %swap3A_438 {strides = array<i32>} : memref<2x128x64xf32, #tpu.memory_space<vmem>>, vector<1x1x16xf32>,
        %get3A_439 = arith.constant 2 : i32
        %get3A_440 = arith.index_cast %get3A_439 : i32 to index
        %get3A_441 = arith.index_cast %scan3A_412 : i32 to index
        %get3A_442 = arith.constant 32 : index
        %get3A_443 = tpu.vector_load %arg6[%get3A_440, %get3A_441, %get3A_442] {strides = array<i32>} : memref<4x128x128xf32, #tpu.memory_space<vmem>>, vector<1x1x16xf32>,
        %get3A_444 = vector.shape_cast %get3A_443 : vector<1x1x16xf32> to vector<16xf32>
        %swap3A_445 = arith.constant 0 : i32
        %swap3A_446 = arith.index_cast %swap3A_445 : i32 to index
        %swap3A_447 = arith.index_cast %scan3A_412 : i32 to index
        %swap3A_448 = arith.constant 32 : index
        %swap3A_449 = tpu.vector_load %arg7[%swap3A_446, %swap3A_447, %swap3A_448] {strides = array<i32>} : memref<2x128x64xf32, #tpu.memory_space<vmem>>, vector<1x1x16xf32>,
        %swap3A_450 = vector.shape_cast %swap3A_449 : vector<1x1x16xf32> to vector<16xf32>
        %swap3A_451 = vector.shape_cast %get3A_444 : vector<16xf32> to vector<1x1x16xf32>
        tpu.vector_store %arg7[%swap3A_446, %swap3A_447, %swap3A_448], %swap3A_451 {strides = array<i32>} : memref<2x128x64xf32, #tpu.memory_space<vmem>>, vector<1x1x16xf32>,
        %get3A_452 = arith.constant 2 : i32
        %get3A_453 = arith.index_cast %get3A_452 : i32 to index
        %get3A_454 = arith.index_cast %scan3A_412 : i32 to index
        %get3A_455 = arith.constant 48 : index
        %get3A_456 = tpu.vector_load %arg6[%get3A_453, %get3A_454, %get3A_455] {strides = array<i32>} : memref<4x128x128xf32, #tpu.memory_space<vmem>>, vector<1x1x16xf32>,
        %get3A_457 = vector.shape_cast %get3A_456 : vector<1x1x16xf32> to vector<16xf32>
        %swap3A_458 = arith.constant 0 : i32
        %swap3A_459 = arith.index_cast %swap3A_458 : i32 to index
        %swap3A_460 = arith.index_cast %scan3A_412 : i32 to index
        %swap3A_461 = arith.constant 48 : index
        %swap3A_462 = tpu.vector_load %arg7[%swap3A_459, %swap3A_460, %swap3A_461] {strides = array<i32>} : memref<2x128x64xf32, #tpu.memory_space<vmem>>, vector<1x1x16xf32>,
        %swap3A_463 = vector.shape_cast %swap3A_462 : vector<1x1x16xf32> to vector<16xf32>
        %swap3A_464 = vector.shape_cast %get3A_457 : vector<16xf32> to vector<1x1x16xf32>
        tpu.vector_store %arg7[%swap3A_459, %swap3A_460, %swap3A_461], %swap3A_464 {strides = array<i32>} : memref<2x128x64xf32, #tpu.memory_space<vmem>>, vector<1x1x16xf32>,
        %scan3A_465 = arith.constant 0 : i32
        %scan3A_466 = arith.constant 2 : i32
        %scan3A_467 = arith.addi %scan3A_358, %scan3A_466 : i32
        %get3A_468 = arith.constant 2 : i32
        %get3A_469 = arith.index_cast %get3A_468 : i32 to index
        %get3A_470 = arith.index_cast %scan3A_467 : i32 to index
        %get3A_471 = arith.constant 0 : index
        %get3A_472 = tpu.vector_load %arg6[%get3A_469, %get3A_470, %get3A_471] {strides = array<i32>} : memref<4x128x128xf32, #tpu.memory_space<vmem>>, vector<1x1x16xf32>,
        %get3A_473 = vector.shape_cast %get3A_472 : vector<1x1x16xf32> to vector<16xf32>
        %swap3A_474 = arith.constant 0 : i32
        %swap3A_475 = arith.index_cast %swap3A_474 : i32 to index
        %swap3A_476 = arith.index_cast %scan3A_467 : i32 to index
        %swap3A_477 = arith.constant 0 : index
        %swap3A_478 = tpu.vector_load %arg7[%swap3A_475, %swap3A_476, %swap3A_477] {strides = array<i32>} : memref<2x128x64xf32, #tpu.memory_space<vmem>>, vector<1x1x16xf32>,
        %swap3A_479 = vector.shape_cast %swap3A_478 : vector<1x1x16xf32> to vector<16xf32>
        %swap3A_480 = vector.shape_cast %get3A_473 : vector<16xf32> to vector<1x1x16xf32>
        tpu.vector_store %arg7[%swap3A_475, %swap3A_476, %swap3A_477], %swap3A_480 {strides = array<i32>} : memref<2x128x64xf32, #tpu.memory_space<vmem>>, vector<1x1x16xf32>,
        %get3A_481 = arith.constant 2 : i32
        %get3A_482 = arith.index_cast %get3A_481 : i32 to index
        %get3A_483 = arith.index_cast %scan3A_467 : i32 to index
        %get3A_484 = arith.constant 16 : index
        %get3A_485 = tpu.vector_load %arg6[%get3A_482, %get3A_483, %get3A_484] {strides = array<i32>} : memref<4x128x128xf32, #tpu.memory_space<vmem>>, vector<1x1x16xf32>,
        %get3A_486 = vector.shape_cast %get3A_485 : vector<1x1x16xf32> to vector<16xf32>
        %swap3A_487 = arith.constant 0 : i32
        %swap3A_488 = arith.index_cast %swap3A_487 : i32 to index
        %swap3A_489 = arith.index_cast %scan3A_467 : i32 to index
        %swap3A_490 = arith.constant 16 : index
        %swap3A_491 = tpu.vector_load %arg7[%swap3A_488, %swap3A_489, %swap3A_490] {strides = array<i32>} : memref<2x128x64xf32, #tpu.memory_space<vmem>>, vector<1x1x16xf32>,
        %swap3A_492 = vector.shape_cast %swap3A_491 : vector<1x1x16xf32> to vector<16xf32>
        %swap3A_493 = vector.shape_cast %get3A_486 : vector<16xf32> to vector<1x1x16xf32>
        tpu.vector_store %arg7[%swap3A_488, %swap3A_489, %swap3A_490], %swap3A_493 {strides = array<i32>} : memref<2x128x64xf32, #tpu.memory_space<vmem>>, vector<1x1x16xf32>,
        %get3A_494 = arith.constant 2 : i32
        %get3A_495 = arith.index_cast %get3A_494 : i32 to index
        %get3A_496 = arith.index_cast %scan3A_467 : i32 to index
        %get3A_497 = arith.constant 32 : index
        %get3A_498 = tpu.vector_load %arg6[%get3A_495, %get3A_496, %get3A_497] {strides = array<i32>} : memref<4x128x128xf32, #tpu.memory_space<vmem>>, vector<1x1x16xf32>,
        %get3A_499 = vector.shape_cast %get3A_498 : vector<1x1x16xf32> to vector<16xf32>
        %swap3A_500 = arith.constant 0 : i32
        %swap3A_501 = arith.index_cast %swap3A_500 : i32 to index
        %swap3A_502 = arith.index_cast %scan3A_467 : i32 to index
        %swap3A_503 = arith.constant 32 : index
        %swap3A_504 = tpu.vector_load %arg7[%swap3A_501, %swap3A_502, %swap3A_503] {strides = array<i32>} : memref<2x128x64xf32, #tpu.memory_space<vmem>>, vector<1x1x16xf32>,
        %swap3A_505 = vector.shape_cast %swap3A_504 : vector<1x1x16xf32> to vector<16xf32>
        %swap3A_506 = vector.shape_cast %get3A_499 : vector<16xf32> to vector<1x1x16xf32>
        tpu.vector_store %arg7[%swap3A_501, %swap3A_502, %swap3A_503], %swap3A_506 {strides = array<i32>} : memref<2x128x64xf32, #tpu.memory_space<vmem>>, vector<1x1x16xf32>,
        %get3A_507 = arith.constant 2 : i32
        %get3A_508 = arith.index_cast %get3A_507 : i32 to index
        %get3A_509 = arith.index_cast %scan3A_467 : i32 to index
        %get3A_510 = arith.constant 48 : index
        %get3A_511 = tpu.vector_load %arg6[%get3A_508, %get3A_509, %get3A_510] {strides = array<i32>} : memref<4x128x128xf32, #tpu.memory_space<vmem>>, vector<1x1x16xf32>,
        %get3A_512 = vector.shape_cast %get3A_511 : vector<1x1x16xf32> to vector<16xf32>
        %swap3A_513 = arith.constant 0 : i32
        %swap3A_514 = arith.index_cast %swap3A_513 : i32 to index
        %swap3A_515 = arith.index_cast %scan3A_467 : i32 to index
        %swap3A_516 = arith.constant 48 : index
        %swap3A_517 = tpu.vector_load %arg7[%swap3A_514, %swap3A_515, %swap3A_516] {strides = array<i32>} : memref<2x128x64xf32, #tpu.memory_space<vmem>>, vector<1x1x16xf32>,
        %swap3A_518 = vector.shape_cast %swap3A_517 : vector<1x1x16xf32> to vector<16xf32>
        %swap3A_519 = vector.shape_cast %get3A_512 : vector<16xf32> to vector<1x1x16xf32>
        tpu.vector_store %arg7[%swap3A_514, %swap3A_515, %swap3A_516], %swap3A_519 {strides = array<i32>} : memref<2x128x64xf32, #tpu.memory_space<vmem>>, vector<1x1x16xf32>,
        %scan3A_520 = arith.constant 0 : i32
        %scan3A_521 = arith.constant 3 : i32
        %scan3A_522 = arith.addi %scan3A_358, %scan3A_521 : i32
        %get3A_523 = arith.constant 2 : i32
        %get3A_524 = arith.index_cast %get3A_523 : i32 to index
        %get3A_525 = arith.index_cast %scan3A_522 : i32 to index
        %get3A_526 = arith.constant 0 : index
        %get3A_527 = tpu.vector_load %arg6[%get3A_524, %get3A_525, %get3A_526] {strides = array<i32>} : memref<4x128x128xf32, #tpu.memory_space<vmem>>, vector<1x1x16xf32>,
        %get3A_528 = vector.shape_cast %get3A_527 : vector<1x1x16xf32> to vector<16xf32>
        %swap3A_529 = arith.constant 0 : i32
        %swap3A_530 = arith.index_cast %swap3A_529 : i32 to index
        %swap3A_531 = arith.index_cast %scan3A_522 : i32 to index
        %swap3A_532 = arith.constant 0 : index
        %swap3A_533 = tpu.vector_load %arg7[%swap3A_530, %swap3A_531, %swap3A_532] {strides = array<i32>} : memref<2x128x64xf32, #tpu.memory_space<vmem>>, vector<1x1x16xf32>,
        %swap3A_534 = vector.shape_cast %swap3A_533 : vector<1x1x16xf32> to vector<16xf32>
        %swap3A_535 = vector.shape_cast %get3A_528 : vector<16xf32> to vector<1x1x16xf32>
        tpu.vector_store %arg7[%swap3A_530, %swap3A_531, %swap3A_532], %swap3A_535 {strides = array<i32>} : memref<2x128x64xf32, #tpu.memory_space<vmem>>, vector<1x1x16xf32>,
        %get3A_536 = arith.constant 2 : i32
        %get3A_537 = arith.index_cast %get3A_536 : i32 to index
        %get3A_538 = arith.index_cast %scan3A_522 : i32 to index
        %get3A_539 = arith.constant 16 : index
        %get3A_540 = tpu.vector_load %arg6[%get3A_537, %get3A_538, %get3A_539] {strides = array<i32>} : memref<4x128x128xf32, #tpu.memory_space<vmem>>, vector<1x1x16xf32>,
        %get3A_541 = vector.shape_cast %get3A_540 : vector<1x1x16xf32> to vector<16xf32>
        %swap3A_542 = arith.constant 0 : i32
        %swap3A_543 = arith.index_cast %swap3A_542 : i32 to index
        %swap3A_544 = arith.index_cast %scan3A_522 : i32 to index
        %swap3A_545 = arith.constant 16 : index
        %swap3A_546 = tpu.vector_load %arg7[%swap3A_543, %swap3A_544, %swap3A_545] {strides = array<i32>} : memref<2x128x64xf32, #tpu.memory_space<vmem>>, vector<1x1x16xf32>,
        %swap3A_547 = vector.shape_cast %swap3A_546 : vector<1x1x16xf32> to vector<16xf32>
        %swap3A_548 = vector.shape_cast %get3A_541 : vector<16xf32> to vector<1x1x16xf32>
        tpu.vector_store %arg7[%swap3A_543, %swap3A_544, %swap3A_545], %swap3A_548 {strides = array<i32>} : memref<2x128x64xf32, #tpu.memory_space<vmem>>, vector<1x1x16xf32>,
        %get3A_549 = arith.constant 2 : i32
        %get3A_550 = arith.index_cast %get3A_549 : i32 to index
        %get3A_551 = arith.index_cast %scan3A_522 : i32 to index
        %get3A_552 = arith.constant 32 : index
        %get3A_553 = tpu.vector_load %arg6[%get3A_550, %get3A_551, %get3A_552] {strides = array<i32>} : memref<4x128x128xf32, #tpu.memory_space<vmem>>, vector<1x1x16xf32>,
        %get3A_554 = vector.shape_cast %get3A_553 : vector<1x1x16xf32> to vector<16xf32>
        %swap3A_555 = arith.constant 0 : i32
        %swap3A_556 = arith.index_cast %swap3A_555 : i32 to index
        %swap3A_557 = arith.index_cast %scan3A_522 : i32 to index
        %swap3A_558 = arith.constant 32 : index
        %swap3A_559 = tpu.vector_load %arg7[%swap3A_556, %swap3A_557, %swap3A_558] {strides = array<i32>} : memref<2x128x64xf32, #tpu.memory_space<vmem>>, vector<1x1x16xf32>,
        %swap3A_560 = vector.shape_cast %swap3A_559 : vector<1x1x16xf32> to vector<16xf32>
        %swap3A_561 = vector.shape_cast %get3A_554 : vector<16xf32> to vector<1x1x16xf32>
        tpu.vector_store %arg7[%swap3A_556, %swap3A_557, %swap3A_558], %swap3A_561 {strides = array<i32>} : memref<2x128x64xf32, #tpu.memory_space<vmem>>, vector<1x1x16xf32>,
        %get3A_562 = arith.constant 2 : i32
        %get3A_563 = arith.index_cast %get3A_562 : i32 to index
        %get3A_564 = arith.index_cast %scan3A_522 : i32 to index
        %get3A_565 = arith.constant 48 : index
        %get3A_566 = tpu.vector_load %arg6[%get3A_563, %get3A_564, %get3A_565] {strides = array<i32>} : memref<4x128x128xf32, #tpu.memory_space<vmem>>, vector<1x1x16xf32>,
        %get3A_567 = vector.shape_cast %get3A_566 : vector<1x1x16xf32> to vector<16xf32>
        %swap3A_568 = arith.constant 0 : i32
        %swap3A_569 = arith.index_cast %swap3A_568 : i32 to index
        %swap3A_570 = arith.index_cast %scan3A_522 : i32 to index
        %swap3A_571 = arith.constant 48 : index
        %swap3A_572 = tpu.vector_load %arg7[%swap3A_569, %swap3A_570, %swap3A_571] {strides = array<i32>} : memref<2x128x64xf32, #tpu.memory_space<vmem>>, vector<1x1x16xf32>,
        %swap3A_573 = vector.shape_cast %swap3A_572 : vector<1x1x16xf32> to vector<16xf32>
        %swap3A_574 = vector.shape_cast %get3A_567 : vector<16xf32> to vector<1x1x16xf32>
        tpu.vector_store %arg7[%swap3A_569, %swap3A_570, %swap3A_571], %swap3A_574 {strides = array<i32>} : memref<2x128x64xf32, #tpu.memory_space<vmem>>, vector<1x1x16xf32>,
        %scan3A_575 = arith.constant 0 : i32
        scf.yield %scan3A_575 : i32
      }
      %scan3A_257 = arith.constant 128 : i32
      %add3A_258 = arith.addi %mul3A_2, %add3A_204 : i32
      %dma_start3A_259 = arith.constant 0 : i32
      %dma_start3A_260 = arith.constant 0 : i32
      %dma_start3A_261 = arith.constant 0 : i32
      %dma_start3A_262 = arith.constant 0 : i32
      %dma_start3A_263 = tpu.memref_slice %arg7[%dma_start3A_259, %dma_start3A_261, %dma_start3A_262] : memref<2x128x64xf32, #tpu.memory_space<vmem>> -> memref<1x128x64xf32, #tpu.memory_space<vmem>>
      %dma_start3A_264 = tpu.memref_squeeze %dma_start3A_263 : memref<1x128x64xf32, #tpu.memory_space<vmem>> -> memref<128x64xf32, #tpu.memory_space<vmem>>
      %dma_start3A_265 = arith.constant 0 : i32
      %dma_start3A_266 = arith.constant 0 : i32
      %dma_start3A_267 = tpu.memref_slice %arg4[%add3A_258, %dma_start3A_265, %dma_start3A_266] : memref<6400x128x64xf32, #tpu.memory_space<hbm>> -> memref<1x128x64xf32, #tpu.memory_space<hbm>>
      %dma_start3A_268 = tpu.memref_squeeze %dma_start3A_267 : memref<1x128x64xf32, #tpu.memory_space<hbm>> -> memref<128x64xf32, #tpu.memory_space<hbm>>
      %dma_start3A_269 = tpu.memref_slice %arg9[%dma_start3A_260] : memref<2x!tpu.dma_semaphore, #tpu.memory_space<semaphore_mem>> -> memref<1x!tpu.dma_semaphore, #tpu.memory_space<semaphore_mem>>
      %dma_start3A_270 = tpu.memref_squeeze %dma_start3A_269 : memref<1x!tpu.dma_semaphore, #tpu.memory_space<semaphore_mem>> -> memref<!tpu.dma_semaphore, #tpu.memory_space<semaphore_mem>>
      %dma_start3A_271 = arith.constant 0 : i32
      %dma_start3A_272 = arith.constant 0 : i32
      %dma_start3A_273 = tpu.memref_slice %arg4[%add3A_258, %dma_start3A_271, %dma_start3A_272] : memref<6400x128x64xf32, #tpu.memory_space<hbm>> -> memref<1x128x64xf32, #tpu.memory_space<hbm>>
      %dma_start3A_274 = tpu.memref_squeeze %dma_start3A_273 : memref<1x128x64xf32, #tpu.memory_space<hbm>> -> memref<128x64xf32, #tpu.memory_space<hbm>>
      %dma_start3A_275 = arith.constant 0 : i32
      %dma_start3A_276 = arith.constant 0 : i32
      %dma_start3A_277 = tpu.memref_slice %arg7[%dma_start3A_259, %dma_start3A_275, %dma_start3A_276] : memref<2x128x64xf32, #tpu.memory_space<vmem>> -> memref<1x128x64xf32, #tpu.memory_space<vmem>>
      %dma_start3A_278 = tpu.memref_squeeze %dma_start3A_277 : memref<1x128x64xf32, #tpu.memory_space<vmem>> -> memref<128x64xf32, #tpu.memory_space<vmem>>
      tpu.enqueue_dma source(%dma_start3A_278 : memref<128x64xf32, #tpu.memory_space<vmem>>) target(%dma_start3A_274 : memref<128x64xf32, #tpu.memory_space<hbm>>) target_semaphore(%dma_start3A_270 : memref<!tpu.dma_semaphore, #tpu.memory_space<semaphore_mem>>)
      %mul3A_279 = arith.constant 4 : i32
      %mul3A_280 = arith.muli %scan3A_79, %mul3A_279 : i32
      %add3A_281 = arith.constant 3 : i32
      %add3A_282 = arith.addi %mul3A_280, %add3A_281 : i32
      %dma_wait3A_283 = arith.constant 3 : i32
      %dma_wait3A_284 = arith.constant 3 : i32
      %dma_wait3A_285 = arith.constant 0 : i32
      %dma_wait3A_286 = arith.constant 0 : i32
      %dma_wait3A_287 = tpu.memref_slice %arg6[%dma_wait3A_283, %dma_wait3A_285, %dma_wait3A_286] : memref<4x128x128xf32, #tpu.memory_space<vmem>> -> memref<1x128x128xf32, #tpu.memory_space<vmem>>
      %dma_wait3A_288 = tpu.memref_squeeze %dma_wait3A_287 : memref<1x128x128xf32, #tpu.memory_space<vmem>> -> memref<128x128xf32, #tpu.memory_space<vmem>>
      %dma_wait3A_289 = arith.constant 0 : i32
      %dma_wait3A_290 = arith.constant 0 : i32
      %dma_wait3A_291 = tpu.memref_slice %arg2[%dma_wait3A_289, %dma_wait3A_290] : memref<100000x128xf32, #tpu.memory_space<hbm>> -> memref<128x128xf32, #tpu.memory_space<hbm>>
      %dma_wait3A_292 = tpu.memref_slice %arg8[%dma_wait3A_284] : memref<4x!tpu.dma_semaphore, #tpu.memory_space<semaphore_mem>> -> memref<1x!tpu.dma_semaphore, #tpu.memory_space<semaphore_mem>>
      %dma_wait3A_293 = tpu.memref_squeeze %dma_wait3A_292 : memref<1x!tpu.dma_semaphore, #tpu.memory_space<semaphore_mem>> -> memref<!tpu.dma_semaphore, #tpu.memory_space<semaphore_mem>>
      %dma_wait3A_294 = arith.constant 0 : i32
      %dma_wait3A_295 = arith.constant 0 : i32
      %dma_wait3A_296 = tpu.memref_slice %arg6[%dma_wait3A_283, %dma_wait3A_294, %dma_wait3A_295] : memref<4x128x128xf32, #tpu.memory_space<vmem>> -> memref<1x128x128xf32, #tpu.memory_space<vmem>>
      %dma_wait3A_297 = tpu.memref_squeeze %dma_wait3A_296 : memref<1x128x128xf32, #tpu.memory_space<vmem>> -> memref<128x128xf32, #tpu.memory_space<vmem>>
      %dma_wait3A_298 = arith.constant 0 : i32
      %dma_wait3A_299 = arith.constant 0 : i32
      %dma_wait3A_300 = tpu.memref_slice %arg2[%dma_wait3A_298, %dma_wait3A_299] : memref<100000x128xf32, #tpu.memory_space<hbm>> -> memref<128x128xf32, #tpu.memory_space<hbm>>
      tpu.wait_dma2 semaphore(%dma_wait3A_293 : memref<!tpu.dma_semaphore, #tpu.memory_space<semaphore_mem>>) src(%dma_wait3A_300 : memref<128x128xf32, #tpu.memory_space<hbm>>) dst(%dma_wait3A_297 : memref<128x128xf32, #tpu.memory_space<vmem>>)
      %add3A_301 = arith.constant 2 : i32
      %add3A_302 = arith.addi %add3A_282, %add3A_301 : i32
      %lt3A_303 = arith.constant 200 : i32
      %lt3A_304 = arith.cmpi slt, %add3A_302, %lt3A_303 : i32
      %convert_element_type3A_305 = arith.extui %lt3A_304 : i1 to i32
      %cond3A_306 = arith.constant 0 : i32
      %cond3A_307 = arith.cmpi ne, %convert_element_type3A_305, %cond3A_306 : i32
      scf.if %cond3A_307 {
        %dma_start3A_358 = arith.constant 1 : i32
        %dma_start3A_359 = arith.constant 1 : i32
        %dma_start3A_360 = arith.constant 0 : i32
        %dma_start3A_361 = arith.constant 0 : i32
        %dma_start3A_362 = tpu.memref_slice %arg6[%dma_start3A_358, %dma_start3A_360, %dma_start3A_361] : memref<4x128x128xf32, #tpu.memory_space<vmem>> -> memref<1x128x128xf32, #tpu.memory_space<vmem>>
        %dma_start3A_363 = tpu.memref_squeeze %dma_start3A_362 : memref<1x128x128xf32, #tpu.memory_space<vmem>> -> memref<128x128xf32, #tpu.memory_space<vmem>>
        %dma_start3A_364 = arith.constant 0 : i32
        %dma_start3A_365 = tpu.memref_slice %arg5[%add3A_302, %dma_start3A_364] : memref<200x128xi32, #tpu.memory_space<vmem>> -> memref<1x128xi32, #tpu.memory_space<vmem>>
        %dma_start3A_366 = tpu.memref_squeeze %dma_start3A_365 : memref<1x128xi32, #tpu.memory_space<vmem>> -> memref<128xi32, #tpu.memory_space<vmem>>
        %dma_start3A_367 = arith.constant 0 : i32
        %dma_start3A_368 = arith.constant 0 : i32
        %dma_start3A_369 = tpu.memref_slice %arg2[%dma_start3A_367, %dma_start3A_368] : memref<100000x128xf32, #tpu.memory_space<hbm>> -> memref<100000x128xf32, #tpu.memory_space<hbm>>
        %dma_start3A_370 = tpu.memref_slice %arg8[%dma_start3A_359] : memref<4x!tpu.dma_semaphore, #tpu.memory_space<semaphore_mem>> -> memref<1x!tpu.dma_semaphore, #tpu.memory_space<semaphore_mem>>
        %dma_start3A_371 = tpu.memref_squeeze %dma_start3A_370 : memref<1x!tpu.dma_semaphore, #tpu.memory_space<semaphore_mem>> -> memref<!tpu.dma_semaphore, #tpu.memory_space<semaphore_mem>>
        tpu.enqueue_indirect_dma source(%dma_start3A_369 : memref<100000x128xf32, #tpu.memory_space<hbm>>) target(%dma_start3A_363 : memref<128x128xf32, #tpu.memory_space<vmem>>) offsets(%dma_start3A_366 : memref<128xi32, #tpu.memory_space<vmem>>) semaphore(%dma_start3A_371 : memref<!tpu.dma_semaphore, #tpu.memory_space<semaphore_mem>>)
      } else {
      }
      %dma_wait3A_308 = arith.constant 1 : i32
      %dma_wait3A_309 = arith.constant 0 : i32
      %dma_wait3A_310 = arith.constant 1 : i32
      %dma_wait3A_311 = arith.constant 0 : i32
      %dma_wait3A_312 = arith.constant 0 : i32
      %dma_wait3A_313 = tpu.memref_slice %arg7[%dma_wait3A_308, %dma_wait3A_311, %dma_wait3A_312] : memref<2x128x64xf32, #tpu.memory_space<vmem>> -> memref<1x128x64xf32, #tpu.memory_space<vmem>>
      %dma_wait3A_314 = tpu.memref_squeeze %dma_wait3A_313 : memref<1x128x64xf32, #tpu.memory_space<vmem>> -> memref<128x64xf32, #tpu.memory_space<vmem>>
      %dma_wait3A_315 = arith.constant 0 : i32
      %dma_wait3A_316 = arith.constant 0 : i32
      %dma_wait3A_317 = tpu.memref_slice %arg4[%dma_wait3A_309, %dma_wait3A_315, %dma_wait3A_316] : memref<6400x128x64xf32, #tpu.memory_space<hbm>> -> memref<1x128x64xf32, #tpu.memory_space<hbm>>
      %dma_wait3A_318 = tpu.memref_squeeze %dma_wait3A_317 : memref<1x128x64xf32, #tpu.memory_space<hbm>> -> memref<128x64xf32, #tpu.memory_space<hbm>>
      %dma_wait3A_319 = tpu.memref_slice %arg9[%dma_wait3A_310] : memref<2x!tpu.dma_semaphore, #tpu.memory_space<semaphore_mem>> -> memref<1x!tpu.dma_semaphore, #tpu.memory_space<semaphore_mem>>
      %dma_wait3A_320 = tpu.memref_squeeze %dma_wait3A_319 : memref<1x!tpu.dma_semaphore, #tpu.memory_space<semaphore_mem>> -> memref<!tpu.dma_semaphore, #tpu.memory_space<semaphore_mem>>
      %dma_wait3A_321 = arith.constant 0 : i32
      %dma_wait3A_322 = arith.constant 0 : i32
      %dma_wait3A_323 = tpu.memref_slice %arg4[%dma_wait3A_309, %dma_wait3A_321, %dma_wait3A_322] : memref<6400x128x64xf32, #tpu.memory_space<hbm>> -> memref<1x128x64xf32, #tpu.memory_space<hbm>>
      %dma_wait3A_324 = tpu.memref_squeeze %dma_wait3A_323 : memref<1x128x64xf32, #tpu.memory_space<hbm>> -> memref<128x64xf32, #tpu.memory_space<hbm>>
      %dma_wait3A_325 = arith.constant 0 : i32
      %dma_wait3A_326 = arith.constant 0 : i32
      %dma_wait3A_327 = tpu.memref_slice %arg7[%dma_wait3A_308, %dma_wait3A_325, %dma_wait3A_326] : memref<2x128x64xf32, #tpu.memory_space<vmem>> -> memref<1x128x64xf32, #tpu.memory_space<vmem>>
      %dma_wait3A_328 = tpu.memref_squeeze %dma_wait3A_327 : memref<1x128x64xf32, #tpu.memory_space<vmem>> -> memref<128x64xf32, #tpu.memory_space<vmem>>
      tpu.wait_dma2 semaphore(%dma_wait3A_320 : memref<!tpu.dma_semaphore, #tpu.memory_space<semaphore_mem>>) src(%dma_wait3A_328 : memref<128x64xf32, #tpu.memory_space<vmem>>) dst(%dma_wait3A_324 : memref<128x64xf32, #tpu.memory_space<hbm>>)
      %scan3A_329 = arith.constant 0 : i32
      %scan3A_330 = arith.constant 0 : i32
      %scan3A_331 = arith.constant 128 : i32
      %scan3A_332 = arith.addi %scan3A_330, %scan3A_331 : i32
      %scan3A_333 = arith.constant 4 : i32
      %scan3A_334 = scf.for %scan3A_358 = %scan3A_330 to %scan3A_332 step %scan3A_333 iter_args(%scan3A_359 = %scan3A_329) -> (i32)  : i32 {
        %get3A = arith.constant 3 : i32
        %get3A_360 = arith.index_cast %get3A : i32 to index
        %get3A_361 = arith.index_cast %scan3A_358 : i32 to index
        %get3A_362 = arith.constant 0 : index
        %get3A_363 = tpu.vector_load %arg6[%get3A_360, %get3A_361, %get3A_362] {strides = array<i32>} : memref<4x128x128xf32, #tpu.memory_space<vmem>>, vector<1x1x16xf32>,
        %get3A_364 = vector.shape_cast %get3A_363 : vector<1x1x16xf32> to vector<16xf32>
        %swap3A = arith.constant 1 : i32
        %swap3A_365 = arith.index_cast %swap3A : i32 to index
        %swap3A_366 = arith.index_cast %scan3A_358 : i32 to index
        %swap3A_367 = arith.constant 0 : index
        %swap3A_368 = tpu.vector_load %arg7[%swap3A_365, %swap3A_366, %swap3A_367] {strides = array<i32>} : memref<2x128x64xf32, #tpu.memory_space<vmem>>, vector<1x1x16xf32>,
        %swap3A_369 = vector.shape_cast %swap3A_368 : vector<1x1x16xf32> to vector<16xf32>
        %swap3A_370 = vector.shape_cast %get3A_364 : vector<16xf32> to vector<1x1x16xf32>
        tpu.vector_store %arg7[%swap3A_365, %swap3A_366, %swap3A_367], %swap3A_370 {strides = array<i32>} : memref<2x128x64xf32, #tpu.memory_space<vmem>>, vector<1x1x16xf32>,
        %get3A_371 = arith.constant 3 : i32
        %get3A_372 = arith.index_cast %get3A_371 : i32 to index
        %get3A_373 = arith.index_cast %scan3A_358 : i32 to index
        %get3A_374 = arith.constant 16 : index
        %get3A_375 = tpu.vector_load %arg6[%get3A_372, %get3A_373, %get3A_374] {strides = array<i32>} : memref<4x128x128xf32, #tpu.memory_space<vmem>>, vector<1x1x16xf32>,
        %get3A_376 = vector.shape_cast %get3A_375 : vector<1x1x16xf32> to vector<16xf32>
        %swap3A_377 = arith.constant 1 : i32
        %swap3A_378 = arith.index_cast %swap3A_377 : i32 to index
        %swap3A_379 = arith.index_cast %scan3A_358 : i32 to index
        %swap3A_380 = arith.constant 16 : index
        %swap3A_381 = tpu.vector_load %arg7[%swap3A_378, %swap3A_379, %swap3A_380] {strides = array<i32>} : memref<2x128x64xf32, #tpu.memory_space<vmem>>, vector<1x1x16xf32>,
        %swap3A_382 = vector.shape_cast %swap3A_381 : vector<1x1x16xf32> to vector<16xf32>
        %swap3A_383 = vector.shape_cast %get3A_376 : vector<16xf32> to vector<1x1x16xf32>
        tpu.vector_store %arg7[%swap3A_378, %swap3A_379, %swap3A_380], %swap3A_383 {strides = array<i32>} : memref<2x128x64xf32, #tpu.memory_space<vmem>>, vector<1x1x16xf32>,
        %get3A_384 = arith.constant 3 : i32
        %get3A_385 = arith.index_cast %get3A_384 : i32 to index
        %get3A_386 = arith.index_cast %scan3A_358 : i32 to index
        %get3A_387 = arith.constant 32 : index
        %get3A_388 = tpu.vector_load %arg6[%get3A_385, %get3A_386, %get3A_387] {strides = array<i32>} : memref<4x128x128xf32, #tpu.memory_space<vmem>>, vector<1x1x16xf32>,
        %get3A_389 = vector.shape_cast %get3A_388 : vector<1x1x16xf32> to vector<16xf32>
        %swap3A_390 = arith.constant 1 : i32
        %swap3A_391 = arith.index_cast %swap3A_390 : i32 to index
        %swap3A_392 = arith.index_cast %scan3A_358 : i32 to index
        %swap3A_393 = arith.constant 32 : index
        %swap3A_394 = tpu.vector_load %arg7[%swap3A_391, %swap3A_392, %swap3A_393] {strides = array<i32>} : memref<2x128x64xf32, #tpu.memory_space<vmem>>, vector<1x1x16xf32>,
        %swap3A_395 = vector.shape_cast %swap3A_394 : vector<1x1x16xf32> to vector<16xf32>
        %swap3A_396 = vector.shape_cast %get3A_389 : vector<16xf32> to vector<1x1x16xf32>
        tpu.vector_store %arg7[%swap3A_391, %swap3A_392, %swap3A_393], %swap3A_396 {strides = array<i32>} : memref<2x128x64xf32, #tpu.memory_space<vmem>>, vector<1x1x16xf32>,
        %get3A_397 = arith.constant 3 : i32
        %get3A_398 = arith.index_cast %get3A_397 : i32 to index
        %get3A_399 = arith.index_cast %scan3A_358 : i32 to index
        %get3A_400 = arith.constant 48 : index
        %get3A_401 = tpu.vector_load %arg6[%get3A_398, %get3A_399, %get3A_400] {strides = array<i32>} : memref<4x128x128xf32, #tpu.memory_space<vmem>>, vector<1x1x16xf32>,
        %get3A_402 = vector.shape_cast %get3A_401 : vector<1x1x16xf32> to vector<16xf32>
        %swap3A_403 = arith.constant 1 : i32
        %swap3A_404 = arith.index_cast %swap3A_403 : i32 to index
        %swap3A_405 = arith.index_cast %scan3A_358 : i32 to index
        %swap3A_406 = arith.constant 48 : index
        %swap3A_407 = tpu.vector_load %arg7[%swap3A_404, %swap3A_405, %swap3A_406] {strides = array<i32>} : memref<2x128x64xf32, #tpu.memory_space<vmem>>, vector<1x1x16xf32>,
        %swap3A_408 = vector.shape_cast %swap3A_407 : vector<1x1x16xf32> to vector<16xf32>
        %swap3A_409 = vector.shape_cast %get3A_402 : vector<16xf32> to vector<1x1x16xf32>
        tpu.vector_store %arg7[%swap3A_404, %swap3A_405, %swap3A_406], %swap3A_409 {strides = array<i32>} : memref<2x128x64xf32, #tpu.memory_space<vmem>>, vector<1x1x16xf32>,
        %scan3A_410 = arith.constant 0 : i32
        %scan3A_411 = arith.constant 1 : i32
        %scan3A_412 = arith.addi %scan3A_358, %scan3A_411 : i32
        %get3A_413 = arith.constant 3 : i32
        %get3A_414 = arith.index_cast %get3A_413 : i32 to index
        %get3A_415 = arith.index_cast %scan3A_412 : i32 to index
        %get3A_416 = arith.constant 0 : index
        %get3A_417 = tpu.vector_load %arg6[%get3A_414, %get3A_415, %get3A_416] {strides = array<i32>} : memref<4x128x128xf32, #tpu.memory_space<vmem>>, vector<1x1x16xf32>,
        %get3A_418 = vector.shape_cast %get3A_417 : vector<1x1x16xf32> to vector<16xf32>
        %swap3A_419 = arith.constant 1 : i32
        %swap3A_420 = arith.index_cast %swap3A_419 : i32 to index
        %swap3A_421 = arith.index_cast %scan3A_412 : i32 to index
        %swap3A_422 = arith.constant 0 : index
        %swap3A_423 = tpu.vector_load %arg7[%swap3A_420, %swap3A_421, %swap3A_422] {strides = array<i32>} : memref<2x128x64xf32, #tpu.memory_space<vmem>>, vector<1x1x16xf32>,
        %swap3A_424 = vector.shape_cast %swap3A_423 : vector<1x1x16xf32> to vector<16xf32>
        %swap3A_425 = vector.shape_cast %get3A_418 : vector<16xf32> to vector<1x1x16xf32>
        tpu.vector_store %arg7[%swap3A_420, %swap3A_421, %swap3A_422], %swap3A_425 {strides = array<i32>} : memref<2x128x64xf32, #tpu.memory_space<vmem>>, vector<1x1x16xf32>,
        %get3A_426 = arith.constant 3 : i32
        %get3A_427 = arith.index_cast %get3A_426 : i32 to index
        %get3A_428 = arith.index_cast %scan3A_412 : i32 to index
        %get3A_429 = arith.constant 16 : index
        %get3A_430 = tpu.vector_load %arg6[%get3A_427, %get3A_428, %get3A_429] {strides = array<i32>} : memref<4x128x128xf32, #tpu.memory_space<vmem>>, vector<1x1x16xf32>,
        %get3A_431 = vector.shape_cast %get3A_430 : vector<1x1x16xf32> to vector<16xf32>
        %swap3A_432 = arith.constant 1 : i32
        %swap3A_433 = arith.index_cast %swap3A_432 : i32 to index
        %swap3A_434 = arith.index_cast %scan3A_412 : i32 to index
        %swap3A_435 = arith.constant 16 : index
        %swap3A_436 = tpu.vector_load %arg7[%swap3A_433, %swap3A_434, %swap3A_435] {strides = array<i32>} : memref<2x128x64xf32, #tpu.memory_space<vmem>>, vector<1x1x16xf32>,
        %swap3A_437 = vector.shape_cast %swap3A_436 : vector<1x1x16xf32> to vector<16xf32>
        %swap3A_438 = vector.shape_cast %get3A_431 : vector<16xf32> to vector<1x1x16xf32>
        tpu.vector_store %arg7[%swap3A_433, %swap3A_434, %swap3A_435], %swap3A_438 {strides = array<i32>} : memref<2x128x64xf32, #tpu.memory_space<vmem>>, vector<1x1x16xf32>,
        %get3A_439 = arith.constant 3 : i32
        %get3A_440 = arith.index_cast %get3A_439 : i32 to index
        %get3A_441 = arith.index_cast %scan3A_412 : i32 to index
        %get3A_442 = arith.constant 32 : index
        %get3A_443 = tpu.vector_load %arg6[%get3A_440, %get3A_441, %get3A_442] {strides = array<i32>} : memref<4x128x128xf32, #tpu.memory_space<vmem>>, vector<1x1x16xf32>,
        %get3A_444 = vector.shape_cast %get3A_443 : vector<1x1x16xf32> to vector<16xf32>
        %swap3A_445 = arith.constant 1 : i32
        %swap3A_446 = arith.index_cast %swap3A_445 : i32 to index
        %swap3A_447 = arith.index_cast %scan3A_412 : i32 to index
        %swap3A_448 = arith.constant 32 : index
        %swap3A_449 = tpu.vector_load %arg7[%swap3A_446, %swap3A_447, %swap3A_448] {strides = array<i32>} : memref<2x128x64xf32, #tpu.memory_space<vmem>>, vector<1x1x16xf32>,
        %swap3A_450 = vector.shape_cast %swap3A_449 : vector<1x1x16xf32> to vector<16xf32>
        %swap3A_451 = vector.shape_cast %get3A_444 : vector<16xf32> to vector<1x1x16xf32>
        tpu.vector_store %arg7[%swap3A_446, %swap3A_447, %swap3A_448], %swap3A_451 {strides = array<i32>} : memref<2x128x64xf32, #tpu.memory_space<vmem>>, vector<1x1x16xf32>,
        %get3A_452 = arith.constant 3 : i32
        %get3A_453 = arith.index_cast %get3A_452 : i32 to index
        %get3A_454 = arith.index_cast %scan3A_412 : i32 to index
        %get3A_455 = arith.constant 48 : index
        %get3A_456 = tpu.vector_load %arg6[%get3A_453, %get3A_454, %get3A_455] {strides = array<i32>} : memref<4x128x128xf32, #tpu.memory_space<vmem>>, vector<1x1x16xf32>,
        %get3A_457 = vector.shape_cast %get3A_456 : vector<1x1x16xf32> to vector<16xf32>
        %swap3A_458 = arith.constant 1 : i32
        %swap3A_459 = arith.index_cast %swap3A_458 : i32 to index
        %swap3A_460 = arith.index_cast %scan3A_412 : i32 to index
        %swap3A_461 = arith.constant 48 : index
        %swap3A_462 = tpu.vector_load %arg7[%swap3A_459, %swap3A_460, %swap3A_461] {strides = array<i32>} : memref<2x128x64xf32, #tpu.memory_space<vmem>>, vector<1x1x16xf32>,
        %swap3A_463 = vector.shape_cast %swap3A_462 : vector<1x1x16xf32> to vector<16xf32>
        %swap3A_464 = vector.shape_cast %get3A_457 : vector<16xf32> to vector<1x1x16xf32>
        tpu.vector_store %arg7[%swap3A_459, %swap3A_460, %swap3A_461], %swap3A_464 {strides = array<i32>} : memref<2x128x64xf32, #tpu.memory_space<vmem>>, vector<1x1x16xf32>,
        %scan3A_465 = arith.constant 0 : i32
        %scan3A_466 = arith.constant 2 : i32
        %scan3A_467 = arith.addi %scan3A_358, %scan3A_466 : i32
        %get3A_468 = arith.constant 3 : i32
        %get3A_469 = arith.index_cast %get3A_468 : i32 to index
        %get3A_470 = arith.index_cast %scan3A_467 : i32 to index
        %get3A_471 = arith.constant 0 : index
        %get3A_472 = tpu.vector_load %arg6[%get3A_469, %get3A_470, %get3A_471] {strides = array<i32>} : memref<4x128x128xf32, #tpu.memory_space<vmem>>, vector<1x1x16xf32>,
        %get3A_473 = vector.shape_cast %get3A_472 : vector<1x1x16xf32> to vector<16xf32>
        %swap3A_474 = arith.constant 1 : i32
        %swap3A_475 = arith.index_cast %swap3A_474 : i32 to index
        %swap3A_476 = arith.index_cast %scan3A_467 : i32 to index
        %swap3A_477 = arith.constant 0 : index
        %swap3A_478 = tpu.vector_load %arg7[%swap3A_475, %swap3A_476, %swap3A_477] {strides = array<i32>} : memref<2x128x64xf32, #tpu.memory_space<vmem>>, vector<1x1x16xf32>,
        %swap3A_479 = vector.shape_cast %swap3A_478 : vector<1x1x16xf32> to vector<16xf32>
        %swap3A_480 = vector.shape_cast %get3A_473 : vector<16xf32> to vector<1x1x16xf32>
        tpu.vector_store %arg7[%swap3A_475, %swap3A_476, %swap3A_477], %swap3A_480 {strides = array<i32>} : memref<2x128x64xf32, #tpu.memory_space<vmem>>, vector<1x1x16xf32>,
        %get3A_481 = arith.constant 3 : i32
        %get3A_482 = arith.index_cast %get3A_481 : i32 to index
        %get3A_483 = arith.index_cast %scan3A_467 : i32 to index
        %get3A_484 = arith.constant 16 : index
        %get3A_485 = tpu.vector_load %arg6[%get3A_482, %get3A_483, %get3A_484] {strides = array<i32>} : memref<4x128x128xf32, #tpu.memory_space<vmem>>, vector<1x1x16xf32>,
        %get3A_486 = vector.shape_cast %get3A_485 : vector<1x1x16xf32> to vector<16xf32>
        %swap3A_487 = arith.constant 1 : i32
        %swap3A_488 = arith.index_cast %swap3A_487 : i32 to index
        %swap3A_489 = arith.index_cast %scan3A_467 : i32 to index
        %swap3A_490 = arith.constant 16 : index
        %swap3A_491 = tpu.vector_load %arg7[%swap3A_488, %swap3A_489, %swap3A_490] {strides = array<i32>} : memref<2x128x64xf32, #tpu.memory_space<vmem>>, vector<1x1x16xf32>,
        %swap3A_492 = vector.shape_cast %swap3A_491 : vector<1x1x16xf32> to vector<16xf32>
        %swap3A_493 = vector.shape_cast %get3A_486 : vector<16xf32> to vector<1x1x16xf32>
        tpu.vector_store %arg7[%swap3A_488, %swap3A_489, %swap3A_490], %swap3A_493 {strides = array<i32>} : memref<2x128x64xf32, #tpu.memory_space<vmem>>, vector<1x1x16xf32>,
        %get3A_494 = arith.constant 3 : i32
        %get3A_495 = arith.index_cast %get3A_494 : i32 to index
        %get3A_496 = arith.index_cast %scan3A_467 : i32 to index
        %get3A_497 = arith.constant 32 : index
        %get3A_498 = tpu.vector_load %arg6[%get3A_495, %get3A_496, %get3A_497] {strides = array<i32>} : memref<4x128x128xf32, #tpu.memory_space<vmem>>, vector<1x1x16xf32>,
        %get3A_499 = vector.shape_cast %get3A_498 : vector<1x1x16xf32> to vector<16xf32>
        %swap3A_500 = arith.constant 1 : i32
        %swap3A_501 = arith.index_cast %swap3A_500 : i32 to index
        %swap3A_502 = arith.index_cast %scan3A_467 : i32 to index
        %swap3A_503 = arith.constant 32 : index
        %swap3A_504 = tpu.vector_load %arg7[%swap3A_501, %swap3A_502, %swap3A_503] {strides = array<i32>} : memref<2x128x64xf32, #tpu.memory_space<vmem>>, vector<1x1x16xf32>,
        %swap3A_505 = vector.shape_cast %swap3A_504 : vector<1x1x16xf32> to vector<16xf32>
        %swap3A_506 = vector.shape_cast %get3A_499 : vector<16xf32> to vector<1x1x16xf32>
        tpu.vector_store %arg7[%swap3A_501, %swap3A_502, %swap3A_503], %swap3A_506 {strides = array<i32>} : memref<2x128x64xf32, #tpu.memory_space<vmem>>, vector<1x1x16xf32>,
        %get3A_507 = arith.constant 3 : i32
        %get3A_508 = arith.index_cast %get3A_507 : i32 to index
        %get3A_509 = arith.index_cast %scan3A_467 : i32 to index
        %get3A_510 = arith.constant 48 : index
        %get3A_511 = tpu.vector_load %arg6[%get3A_508, %get3A_509, %get3A_510] {strides = array<i32>} : memref<4x128x128xf32, #tpu.memory_space<vmem>>, vector<1x1x16xf32>,
        %get3A_512 = vector.shape_cast %get3A_511 : vector<1x1x16xf32> to vector<16xf32>
        %swap3A_513 = arith.constant 1 : i32
        %swap3A_514 = arith.index_cast %swap3A_513 : i32 to index
        %swap3A_515 = arith.index_cast %scan3A_467 : i32 to index
        %swap3A_516 = arith.constant 48 : index
        %swap3A_517 = tpu.vector_load %arg7[%swap3A_514, %swap3A_515, %swap3A_516] {strides = array<i32>} : memref<2x128x64xf32, #tpu.memory_space<vmem>>, vector<1x1x16xf32>,
        %swap3A_518 = vector.shape_cast %swap3A_517 : vector<1x1x16xf32> to vector<16xf32>
        %swap3A_519 = vector.shape_cast %get3A_512 : vector<16xf32> to vector<1x1x16xf32>
        tpu.vector_store %arg7[%swap3A_514, %swap3A_515, %swap3A_516], %swap3A_519 {strides = array<i32>} : memref<2x128x64xf32, #tpu.memory_space<vmem>>, vector<1x1x16xf32>,
        %scan3A_520 = arith.constant 0 : i32
        %scan3A_521 = arith.constant 3 : i32
        %scan3A_522 = arith.addi %scan3A_358, %scan3A_521 : i32
        %get3A_523 = arith.constant 3 : i32
        %get3A_524 = arith.index_cast %get3A_523 : i32 to index
        %get3A_525 = arith.index_cast %scan3A_522 : i32 to index
        %get3A_526 = arith.constant 0 : index
        %get3A_527 = tpu.vector_load %arg6[%get3A_524, %get3A_525, %get3A_526] {strides = array<i32>} : memref<4x128x128xf32, #tpu.memory_space<vmem>>, vector<1x1x16xf32>,
        %get3A_528 = vector.shape_cast %get3A_527 : vector<1x1x16xf32> to vector<16xf32>
        %swap3A_529 = arith.constant 1 : i32
        %swap3A_530 = arith.index_cast %swap3A_529 : i32 to index
        %swap3A_531 = arith.index_cast %scan3A_522 : i32 to index
        %swap3A_532 = arith.constant 0 : index
        %swap3A_533 = tpu.vector_load %arg7[%swap3A_530, %swap3A_531, %swap3A_532] {strides = array<i32>} : memref<2x128x64xf32, #tpu.memory_space<vmem>>, vector<1x1x16xf32>,
        %swap3A_534 = vector.shape_cast %swap3A_533 : vector<1x1x16xf32> to vector<16xf32>
        %swap3A_535 = vector.shape_cast %get3A_528 : vector<16xf32> to vector<1x1x16xf32>
        tpu.vector_store %arg7[%swap3A_530, %swap3A_531, %swap3A_532], %swap3A_535 {strides = array<i32>} : memref<2x128x64xf32, #tpu.memory_space<vmem>>, vector<1x1x16xf32>,
        %get3A_536 = arith.constant 3 : i32
        %get3A_537 = arith.index_cast %get3A_536 : i32 to index
        %get3A_538 = arith.index_cast %scan3A_522 : i32 to index
        %get3A_539 = arith.constant 16 : index
        %get3A_540 = tpu.vector_load %arg6[%get3A_537, %get3A_538, %get3A_539] {strides = array<i32>} : memref<4x128x128xf32, #tpu.memory_space<vmem>>, vector<1x1x16xf32>,
        %get3A_541 = vector.shape_cast %get3A_540 : vector<1x1x16xf32> to vector<16xf32>
        %swap3A_542 = arith.constant 1 : i32
        %swap3A_543 = arith.index_cast %swap3A_542 : i32 to index
        %swap3A_544 = arith.index_cast %scan3A_522 : i32 to index
        %swap3A_545 = arith.constant 16 : index
        %swap3A_546 = tpu.vector_load %arg7[%swap3A_543, %swap3A_544, %swap3A_545] {strides = array<i32>} : memref<2x128x64xf32, #tpu.memory_space<vmem>>, vector<1x1x16xf32>,
        %swap3A_547 = vector.shape_cast %swap3A_546 : vector<1x1x16xf32> to vector<16xf32>
        %swap3A_548 = vector.shape_cast %get3A_541 : vector<16xf32> to vector<1x1x16xf32>
        tpu.vector_store %arg7[%swap3A_543, %swap3A_544, %swap3A_545], %swap3A_548 {strides = array<i32>} : memref<2x128x64xf32, #tpu.memory_space<vmem>>, vector<1x1x16xf32>,
        %get3A_549 = arith.constant 3 : i32
        %get3A_550 = arith.index_cast %get3A_549 : i32 to index
        %get3A_551 = arith.index_cast %scan3A_522 : i32 to index
        %get3A_552 = arith.constant 32 : index
        %get3A_553 = tpu.vector_load %arg6[%get3A_550, %get3A_551, %get3A_552] {strides = array<i32>} : memref<4x128x128xf32, #tpu.memory_space<vmem>>, vector<1x1x16xf32>,
        %get3A_554 = vector.shape_cast %get3A_553 : vector<1x1x16xf32> to vector<16xf32>
        %swap3A_555 = arith.constant 1 : i32
        %swap3A_556 = arith.index_cast %swap3A_555 : i32 to index
        %swap3A_557 = arith.index_cast %scan3A_522 : i32 to index
        %swap3A_558 = arith.constant 32 : index
        %swap3A_559 = tpu.vector_load %arg7[%swap3A_556, %swap3A_557, %swap3A_558] {strides = array<i32>} : memref<2x128x64xf32, #tpu.memory_space<vmem>>, vector<1x1x16xf32>,
        %swap3A_560 = vector.shape_cast %swap3A_559 : vector<1x1x16xf32> to vector<16xf32>
        %swap3A_561 = vector.shape_cast %get3A_554 : vector<16xf32> to vector<1x1x16xf32>
        tpu.vector_store %arg7[%swap3A_556, %swap3A_557, %swap3A_558], %swap3A_561 {strides = array<i32>} : memref<2x128x64xf32, #tpu.memory_space<vmem>>, vector<1x1x16xf32>,
        %get3A_562 = arith.constant 3 : i32
        %get3A_563 = arith.index_cast %get3A_562 : i32 to index
        %get3A_564 = arith.index_cast %scan3A_522 : i32 to index
        %get3A_565 = arith.constant 48 : index
        %get3A_566 = tpu.vector_load %arg6[%get3A_563, %get3A_564, %get3A_565] {strides = array<i32>} : memref<4x128x128xf32, #tpu.memory_space<vmem>>, vector<1x1x16xf32>,
        %get3A_567 = vector.shape_cast %get3A_566 : vector<1x1x16xf32> to vector<16xf32>
        %swap3A_568 = arith.constant 1 : i32
        %swap3A_569 = arith.index_cast %swap3A_568 : i32 to index
        %swap3A_570 = arith.index_cast %scan3A_522 : i32 to index
        %swap3A_571 = arith.constant 48 : index
        %swap3A_572 = tpu.vector_load %arg7[%swap3A_569, %swap3A_570, %swap3A_571] {strides = array<i32>} : memref<2x128x64xf32, #tpu.memory_space<vmem>>, vector<1x1x16xf32>,
        %swap3A_573 = vector.shape_cast %swap3A_572 : vector<1x1x16xf32> to vector<16xf32>
        %swap3A_574 = vector.shape_cast %get3A_567 : vector<16xf32> to vector<1x1x16xf32>
        tpu.vector_store %arg7[%swap3A_569, %swap3A_570, %swap3A_571], %swap3A_574 {strides = array<i32>} : memref<2x128x64xf32, #tpu.memory_space<vmem>>, vector<1x1x16xf32>,
        %scan3A_575 = arith.constant 0 : i32
        scf.yield %scan3A_575 : i32
      }
      %scan3A_335 = arith.constant 128 : i32
      %add3A_336 = arith.addi %mul3A_2, %add3A_282 : i32
      %dma_start3A_337 = arith.constant 1 : i32
      %dma_start3A_338 = arith.constant 1 : i32
      %dma_start3A_339 = arith.constant 0 : i32
      %dma_start3A_340 = arith.constant 0 : i32
      %dma_start3A_341 = tpu.memref_slice %arg7[%dma_start3A_337, %dma_start3A_339, %dma_start3A_340] : memref<2x128x64xf32, #tpu.memory_space<vmem>> -> memref<1x128x64xf32, #tpu.memory_space<vmem>>
      %dma_start3A_342 = tpu.memref_squeeze %dma_start3A_341 : memref<1x128x64xf32, #tpu.memory_space<vmem>> -> memref<128x64xf32, #tpu.memory_space<vmem>>
      %dma_start3A_343 = arith.constant 0 : i32
      %dma_start3A_344 = arith.constant 0 : i32
      %dma_start3A_345 = tpu.memref_slice %arg4[%add3A_336, %dma_start3A_343, %dma_start3A_344] : memref<6400x128x64xf32, #tpu.memory_space<hbm>> -> memref<1x128x64xf32, #tpu.memory_space<hbm>>
      %dma_start3A_346 = tpu.memref_squeeze %dma_start3A_345 : memref<1x128x64xf32, #tpu.memory_space<hbm>> -> memref<128x64xf32, #tpu.memory_space<hbm>>
      %dma_start3A_347 = tpu.memref_slice %arg9[%dma_start3A_338] : memref<2x!tpu.dma_semaphore, #tpu.memory_space<semaphore_mem>> -> memref<1x!tpu.dma_semaphore, #tpu.memory_space<semaphore_mem>>
      %dma_start3A_348 = tpu.memref_squeeze %dma_start3A_347 : memref<1x!tpu.dma_semaphore, #tpu.memory_space<semaphore_mem>> -> memref<!tpu.dma_semaphore, #tpu.memory_space<semaphore_mem>>
      %dma_start3A_349 = arith.constant 0 : i32
      %dma_start3A_350 = arith.constant 0 : i32
      %dma_start3A_351 = tpu.memref_slice %arg4[%add3A_336, %dma_start3A_349, %dma_start3A_350] : memref<6400x128x64xf32, #tpu.memory_space<hbm>> -> memref<1x128x64xf32, #tpu.memory_space<hbm>>
      %dma_start3A_352 = tpu.memref_squeeze %dma_start3A_351 : memref<1x128x64xf32, #tpu.memory_space<hbm>> -> memref<128x64xf32, #tpu.memory_space<hbm>>
      %dma_start3A_353 = arith.constant 0 : i32
      %dma_start3A_354 = arith.constant 0 : i32
      %dma_start3A_355 = tpu.memref_slice %arg7[%dma_start3A_337, %dma_start3A_353, %dma_start3A_354] : memref<2x128x64xf32, #tpu.memory_space<vmem>> -> memref<1x128x64xf32, #tpu.memory_space<vmem>>
      %dma_start3A_356 = tpu.memref_squeeze %dma_start3A_355 : memref<1x128x64xf32, #tpu.memory_space<vmem>> -> memref<128x64xf32, #tpu.memory_space<vmem>>
      tpu.enqueue_dma source(%dma_start3A_356 : memref<128x64xf32, #tpu.memory_space<vmem>>) target(%dma_start3A_352 : memref<128x64xf32, #tpu.memory_space<hbm>>) target_semaphore(%dma_start3A_348 : memref<!tpu.dma_semaphore, #tpu.memory_space<semaphore_mem>>)
      %scan3A_357 = arith.constant 0 : i32
      scf.yield %scan3A_357 : i32
    }
    %scan3A_37 = arith.constant 50 : i32
    %dma_wait3A = arith.constant 0 : i32
    %dma_wait3A_38 = arith.constant 0 : i32
    %dma_wait3A_39 = arith.constant 0 : i32
    %dma_wait3A_40 = arith.constant 0 : i32
    %dma_wait3A_41 = arith.constant 0 : i32
    %dma_wait3A_42 = tpu.memref_slice %arg7[%dma_wait3A, %dma_wait3A_40, %dma_wait3A_41] : memref<2x128x64xf32, #tpu.memory_space<vmem>> -> memref<1x128x64xf32, #tpu.memory_space<vmem>>
    %dma_wait3A_43 = tpu.memref_squeeze %dma_wait3A_42 : memref<1x128x64xf32, #tpu.memory_space<vmem>> -> memref<128x64xf32, #tpu.memory_space<vmem>>
    %dma_wait3A_44 = arith.constant 0 : i32
    %dma_wait3A_45 = arith.constant 0 : i32
    %dma_wait3A_46 = tpu.memref_slice %arg4[%dma_wait3A_38, %dma_wait3A_44, %dma_wait3A_45] : memref<6400x128x64xf32, #tpu.memory_space<hbm>> -> memref<1x128x64xf32, #tpu.memory_space<hbm>>
    %dma_wait3A_47 = tpu.memref_squeeze %dma_wait3A_46 : memref<1x128x64xf32, #tpu.memory_space<hbm>> -> memref<128x64xf32, #tpu.memory_space<hbm>>
    %dma_wait3A_48 = tpu.memref_slice %arg9[%dma_wait3A_39] : memref<2x!tpu.dma_semaphore, #tpu.memory_space<semaphore_mem>> -> memref<1x!tpu.dma_semaphore, #tpu.memory_space<semaphore_mem>>
    %dma_wait3A_49 = tpu.memref_squeeze %dma_wait3A_48 : memref<1x!tpu.dma_semaphore, #tpu.memory_space<semaphore_mem>> -> memref<!tpu.dma_semaphore, #tpu.memory_space<semaphore_mem>>
    %dma_wait3A_50 = arith.constant 0 : i32
    %dma_wait3A_51 = arith.constant 0 : i32
    %dma_wait3A_52 = tpu.memref_slice %arg4[%dma_wait3A_38, %dma_wait3A_50, %dma_wait3A_51] : memref<6400x128x64xf32, #tpu.memory_space<hbm>> -> memref<1x128x64xf32, #tpu.memory_space<hbm>>
    %dma_wait3A_53 = tpu.memref_squeeze %dma_wait3A_52 : memref<1x128x64xf32, #tpu.memory_space<hbm>> -> memref<128x64xf32, #tpu.memory_space<hbm>>
    %dma_wait3A_54 = arith.constant 0 : i32
    %dma_wait3A_55 = arith.constant 0 : i32
    %dma_wait3A_56 = tpu.memref_slice %arg7[%dma_wait3A, %dma_wait3A_54, %dma_wait3A_55] : memref<2x128x64xf32, #tpu.memory_space<vmem>> -> memref<1x128x64xf32, #tpu.memory_space<vmem>>
    %dma_wait3A_57 = tpu.memref_squeeze %dma_wait3A_56 : memref<1x128x64xf32, #tpu.memory_space<vmem>> -> memref<128x64xf32, #tpu.memory_space<vmem>>
    tpu.wait_dma2 semaphore(%dma_wait3A_49 : memref<!tpu.dma_semaphore, #tpu.memory_space<semaphore_mem>>) src(%dma_wait3A_57 : memref<128x64xf32, #tpu.memory_space<vmem>>) dst(%dma_wait3A_53 : memref<128x64xf32, #tpu.memory_space<hbm>>)
    %dma_wait3A_58 = arith.constant 1 : i32
    %dma_wait3A_59 = arith.constant 0 : i32
    %dma_wait3A_60 = arith.constant 1 : i32
    %dma_wait3A_61 = arith.constant 0 : i32
    %dma_wait3A_62 = arith.constant 0 : i32
    %dma_wait3A_63 = tpu.memref_slice %arg7[%dma_wait3A_58, %dma_wait3A_61, %dma_wait3A_62] : memref<2x128x64xf32, #tpu.memory_space<vmem>> -> memref<1x128x64xf32, #tpu.memory_space<vmem>>
    %dma_wait3A_64 = tpu.memref_squeeze %dma_wait3A_63 : memref<1x128x64xf32, #tpu.memory_space<vmem>> -> memref<128x64xf32, #tpu.memory_space<vmem>>
    %dma_wait3A_65 = arith.constant 0 : i32
    %dma_wait3A_66 = arith.constant 0 : i32
    %dma_wait3A_67 = tpu.memref_slice %arg4[%dma_wait3A_59, %dma_wait3A_65, %dma_wait3A_66] : memref<6400x128x64xf32, #tpu.memory_space<hbm>> -> memref<1x128x64xf32, #tpu.memory_space<hbm>>
    %dma_wait3A_68 = tpu.memref_squeeze %dma_wait3A_67 : memref<1x128x64xf32, #tpu.memory_space<hbm>> -> memref<128x64xf32, #tpu.memory_space<hbm>>
    %dma_wait3A_69 = tpu.memref_slice %arg9[%dma_wait3A_60] : memref<2x!tpu.dma_semaphore, #tpu.memory_space<semaphore_mem>> -> memref<1x!tpu.dma_semaphore, #tpu.memory_space<semaphore_mem>>
    %dma_wait3A_70 = tpu.memref_squeeze %dma_wait3A_69 : memref<1x!tpu.dma_semaphore, #tpu.memory_space<semaphore_mem>> -> memref<!tpu.dma_semaphore, #tpu.memory_space<semaphore_mem>>
    %dma_wait3A_71 = arith.constant 0 : i32
    %dma_wait3A_72 = arith.constant 0 : i32
    %dma_wait3A_73 = tpu.memref_slice %arg4[%dma_wait3A_59, %dma_wait3A_71, %dma_wait3A_72] : memref<6400x128x64xf32, #tpu.memory_space<hbm>> -> memref<1x128x64xf32, #tpu.memory_space<hbm>>
    %dma_wait3A_74 = tpu.memref_squeeze %dma_wait3A_73 : memref<1x128x64xf32, #tpu.memory_space<hbm>> -> memref<128x64xf32, #tpu.memory_space<hbm>>
    %dma_wait3A_75 = arith.constant 0 : i32
    %dma_wait3A_76 = arith.constant 0 : i32
    %dma_wait3A_77 = tpu.memref_slice %arg7[%dma_wait3A_58, %dma_wait3A_75, %dma_wait3A_76] : memref<2x128x64xf32, #tpu.memory_space<vmem>> -> memref<1x128x64xf32, #tpu.memory_space<vmem>>
    %dma_wait3A_78 = tpu.memref_squeeze %dma_wait3A_77 : memref<1x128x64xf32, #tpu.memory_space<vmem>> -> memref<128x64xf32, #tpu.memory_space<vmem>>
    tpu.wait_dma2 semaphore(%dma_wait3A_70 : memref<!tpu.dma_semaphore, #tpu.memory_space<semaphore_mem>>) src(%dma_wait3A_78 : memref<128x64xf32, #tpu.memory_space<vmem>>) dst(%dma_wait3A_74 : memref<128x64xf32, #tpu.memory_space<hbm>>)
    return
  }
}

#map = affine_map<(d0, d1) -> (0, 0)>
#map1 = affine_map<(d0, d1) -> (0)>
module attributes {stable_mosaic.version = 14 : i64} {
  func.func @build(%arg0: i32, %arg1: i32, %arg2: memref<100000x64xf32, #tpu.memory_space<hbm>>, %arg3: memref<1024x128xf32, #tpu.memory_space<hbm>>, %arg4: memref<100096xi32, #tpu.memory_space<hbm>>, %arg5: memref<100000x128xf32, #tpu.memory_space<hbm>>, %arg6: memref<3328xi32, #tpu.memory_space<vmem>>, %arg7: memref<128x128xf32, #tpu.memory_space<vmem>>, %arg8: memref<128x64xf32, #tpu.memory_space<vmem>>, %arg9: memref<!tpu.dma_semaphore, #tpu.memory_space<semaphore_mem>>) attributes {dimension_semantics = [#tpu.dimension_semantics<core_parallel>, #tpu.dimension_semantics<subcore_parallel>], iteration_bounds = array<i64: 2, 16>, scalar_prefetch = 0 : i64, scratch_operands = 4 : i64, tpu.core_type = #tpu.core_type<sc_vector_subcore>, window_params = [{transform_indices = #map}, {transform_indices = #map}, {transform_indices = #map1}, {transform_indices = #map}]} {
    %mul3A = arith.constant 2 : i32
    %mul3A_0 = arith.muli %arg1, %mul3A : i32
    %add3A = arith.addi %mul3A_0, %arg0 : i32
    %mul3A_1 = arith.constant 24 : i32
    %mul3A_2 = arith.muli %add3A, %mul3A_1 : i32
    %min3A = arith.constant 13 : i32
    %min3A_3 = arith.minsi %add3A, %min3A : i32
    %add3A_4 = arith.addi %mul3A_2, %min3A_3 : i32
    %lt3A = arith.constant 13 : i32
    %lt3A_5 = arith.cmpi slt, %add3A, %lt3A : i32
    %mul3A_6 = arith.constant 128 : i32
    %mul3A_7 = arith.muli %add3A_4, %mul3A_6 : i32
    "tpu.region"() ({
      %run_scoped3A = tpu.sem_alloc : memref<!tpu.dma_semaphore, #tpu.memory_space<semaphore_mem>>
      %dma_start3A = arith.constant 0 : i32
      %dma_start3A_22 = tpu.memref_slice %arg6[%dma_start3A] : memref<3328xi32, #tpu.memory_space<vmem>> -> memref<3072xi32, #tpu.memory_space<vmem>>
      %dma_start3A_23 = tpu.memref_slice %arg4[%mul3A_7] : memref<100096xi32, #tpu.memory_space<hbm>> -> memref<3072xi32, #tpu.memory_space<hbm>>
      %dma_start3A_24 = arith.constant 0 : i32
      %dma_start3A_25 = tpu.memref_slice %arg6[%dma_start3A_24] : memref<3328xi32, #tpu.memory_space<vmem>> -> memref<3072xi32, #tpu.memory_space<vmem>>
      %dma_start3A_26 = tpu.memref_slice %arg4[%mul3A_7] : memref<100096xi32, #tpu.memory_space<hbm>> -> memref<3072xi32, #tpu.memory_space<hbm>>
      tpu.enqueue_dma source(%dma_start3A_26 : memref<3072xi32, #tpu.memory_space<hbm>>) target(%dma_start3A_25 : memref<3072xi32, #tpu.memory_space<vmem>>) target_semaphore(%run_scoped3A : memref<!tpu.dma_semaphore, #tpu.memory_space<semaphore_mem>>)
      %dma_wait3A = arith.constant 0 : i32
      %dma_wait3A_27 = tpu.memref_slice %arg6[%dma_wait3A] : memref<3328xi32, #tpu.memory_space<vmem>> -> memref<3072xi32, #tpu.memory_space<vmem>>
      %dma_wait3A_28 = tpu.memref_slice %arg4[%mul3A_7] : memref<100096xi32, #tpu.memory_space<hbm>> -> memref<3072xi32, #tpu.memory_space<hbm>>
      %dma_wait3A_29 = arith.constant 0 : i32
      %dma_wait3A_30 = tpu.memref_slice %arg6[%dma_wait3A_29] : memref<3328xi32, #tpu.memory_space<vmem>> -> memref<3072xi32, #tpu.memory_space<vmem>>
      %dma_wait3A_31 = tpu.memref_slice %arg4[%mul3A_7] : memref<100096xi32, #tpu.memory_space<hbm>> -> memref<3072xi32, #tpu.memory_space<hbm>>
      tpu.wait_dma2 semaphore(%run_scoped3A : memref<!tpu.dma_semaphore, #tpu.memory_space<semaphore_mem>>) src(%dma_wait3A_31 : memref<3072xi32, #tpu.memory_space<hbm>>) dst(%dma_wait3A_30 : memref<3072xi32, #tpu.memory_space<vmem>>)
      tpu.yield
    }) : () -> ()
    %convert_element_type3A = arith.extui %lt3A_5 : i1 to i32
    %cond3A = arith.constant 0 : i32
    %cond3A_8 = arith.cmpi ne, %convert_element_type3A, %cond3A : i32
    scf.if %cond3A_8 {
      %add3A_22 = arith.constant 24 : i32
      %add3A_23 = arith.addi %add3A_4, %add3A_22 : i32
      %mul3A_24 = arith.constant 128 : i32
      %mul3A_25 = arith.muli %add3A_23, %mul3A_24 : i32
      "tpu.region"() ({
        %run_scoped3A = tpu.sem_alloc : memref<!tpu.dma_semaphore, #tpu.memory_space<semaphore_mem>>
        %dma_start3A = arith.constant 3072 : i32
        %dma_start3A_26 = tpu.memref_slice %arg6[%dma_start3A] : memref<3328xi32, #tpu.memory_space<vmem>> -> memref<128xi32, #tpu.memory_space<vmem>>
        %dma_start3A_27 = tpu.memref_slice %arg4[%mul3A_25] : memref<100096xi32, #tpu.memory_space<hbm>> -> memref<128xi32, #tpu.memory_space<hbm>>
        %dma_start3A_28 = arith.constant 3072 : i32
        %dma_start3A_29 = tpu.memref_slice %arg6[%dma_start3A_28] : memref<3328xi32, #tpu.memory_space<vmem>> -> memref<128xi32, #tpu.memory_space<vmem>>
        %dma_start3A_30 = tpu.memref_slice %arg4[%mul3A_25] : memref<100096xi32, #tpu.memory_space<hbm>> -> memref<128xi32, #tpu.memory_space<hbm>>
        tpu.enqueue_dma source(%dma_start3A_30 : memref<128xi32, #tpu.memory_space<hbm>>) target(%dma_start3A_29 : memref<128xi32, #tpu.memory_space<vmem>>) target_semaphore(%run_scoped3A : memref<!tpu.dma_semaphore, #tpu.memory_space<semaphore_mem>>)
        %dma_wait3A = arith.constant 3072 : i32
        %dma_wait3A_31 = tpu.memref_slice %arg6[%dma_wait3A] : memref<3328xi32, #tpu.memory_space<vmem>> -> memref<128xi32, #tpu.memory_space<vmem>>
        %dma_wait3A_32 = tpu.memref_slice %arg4[%mul3A_25] : memref<100096xi32, #tpu.memory_space<hbm>> -> memref<128xi32, #tpu.memory_space<hbm>>
        %dma_wait3A_33 = arith.constant 3072 : i32
        %dma_wait3A_34 = tpu.memref_slice %arg6[%dma_wait3A_33] : memref<3328xi32, #tpu.memory_space<vmem>> -> memref<128xi32, #tpu.memory_space<vmem>>
        %dma_wait3A_35 = tpu.memref_slice %arg4[%mul3A_25] : memref<100096xi32, #tpu.memory_space<hbm>> -> memref<128xi32, #tpu.memory_space<hbm>>
        tpu.wait_dma2 semaphore(%run_scoped3A : memref<!tpu.dma_semaphore, #tpu.memory_space<semaphore_mem>>) src(%dma_wait3A_35 : memref<128xi32, #tpu.memory_space<hbm>>) dst(%dma_wait3A_34 : memref<128xi32, #tpu.memory_space<vmem>>)
        tpu.yield
      }) : () -> ()
    } else {
    }
    %scan3A = arith.constant 0 : i32
    %scan3A_9 = arith.constant 0 : i32
    %scan3A_10 = arith.constant 24 : i32
    %scan3A_11 = arith.addi %scan3A_9, %scan3A_10 : i32
    %scan3A_12 = arith.constant 1 : i32
    %scan3A_13 = scf.for %scan3A_22 = %scan3A_9 to %scan3A_11 step %scan3A_12 iter_args(%scan3A_23 = %scan3A) -> (i32)  : i32 {
      %add3A_24 = arith.addi %add3A_4, %scan3A_22 : i32
      %mul3A_25 = arith.constant 128 : i32
      %mul3A_26 = arith.muli %add3A_24, %mul3A_25 : i32
      %mul3A_27 = arith.constant 128 : i32
      %mul3A_28 = arith.muli %scan3A_22, %mul3A_27 : i32
      %dma_start3A = tpu.memref_slice %arg6[%mul3A_28] : memref<3328xi32, #tpu.memory_space<vmem>> -> memref<128xi32, #tpu.memory_space<vmem>>
      %dma_start3A_29 = arith.constant 0 : i32
      %dma_start3A_30 = arith.constant 0 : i32
      %dma_start3A_31 = tpu.memref_slice %arg3[%dma_start3A_29, %dma_start3A_30] : memref<1024x128xf32, #tpu.memory_space<hbm>> -> memref<1024x128xf32, #tpu.memory_space<hbm>>
      tpu.enqueue_indirect_dma source(%dma_start3A_31 : memref<1024x128xf32, #tpu.memory_space<hbm>>) target(%arg7 : memref<128x128xf32, #tpu.memory_space<vmem>>) offsets(%dma_start3A : memref<128xi32, #tpu.memory_space<vmem>>) semaphore(%arg9 : memref<!tpu.dma_semaphore, #tpu.memory_space<semaphore_mem>>)
      "tpu.region"() ({
        %run_scoped3A = tpu.sem_alloc : memref<!tpu.dma_semaphore, #tpu.memory_space<semaphore_mem>>
        %dma_start3A_43 = arith.constant 0 : i32
        %dma_start3A_44 = arith.constant 0 : i32
        %dma_start3A_45 = tpu.memref_slice %arg8[%dma_start3A_43, %dma_start3A_44] : memref<128x64xf32, #tpu.memory_space<vmem>> -> memref<128x64xf32, #tpu.memory_space<vmem>>
        %dma_start3A_46 = arith.constant 0 : i32
        %dma_start3A_47 = tpu.memref_slice %arg2[%mul3A_26, %dma_start3A_46] : memref<100000x64xf32, #tpu.memory_space<hbm>> -> memref<128x64xf32, #tpu.memory_space<hbm>>
        %dma_start3A_48 = arith.constant 0 : i32
        %dma_start3A_49 = arith.constant 0 : i32
        %dma_start3A_50 = tpu.memref_slice %arg8[%dma_start3A_48, %dma_start3A_49] : memref<128x64xf32, #tpu.memory_space<vmem>> -> memref<128x64xf32, #tpu.memory_space<vmem>>
        %dma_start3A_51 = arith.constant 0 : i32
        %dma_start3A_52 = tpu.memref_slice %arg2[%mul3A_26, %dma_start3A_51] : memref<100000x64xf32, #tpu.memory_space<hbm>> -> memref<128x64xf32, #tpu.memory_space<hbm>>
        tpu.enqueue_dma source(%dma_start3A_52 : memref<128x64xf32, #tpu.memory_space<hbm>>) target(%dma_start3A_50 : memref<128x64xf32, #tpu.memory_space<vmem>>) target_semaphore(%run_scoped3A : memref<!tpu.dma_semaphore, #tpu.memory_space<semaphore_mem>>)
        %dma_wait3A_53 = arith.constant 0 : i32
        %dma_wait3A_54 = arith.constant 0 : i32
        %dma_wait3A_55 = tpu.memref_slice %arg8[%dma_wait3A_53, %dma_wait3A_54] : memref<128x64xf32, #tpu.memory_space<vmem>> -> memref<128x64xf32, #tpu.memory_space<vmem>>
        %dma_wait3A_56 = arith.constant 0 : i32
        %dma_wait3A_57 = tpu.memref_slice %arg2[%mul3A_26, %dma_wait3A_56] : memref<100000x64xf32, #tpu.memory_space<hbm>> -> memref<128x64xf32, #tpu.memory_space<hbm>>
        %dma_wait3A_58 = arith.constant 0 : i32
        %dma_wait3A_59 = arith.constant 0 : i32
        %dma_wait3A_60 = tpu.memref_slice %arg8[%dma_wait3A_58, %dma_wait3A_59] : memref<128x64xf32, #tpu.memory_space<vmem>> -> memref<128x64xf32, #tpu.memory_space<vmem>>
        %dma_wait3A_61 = arith.constant 0 : i32
        %dma_wait3A_62 = tpu.memref_slice %arg2[%mul3A_26, %dma_wait3A_61] : memref<100000x64xf32, #tpu.memory_space<hbm>> -> memref<128x64xf32, #tpu.memory_space<hbm>>
        tpu.wait_dma2 semaphore(%run_scoped3A : memref<!tpu.dma_semaphore, #tpu.memory_space<semaphore_mem>>) src(%dma_wait3A_62 : memref<128x64xf32, #tpu.memory_space<hbm>>) dst(%dma_wait3A_60 : memref<128x64xf32, #tpu.memory_space<vmem>>)
        tpu.yield
      }) : () -> ()
      %dma_wait3A = tpu.memref_slice %arg6[%mul3A_28] : memref<3328xi32, #tpu.memory_space<vmem>> -> memref<128xi32, #tpu.memory_space<vmem>>
      %dma_wait3A_32 = arith.constant 0 : i32
      %dma_wait3A_33 = arith.constant 0 : i32
      %dma_wait3A_34 = tpu.memref_slice %arg3[%dma_wait3A_32, %dma_wait3A_33] : memref<1024x128xf32, #tpu.memory_space<hbm>> -> memref<1024x128xf32, #tpu.memory_space<hbm>>
      tpu.wait_indirect_dma semaphore(%arg9 : memref<!tpu.dma_semaphore, #tpu.memory_space<semaphore_mem>>) src(%dma_wait3A_34 : memref<1024x128xf32, #tpu.memory_space<hbm>>) dst(%arg7 : memref<128x128xf32, #tpu.memory_space<vmem>>)
      %scan3A_35 = arith.constant 0 : i32
      %scan3A_36 = arith.constant 0 : i32
      %scan3A_37 = arith.constant 128 : i32
      %scan3A_38 = arith.addi %scan3A_36, %scan3A_37 : i32
      %scan3A_39 = arith.constant 4 : i32
      %scan3A_40 = scf.for %scan3A_43 = %scan3A_36 to %scan3A_38 step %scan3A_39 iter_args(%scan3A_44 = %scan3A_35) -> (i32)  : i32 {
        %get3A = arith.index_cast %scan3A_43 : i32 to index
        %get3A_45 = arith.constant 0 : index
        %get3A_46 = tpu.vector_load %arg8[%get3A, %get3A_45] {strides = array<i32>} : memref<128x64xf32, #tpu.memory_space<vmem>>, vector<1x16xf32>,
        %get3A_47 = vector.shape_cast %get3A_46 : vector<1x16xf32> to vector<16xf32>
        %get3A_48 = arith.index_cast %scan3A_43 : i32 to index
        %get3A_49 = arith.constant 0 : index
        %get3A_50 = tpu.vector_load %arg7[%get3A_48, %get3A_49] {strides = array<i32>} : memref<128x128xf32, #tpu.memory_space<vmem>>, vector<1x16xf32>,
        %get3A_51 = vector.shape_cast %get3A_50 : vector<1x16xf32> to vector<16xf32>
        %add3A_52 = arith.addf %get3A_47, %get3A_51 : vector<16xf32>
        %swap3A = arith.index_cast %scan3A_43 : i32 to index
        %swap3A_53 = arith.constant 0 : index
        %swap3A_54 = tpu.vector_load %arg7[%swap3A, %swap3A_53] {strides = array<i32>} : memref<128x128xf32, #tpu.memory_space<vmem>>, vector<1x16xf32>,
        %swap3A_55 = vector.shape_cast %swap3A_54 : vector<1x16xf32> to vector<16xf32>
        %swap3A_56 = vector.shape_cast %add3A_52 : vector<16xf32> to vector<1x16xf32>
        tpu.vector_store %arg7[%swap3A, %swap3A_53], %swap3A_56 {strides = array<i32>} : memref<128x128xf32, #tpu.memory_space<vmem>>, vector<1x16xf32>,
        %get3A_57 = arith.index_cast %scan3A_43 : i32 to index
        %get3A_58 = arith.constant 16 : index
        %get3A_59 = tpu.vector_load %arg8[%get3A_57, %get3A_58] {strides = array<i32>} : memref<128x64xf32, #tpu.memory_space<vmem>>, vector<1x16xf32>,
        %get3A_60 = vector.shape_cast %get3A_59 : vector<1x16xf32> to vector<16xf32>
        %get3A_61 = arith.index_cast %scan3A_43 : i32 to index
        %get3A_62 = arith.constant 16 : index
        %get3A_63 = tpu.vector_load %arg7[%get3A_61, %get3A_62] {strides = array<i32>} : memref<128x128xf32, #tpu.memory_space<vmem>>, vector<1x16xf32>,
        %get3A_64 = vector.shape_cast %get3A_63 : vector<1x16xf32> to vector<16xf32>
        %add3A_65 = arith.addf %get3A_60, %get3A_64 : vector<16xf32>
        %swap3A_66 = arith.index_cast %scan3A_43 : i32 to index
        %swap3A_67 = arith.constant 16 : index
        %swap3A_68 = tpu.vector_load %arg7[%swap3A_66, %swap3A_67] {strides = array<i32>} : memref<128x128xf32, #tpu.memory_space<vmem>>, vector<1x16xf32>,
        %swap3A_69 = vector.shape_cast %swap3A_68 : vector<1x16xf32> to vector<16xf32>
        %swap3A_70 = vector.shape_cast %add3A_65 : vector<16xf32> to vector<1x16xf32>
        tpu.vector_store %arg7[%swap3A_66, %swap3A_67], %swap3A_70 {strides = array<i32>} : memref<128x128xf32, #tpu.memory_space<vmem>>, vector<1x16xf32>,
        %get3A_71 = arith.index_cast %scan3A_43 : i32 to index
        %get3A_72 = arith.constant 32 : index
        %get3A_73 = tpu.vector_load %arg8[%get3A_71, %get3A_72] {strides = array<i32>} : memref<128x64xf32, #tpu.memory_space<vmem>>, vector<1x16xf32>,
        %get3A_74 = vector.shape_cast %get3A_73 : vector<1x16xf32> to vector<16xf32>
        %get3A_75 = arith.index_cast %scan3A_43 : i32 to index
        %get3A_76 = arith.constant 32 : index
        %get3A_77 = tpu.vector_load %arg7[%get3A_75, %get3A_76] {strides = array<i32>} : memref<128x128xf32, #tpu.memory_space<vmem>>, vector<1x16xf32>,
        %get3A_78 = vector.shape_cast %get3A_77 : vector<1x16xf32> to vector<16xf32>
        %add3A_79 = arith.addf %get3A_74, %get3A_78 : vector<16xf32>
        %swap3A_80 = arith.index_cast %scan3A_43 : i32 to index
        %swap3A_81 = arith.constant 32 : index
        %swap3A_82 = tpu.vector_load %arg7[%swap3A_80, %swap3A_81] {strides = array<i32>} : memref<128x128xf32, #tpu.memory_space<vmem>>, vector<1x16xf32>,
        %swap3A_83 = vector.shape_cast %swap3A_82 : vector<1x16xf32> to vector<16xf32>
        %swap3A_84 = vector.shape_cast %add3A_79 : vector<16xf32> to vector<1x16xf32>
        tpu.vector_store %arg7[%swap3A_80, %swap3A_81], %swap3A_84 {strides = array<i32>} : memref<128x128xf32, #tpu.memory_space<vmem>>, vector<1x16xf32>,
        %get3A_85 = arith.index_cast %scan3A_43 : i32 to index
        %get3A_86 = arith.constant 48 : index
        %get3A_87 = tpu.vector_load %arg8[%get3A_85, %get3A_86] {strides = array<i32>} : memref<128x64xf32, #tpu.memory_space<vmem>>, vector<1x16xf32>,
        %get3A_88 = vector.shape_cast %get3A_87 : vector<1x16xf32> to vector<16xf32>
        %get3A_89 = arith.index_cast %scan3A_43 : i32 to index
        %get3A_90 = arith.constant 48 : index
        %get3A_91 = tpu.vector_load %arg7[%get3A_89, %get3A_90] {strides = array<i32>} : memref<128x128xf32, #tpu.memory_space<vmem>>, vector<1x16xf32>,
        %get3A_92 = vector.shape_cast %get3A_91 : vector<1x16xf32> to vector<16xf32>
        %add3A_93 = arith.addf %get3A_88, %get3A_92 : vector<16xf32>
        %swap3A_94 = arith.index_cast %scan3A_43 : i32 to index
        %swap3A_95 = arith.constant 48 : index
        %swap3A_96 = tpu.vector_load %arg7[%swap3A_94, %swap3A_95] {strides = array<i32>} : memref<128x128xf32, #tpu.memory_space<vmem>>, vector<1x16xf32>,
        %swap3A_97 = vector.shape_cast %swap3A_96 : vector<1x16xf32> to vector<16xf32>
        %swap3A_98 = vector.shape_cast %add3A_93 : vector<16xf32> to vector<1x16xf32>
        tpu.vector_store %arg7[%swap3A_94, %swap3A_95], %swap3A_98 {strides = array<i32>} : memref<128x128xf32, #tpu.memory_space<vmem>>, vector<1x16xf32>,
        %scan3A_99 = arith.constant 0 : i32
        %scan3A_100 = arith.constant 1 : i32
        %scan3A_101 = arith.addi %scan3A_43, %scan3A_100 : i32
        %get3A_102 = arith.index_cast %scan3A_101 : i32 to index
        %get3A_103 = arith.constant 0 : index
        %get3A_104 = tpu.vector_load %arg8[%get3A_102, %get3A_103] {strides = array<i32>} : memref<128x64xf32, #tpu.memory_space<vmem>>, vector<1x16xf32>,
        %get3A_105 = vector.shape_cast %get3A_104 : vector<1x16xf32> to vector<16xf32>
        %get3A_106 = arith.index_cast %scan3A_101 : i32 to index
        %get3A_107 = arith.constant 0 : index
        %get3A_108 = tpu.vector_load %arg7[%get3A_106, %get3A_107] {strides = array<i32>} : memref<128x128xf32, #tpu.memory_space<vmem>>, vector<1x16xf32>,
        %get3A_109 = vector.shape_cast %get3A_108 : vector<1x16xf32> to vector<16xf32>
        %add3A_110 = arith.addf %get3A_105, %get3A_109 : vector<16xf32>
        %swap3A_111 = arith.index_cast %scan3A_101 : i32 to index
        %swap3A_112 = arith.constant 0 : index
        %swap3A_113 = tpu.vector_load %arg7[%swap3A_111, %swap3A_112] {strides = array<i32>} : memref<128x128xf32, #tpu.memory_space<vmem>>, vector<1x16xf32>,
        %swap3A_114 = vector.shape_cast %swap3A_113 : vector<1x16xf32> to vector<16xf32>
        %swap3A_115 = vector.shape_cast %add3A_110 : vector<16xf32> to vector<1x16xf32>
        tpu.vector_store %arg7[%swap3A_111, %swap3A_112], %swap3A_115 {strides = array<i32>} : memref<128x128xf32, #tpu.memory_space<vmem>>, vector<1x16xf32>,
        %get3A_116 = arith.index_cast %scan3A_101 : i32 to index
        %get3A_117 = arith.constant 16 : index
        %get3A_118 = tpu.vector_load %arg8[%get3A_116, %get3A_117] {strides = array<i32>} : memref<128x64xf32, #tpu.memory_space<vmem>>, vector<1x16xf32>,
        %get3A_119 = vector.shape_cast %get3A_118 : vector<1x16xf32> to vector<16xf32>
        %get3A_120 = arith.index_cast %scan3A_101 : i32 to index
        %get3A_121 = arith.constant 16 : index
        %get3A_122 = tpu.vector_load %arg7[%get3A_120, %get3A_121] {strides = array<i32>} : memref<128x128xf32, #tpu.memory_space<vmem>>, vector<1x16xf32>,
        %get3A_123 = vector.shape_cast %get3A_122 : vector<1x16xf32> to vector<16xf32>
        %add3A_124 = arith.addf %get3A_119, %get3A_123 : vector<16xf32>
        %swap3A_125 = arith.index_cast %scan3A_101 : i32 to index
        %swap3A_126 = arith.constant 16 : index
        %swap3A_127 = tpu.vector_load %arg7[%swap3A_125, %swap3A_126] {strides = array<i32>} : memref<128x128xf32, #tpu.memory_space<vmem>>, vector<1x16xf32>,
        %swap3A_128 = vector.shape_cast %swap3A_127 : vector<1x16xf32> to vector<16xf32>
        %swap3A_129 = vector.shape_cast %add3A_124 : vector<16xf32> to vector<1x16xf32>
        tpu.vector_store %arg7[%swap3A_125, %swap3A_126], %swap3A_129 {strides = array<i32>} : memref<128x128xf32, #tpu.memory_space<vmem>>, vector<1x16xf32>,
        %get3A_130 = arith.index_cast %scan3A_101 : i32 to index
        %get3A_131 = arith.constant 32 : index
        %get3A_132 = tpu.vector_load %arg8[%get3A_130, %get3A_131] {strides = array<i32>} : memref<128x64xf32, #tpu.memory_space<vmem>>, vector<1x16xf32>,
        %get3A_133 = vector.shape_cast %get3A_132 : vector<1x16xf32> to vector<16xf32>
        %get3A_134 = arith.index_cast %scan3A_101 : i32 to index
        %get3A_135 = arith.constant 32 : index
        %get3A_136 = tpu.vector_load %arg7[%get3A_134, %get3A_135] {strides = array<i32>} : memref<128x128xf32, #tpu.memory_space<vmem>>, vector<1x16xf32>,
        %get3A_137 = vector.shape_cast %get3A_136 : vector<1x16xf32> to vector<16xf32>
        %add3A_138 = arith.addf %get3A_133, %get3A_137 : vector<16xf32>
        %swap3A_139 = arith.index_cast %scan3A_101 : i32 to index
        %swap3A_140 = arith.constant 32 : index
        %swap3A_141 = tpu.vector_load %arg7[%swap3A_139, %swap3A_140] {strides = array<i32>} : memref<128x128xf32, #tpu.memory_space<vmem>>, vector<1x16xf32>,
        %swap3A_142 = vector.shape_cast %swap3A_141 : vector<1x16xf32> to vector<16xf32>
        %swap3A_143 = vector.shape_cast %add3A_138 : vector<16xf32> to vector<1x16xf32>
        tpu.vector_store %arg7[%swap3A_139, %swap3A_140], %swap3A_143 {strides = array<i32>} : memref<128x128xf32, #tpu.memory_space<vmem>>, vector<1x16xf32>,
        %get3A_144 = arith.index_cast %scan3A_101 : i32 to index
        %get3A_145 = arith.constant 48 : index
        %get3A_146 = tpu.vector_load %arg8[%get3A_144, %get3A_145] {strides = array<i32>} : memref<128x64xf32, #tpu.memory_space<vmem>>, vector<1x16xf32>,
        %get3A_147 = vector.shape_cast %get3A_146 : vector<1x16xf32> to vector<16xf32>
        %get3A_148 = arith.index_cast %scan3A_101 : i32 to index
        %get3A_149 = arith.constant 48 : index
        %get3A_150 = tpu.vector_load %arg7[%get3A_148, %get3A_149] {strides = array<i32>} : memref<128x128xf32, #tpu.memory_space<vmem>>, vector<1x16xf32>,
        %get3A_151 = vector.shape_cast %get3A_150 : vector<1x16xf32> to vector<16xf32>
        %add3A_152 = arith.addf %get3A_147, %get3A_151 : vector<16xf32>
        %swap3A_153 = arith.index_cast %scan3A_101 : i32 to index
        %swap3A_154 = arith.constant 48 : index
        %swap3A_155 = tpu.vector_load %arg7[%swap3A_153, %swap3A_154] {strides = array<i32>} : memref<128x128xf32, #tpu.memory_space<vmem>>, vector<1x16xf32>,
        %swap3A_156 = vector.shape_cast %swap3A_155 : vector<1x16xf32> to vector<16xf32>
        %swap3A_157 = vector.shape_cast %add3A_152 : vector<16xf32> to vector<1x16xf32>
        tpu.vector_store %arg7[%swap3A_153, %swap3A_154], %swap3A_157 {strides = array<i32>} : memref<128x128xf32, #tpu.memory_space<vmem>>, vector<1x16xf32>,
        %scan3A_158 = arith.constant 0 : i32
        %scan3A_159 = arith.constant 2 : i32
        %scan3A_160 = arith.addi %scan3A_43, %scan3A_159 : i32
        %get3A_161 = arith.index_cast %scan3A_160 : i32 to index
        %get3A_162 = arith.constant 0 : index
        %get3A_163 = tpu.vector_load %arg8[%get3A_161, %get3A_162] {strides = array<i32>} : memref<128x64xf32, #tpu.memory_space<vmem>>, vector<1x16xf32>,
        %get3A_164 = vector.shape_cast %get3A_163 : vector<1x16xf32> to vector<16xf32>
        %get3A_165 = arith.index_cast %scan3A_160 : i32 to index
        %get3A_166 = arith.constant 0 : index
        %get3A_167 = tpu.vector_load %arg7[%get3A_165, %get3A_166] {strides = array<i32>} : memref<128x128xf32, #tpu.memory_space<vmem>>, vector<1x16xf32>,
        %get3A_168 = vector.shape_cast %get3A_167 : vector<1x16xf32> to vector<16xf32>
        %add3A_169 = arith.addf %get3A_164, %get3A_168 : vector<16xf32>
        %swap3A_170 = arith.index_cast %scan3A_160 : i32 to index
        %swap3A_171 = arith.constant 0 : index
        %swap3A_172 = tpu.vector_load %arg7[%swap3A_170, %swap3A_171] {strides = array<i32>} : memref<128x128xf32, #tpu.memory_space<vmem>>, vector<1x16xf32>,
        %swap3A_173 = vector.shape_cast %swap3A_172 : vector<1x16xf32> to vector<16xf32>
        %swap3A_174 = vector.shape_cast %add3A_169 : vector<16xf32> to vector<1x16xf32>
        tpu.vector_store %arg7[%swap3A_170, %swap3A_171], %swap3A_174 {strides = array<i32>} : memref<128x128xf32, #tpu.memory_space<vmem>>, vector<1x16xf32>,
        %get3A_175 = arith.index_cast %scan3A_160 : i32 to index
        %get3A_176 = arith.constant 16 : index
        %get3A_177 = tpu.vector_load %arg8[%get3A_175, %get3A_176] {strides = array<i32>} : memref<128x64xf32, #tpu.memory_space<vmem>>, vector<1x16xf32>,
        %get3A_178 = vector.shape_cast %get3A_177 : vector<1x16xf32> to vector<16xf32>
        %get3A_179 = arith.index_cast %scan3A_160 : i32 to index
        %get3A_180 = arith.constant 16 : index
        %get3A_181 = tpu.vector_load %arg7[%get3A_179, %get3A_180] {strides = array<i32>} : memref<128x128xf32, #tpu.memory_space<vmem>>, vector<1x16xf32>,
        %get3A_182 = vector.shape_cast %get3A_181 : vector<1x16xf32> to vector<16xf32>
        %add3A_183 = arith.addf %get3A_178, %get3A_182 : vector<16xf32>
        %swap3A_184 = arith.index_cast %scan3A_160 : i32 to index
        %swap3A_185 = arith.constant 16 : index
        %swap3A_186 = tpu.vector_load %arg7[%swap3A_184, %swap3A_185] {strides = array<i32>} : memref<128x128xf32, #tpu.memory_space<vmem>>, vector<1x16xf32>,
        %swap3A_187 = vector.shape_cast %swap3A_186 : vector<1x16xf32> to vector<16xf32>
        %swap3A_188 = vector.shape_cast %add3A_183 : vector<16xf32> to vector<1x16xf32>
        tpu.vector_store %arg7[%swap3A_184, %swap3A_185], %swap3A_188 {strides = array<i32>} : memref<128x128xf32, #tpu.memory_space<vmem>>, vector<1x16xf32>,
        %get3A_189 = arith.index_cast %scan3A_160 : i32 to index
        %get3A_190 = arith.constant 32 : index
        %get3A_191 = tpu.vector_load %arg8[%get3A_189, %get3A_190] {strides = array<i32>} : memref<128x64xf32, #tpu.memory_space<vmem>>, vector<1x16xf32>,
        %get3A_192 = vector.shape_cast %get3A_191 : vector<1x16xf32> to vector<16xf32>
        %get3A_193 = arith.index_cast %scan3A_160 : i32 to index
        %get3A_194 = arith.constant 32 : index
        %get3A_195 = tpu.vector_load %arg7[%get3A_193, %get3A_194] {strides = array<i32>} : memref<128x128xf32, #tpu.memory_space<vmem>>, vector<1x16xf32>,
        %get3A_196 = vector.shape_cast %get3A_195 : vector<1x16xf32> to vector<16xf32>
        %add3A_197 = arith.addf %get3A_192, %get3A_196 : vector<16xf32>
        %swap3A_198 = arith.index_cast %scan3A_160 : i32 to index
        %swap3A_199 = arith.constant 32 : index
        %swap3A_200 = tpu.vector_load %arg7[%swap3A_198, %swap3A_199] {strides = array<i32>} : memref<128x128xf32, #tpu.memory_space<vmem>>, vector<1x16xf32>,
        %swap3A_201 = vector.shape_cast %swap3A_200 : vector<1x16xf32> to vector<16xf32>
        %swap3A_202 = vector.shape_cast %add3A_197 : vector<16xf32> to vector<1x16xf32>
        tpu.vector_store %arg7[%swap3A_198, %swap3A_199], %swap3A_202 {strides = array<i32>} : memref<128x128xf32, #tpu.memory_space<vmem>>, vector<1x16xf32>,
        %get3A_203 = arith.index_cast %scan3A_160 : i32 to index
        %get3A_204 = arith.constant 48 : index
        %get3A_205 = tpu.vector_load %arg8[%get3A_203, %get3A_204] {strides = array<i32>} : memref<128x64xf32, #tpu.memory_space<vmem>>, vector<1x16xf32>,
        %get3A_206 = vector.shape_cast %get3A_205 : vector<1x16xf32> to vector<16xf32>
        %get3A_207 = arith.index_cast %scan3A_160 : i32 to index
        %get3A_208 = arith.constant 48 : index
        %get3A_209 = tpu.vector_load %arg7[%get3A_207, %get3A_208] {strides = array<i32>} : memref<128x128xf32, #tpu.memory_space<vmem>>, vector<1x16xf32>,
        %get3A_210 = vector.shape_cast %get3A_209 : vector<1x16xf32> to vector<16xf32>
        %add3A_211 = arith.addf %get3A_206, %get3A_210 : vector<16xf32>
        %swap3A_212 = arith.index_cast %scan3A_160 : i32 to index
        %swap3A_213 = arith.constant 48 : index
        %swap3A_214 = tpu.vector_load %arg7[%swap3A_212, %swap3A_213] {strides = array<i32>} : memref<128x128xf32, #tpu.memory_space<vmem>>, vector<1x16xf32>,
        %swap3A_215 = vector.shape_cast %swap3A_214 : vector<1x16xf32> to vector<16xf32>
        %swap3A_216 = vector.shape_cast %add3A_211 : vector<16xf32> to vector<1x16xf32>
        tpu.vector_store %arg7[%swap3A_212, %swap3A_213], %swap3A_216 {strides = array<i32>} : memref<128x128xf32, #tpu.memory_space<vmem>>, vector<1x16xf32>,
        %scan3A_217 = arith.constant 0 : i32
        %scan3A_218 = arith.constant 3 : i32
        %scan3A_219 = arith.addi %scan3A_43, %scan3A_218 : i32
        %get3A_220 = arith.index_cast %scan3A_219 : i32 to index
        %get3A_221 = arith.constant 0 : index
        %get3A_222 = tpu.vector_load %arg8[%get3A_220, %get3A_221] {strides = array<i32>} : memref<128x64xf32, #tpu.memory_space<vmem>>, vector<1x16xf32>,
        %get3A_223 = vector.shape_cast %get3A_222 : vector<1x16xf32> to vector<16xf32>
        %get3A_224 = arith.index_cast %scan3A_219 : i32 to index
        %get3A_225 = arith.constant 0 : index
        %get3A_226 = tpu.vector_load %arg7[%get3A_224, %get3A_225] {strides = array<i32>} : memref<128x128xf32, #tpu.memory_space<vmem>>, vector<1x16xf32>,
        %get3A_227 = vector.shape_cast %get3A_226 : vector<1x16xf32> to vector<16xf32>
        %add3A_228 = arith.addf %get3A_223, %get3A_227 : vector<16xf32>
        %swap3A_229 = arith.index_cast %scan3A_219 : i32 to index
        %swap3A_230 = arith.constant 0 : index
        %swap3A_231 = tpu.vector_load %arg7[%swap3A_229, %swap3A_230] {strides = array<i32>} : memref<128x128xf32, #tpu.memory_space<vmem>>, vector<1x16xf32>,
        %swap3A_232 = vector.shape_cast %swap3A_231 : vector<1x16xf32> to vector<16xf32>
        %swap3A_233 = vector.shape_cast %add3A_228 : vector<16xf32> to vector<1x16xf32>
        tpu.vector_store %arg7[%swap3A_229, %swap3A_230], %swap3A_233 {strides = array<i32>} : memref<128x128xf32, #tpu.memory_space<vmem>>, vector<1x16xf32>,
        %get3A_234 = arith.index_cast %scan3A_219 : i32 to index
        %get3A_235 = arith.constant 16 : index
        %get3A_236 = tpu.vector_load %arg8[%get3A_234, %get3A_235] {strides = array<i32>} : memref<128x64xf32, #tpu.memory_space<vmem>>, vector<1x16xf32>,
        %get3A_237 = vector.shape_cast %get3A_236 : vector<1x16xf32> to vector<16xf32>
        %get3A_238 = arith.index_cast %scan3A_219 : i32 to index
        %get3A_239 = arith.constant 16 : index
        %get3A_240 = tpu.vector_load %arg7[%get3A_238, %get3A_239] {strides = array<i32>} : memref<128x128xf32, #tpu.memory_space<vmem>>, vector<1x16xf32>,
        %get3A_241 = vector.shape_cast %get3A_240 : vector<1x16xf32> to vector<16xf32>
        %add3A_242 = arith.addf %get3A_237, %get3A_241 : vector<16xf32>
        %swap3A_243 = arith.index_cast %scan3A_219 : i32 to index
        %swap3A_244 = arith.constant 16 : index
        %swap3A_245 = tpu.vector_load %arg7[%swap3A_243, %swap3A_244] {strides = array<i32>} : memref<128x128xf32, #tpu.memory_space<vmem>>, vector<1x16xf32>,
        %swap3A_246 = vector.shape_cast %swap3A_245 : vector<1x16xf32> to vector<16xf32>
        %swap3A_247 = vector.shape_cast %add3A_242 : vector<16xf32> to vector<1x16xf32>
        tpu.vector_store %arg7[%swap3A_243, %swap3A_244], %swap3A_247 {strides = array<i32>} : memref<128x128xf32, #tpu.memory_space<vmem>>, vector<1x16xf32>,
        %get3A_248 = arith.index_cast %scan3A_219 : i32 to index
        %get3A_249 = arith.constant 32 : index
        %get3A_250 = tpu.vector_load %arg8[%get3A_248, %get3A_249] {strides = array<i32>} : memref<128x64xf32, #tpu.memory_space<vmem>>, vector<1x16xf32>,
        %get3A_251 = vector.shape_cast %get3A_250 : vector<1x16xf32> to vector<16xf32>
        %get3A_252 = arith.index_cast %scan3A_219 : i32 to index
        %get3A_253 = arith.constant 32 : index
        %get3A_254 = tpu.vector_load %arg7[%get3A_252, %get3A_253] {strides = array<i32>} : memref<128x128xf32, #tpu.memory_space<vmem>>, vector<1x16xf32>,
        %get3A_255 = vector.shape_cast %get3A_254 : vector<1x16xf32> to vector<16xf32>
        %add3A_256 = arith.addf %get3A_251, %get3A_255 : vector<16xf32>
        %swap3A_257 = arith.index_cast %scan3A_219 : i32 to index
        %swap3A_258 = arith.constant 32 : index
        %swap3A_259 = tpu.vector_load %arg7[%swap3A_257, %swap3A_258] {strides = array<i32>} : memref<128x128xf32, #tpu.memory_space<vmem>>, vector<1x16xf32>,
        %swap3A_260 = vector.shape_cast %swap3A_259 : vector<1x16xf32> to vector<16xf32>
        %swap3A_261 = vector.shape_cast %add3A_256 : vector<16xf32> to vector<1x16xf32>
        tpu.vector_store %arg7[%swap3A_257, %swap3A_258], %swap3A_261 {strides = array<i32>} : memref<128x128xf32, #tpu.memory_space<vmem>>, vector<1x16xf32>,
        %get3A_262 = arith.index_cast %scan3A_219 : i32 to index
        %get3A_263 = arith.constant 48 : index
        %get3A_264 = tpu.vector_load %arg8[%get3A_262, %get3A_263] {strides = array<i32>} : memref<128x64xf32, #tpu.memory_space<vmem>>, vector<1x16xf32>,
        %get3A_265 = vector.shape_cast %get3A_264 : vector<1x16xf32> to vector<16xf32>
        %get3A_266 = arith.index_cast %scan3A_219 : i32 to index
        %get3A_267 = arith.constant 48 : index
        %get3A_268 = tpu.vector_load %arg7[%get3A_266, %get3A_267] {strides = array<i32>} : memref<128x128xf32, #tpu.memory_space<vmem>>, vector<1x16xf32>,
        %get3A_269 = vector.shape_cast %get3A_268 : vector<1x16xf32> to vector<16xf32>
        %add3A_270 = arith.addf %get3A_265, %get3A_269 : vector<16xf32>
        %swap3A_271 = arith.index_cast %scan3A_219 : i32 to index
        %swap3A_272 = arith.constant 48 : index
        %swap3A_273 = tpu.vector_load %arg7[%swap3A_271, %swap3A_272] {strides = array<i32>} : memref<128x128xf32, #tpu.memory_space<vmem>>, vector<1x16xf32>,
        %swap3A_274 = vector.shape_cast %swap3A_273 : vector<1x16xf32> to vector<16xf32>
        %swap3A_275 = vector.shape_cast %add3A_270 : vector<16xf32> to vector<1x16xf32>
        tpu.vector_store %arg7[%swap3A_271, %swap3A_272], %swap3A_275 {strides = array<i32>} : memref<128x128xf32, #tpu.memory_space<vmem>>, vector<1x16xf32>,
        %scan3A_276 = arith.constant 0 : i32
        scf.yield %scan3A_276 : i32
      }
      %scan3A_41 = arith.constant 128 : i32
      "tpu.region"() ({
        %run_scoped3A = tpu.sem_alloc : memref<!tpu.dma_semaphore, #tpu.memory_space<semaphore_mem>>
        %dma_start3A_43 = arith.constant 0 : i32
        %dma_start3A_44 = arith.constant 0 : i32
        %dma_start3A_45 = tpu.memref_slice %arg7[%dma_start3A_43, %dma_start3A_44] : memref<128x128xf32, #tpu.memory_space<vmem>> -> memref<128x128xf32, #tpu.memory_space<vmem>>
        %dma_start3A_46 = arith.constant 0 : i32
        %dma_start3A_47 = tpu.memref_slice %arg5[%mul3A_26, %dma_start3A_46] : memref<100000x128xf32, #tpu.memory_space<hbm>> -> memref<128x128xf32, #tpu.memory_space<hbm>>
        %dma_start3A_48 = arith.constant 0 : i32
        %dma_start3A_49 = tpu.memref_slice %arg5[%mul3A_26, %dma_start3A_48] : memref<100000x128xf32, #tpu.memory_space<hbm>> -> memref<128x128xf32, #tpu.memory_space<hbm>>
        %dma_start3A_50 = arith.constant 0 : i32
        %dma_start3A_51 = arith.constant 0 : i32
        %dma_start3A_52 = tpu.memref_slice %arg7[%dma_start3A_50, %dma_start3A_51] : memref<128x128xf32, #tpu.memory_space<vmem>> -> memref<128x128xf32, #tpu.memory_space<vmem>>
        tpu.enqueue_dma source(%dma_start3A_52 : memref<128x128xf32, #tpu.memory_space<vmem>>) target(%dma_start3A_49 : memref<128x128xf32, #tpu.memory_space<hbm>>) target_semaphore(%run_scoped3A : memref<!tpu.dma_semaphore, #tpu.memory_space<semaphore_mem>>)
        %dma_wait3A_53 = arith.constant 0 : i32
        %dma_wait3A_54 = arith.constant 0 : i32
        %dma_wait3A_55 = tpu.memref_slice %arg7[%dma_wait3A_53, %dma_wait3A_54] : memref<128x128xf32, #tpu.memory_space<vmem>> -> memref<128x128xf32, #tpu.memory_space<vmem>>
        %dma_wait3A_56 = arith.constant 0 : i32
        %dma_wait3A_57 = tpu.memref_slice %arg5[%mul3A_26, %dma_wait3A_56] : memref<100000x128xf32, #tpu.memory_space<hbm>> -> memref<128x128xf32, #tpu.memory_space<hbm>>
        %dma_wait3A_58 = arith.constant 0 : i32
        %dma_wait3A_59 = tpu.memref_slice %arg5[%mul3A_26, %dma_wait3A_58] : memref<100000x128xf32, #tpu.memory_space<hbm>> -> memref<128x128xf32, #tpu.memory_space<hbm>>
        %dma_wait3A_60 = arith.constant 0 : i32
        %dma_wait3A_61 = arith.constant 0 : i32
        %dma_wait3A_62 = tpu.memref_slice %arg7[%dma_wait3A_60, %dma_wait3A_61] : memref<128x128xf32, #tpu.memory_space<vmem>> -> memref<128x128xf32, #tpu.memory_space<vmem>>
        tpu.wait_dma2 semaphore(%run_scoped3A : memref<!tpu.dma_semaphore, #tpu.memory_space<semaphore_mem>>) src(%dma_wait3A_62 : memref<128x128xf32, #tpu.memory_space<vmem>>) dst(%dma_wait3A_59 : memref<128x128xf32, #tpu.memory_space<hbm>>)
        tpu.yield
      }) : () -> ()
      %scan3A_42 = arith.constant 0 : i32
      scf.yield %scan3A_42 : i32
    }
    %scan3A_14 = arith.constant 24 : i32
    %convert_element_type3A_15 = arith.extui %lt3A_5 : i1 to i32
    %cond3A_16 = arith.constant 0 : i32
    %cond3A_17 = arith.cmpi ne, %convert_element_type3A_15, %cond3A_16 : i32
    scf.if %cond3A_17 {
      %add3A_22 = arith.constant 24 : i32
      %add3A_23 = arith.addi %add3A_4, %add3A_22 : i32
      %mul3A_24 = arith.constant 128 : i32
      %mul3A_25 = arith.muli %add3A_23, %mul3A_24 : i32
      %dma_start3A = arith.constant 3072 : i32
      %dma_start3A_26 = tpu.memref_slice %arg6[%dma_start3A] : memref<3328xi32, #tpu.memory_space<vmem>> -> memref<128xi32, #tpu.memory_space<vmem>>
      %dma_start3A_27 = arith.constant 0 : i32
      %dma_start3A_28 = arith.constant 0 : i32
      %dma_start3A_29 = tpu.memref_slice %arg3[%dma_start3A_27, %dma_start3A_28] : memref<1024x128xf32, #tpu.memory_space<hbm>> -> memref<1024x128xf32, #tpu.memory_space<hbm>>
      tpu.enqueue_indirect_dma source(%dma_start3A_29 : memref<1024x128xf32, #tpu.memory_space<hbm>>) target(%arg7 : memref<128x128xf32, #tpu.memory_space<vmem>>) offsets(%dma_start3A_26 : memref<128xi32, #tpu.memory_space<vmem>>) semaphore(%arg9 : memref<!tpu.dma_semaphore, #tpu.memory_space<semaphore_mem>>)
      "tpu.region"() ({
        %run_scoped3A = tpu.sem_alloc : memref<!tpu.dma_semaphore, #tpu.memory_space<semaphore_mem>>
        %dma_start3A_41 = arith.constant 0 : i32
        %dma_start3A_42 = arith.constant 0 : i32
        %dma_start3A_43 = tpu.memref_slice %arg8[%dma_start3A_41, %dma_start3A_42] : memref<128x64xf32, #tpu.memory_space<vmem>> -> memref<128x64xf32, #tpu.memory_space<vmem>>
        %dma_start3A_44 = arith.constant 0 : i32
        %dma_start3A_45 = tpu.memref_slice %arg2[%mul3A_25, %dma_start3A_44] : memref<100000x64xf32, #tpu.memory_space<hbm>> -> memref<128x64xf32, #tpu.memory_space<hbm>>
        %dma_start3A_46 = arith.constant 0 : i32
        %dma_start3A_47 = arith.constant 0 : i32
        %dma_start3A_48 = tpu.memref_slice %arg8[%dma_start3A_46, %dma_start3A_47] : memref<128x64xf32, #tpu.memory_space<vmem>> -> memref<128x64xf32, #tpu.memory_space<vmem>>
        %dma_start3A_49 = arith.constant 0 : i32
        %dma_start3A_50 = tpu.memref_slice %arg2[%mul3A_25, %dma_start3A_49] : memref<100000x64xf32, #tpu.memory_space<hbm>> -> memref<128x64xf32, #tpu.memory_space<hbm>>
        tpu.enqueue_dma source(%dma_start3A_50 : memref<128x64xf32, #tpu.memory_space<hbm>>) target(%dma_start3A_48 : memref<128x64xf32, #tpu.memory_space<vmem>>) target_semaphore(%run_scoped3A : memref<!tpu.dma_semaphore, #tpu.memory_space<semaphore_mem>>)
        %dma_wait3A_51 = arith.constant 0 : i32
        %dma_wait3A_52 = arith.constant 0 : i32
        %dma_wait3A_53 = tpu.memref_slice %arg8[%dma_wait3A_51, %dma_wait3A_52] : memref<128x64xf32, #tpu.memory_space<vmem>> -> memref<128x64xf32, #tpu.memory_space<vmem>>
        %dma_wait3A_54 = arith.constant 0 : i32
        %dma_wait3A_55 = tpu.memref_slice %arg2[%mul3A_25, %dma_wait3A_54] : memref<100000x64xf32, #tpu.memory_space<hbm>> -> memref<128x64xf32, #tpu.memory_space<hbm>>
        %dma_wait3A_56 = arith.constant 0 : i32
        %dma_wait3A_57 = arith.constant 0 : i32
        %dma_wait3A_58 = tpu.memref_slice %arg8[%dma_wait3A_56, %dma_wait3A_57] : memref<128x64xf32, #tpu.memory_space<vmem>> -> memref<128x64xf32, #tpu.memory_space<vmem>>
        %dma_wait3A_59 = arith.constant 0 : i32
        %dma_wait3A_60 = tpu.memref_slice %arg2[%mul3A_25, %dma_wait3A_59] : memref<100000x64xf32, #tpu.memory_space<hbm>> -> memref<128x64xf32, #tpu.memory_space<hbm>>
        tpu.wait_dma2 semaphore(%run_scoped3A : memref<!tpu.dma_semaphore, #tpu.memory_space<semaphore_mem>>) src(%dma_wait3A_60 : memref<128x64xf32, #tpu.memory_space<hbm>>) dst(%dma_wait3A_58 : memref<128x64xf32, #tpu.memory_space<vmem>>)
        tpu.yield
      }) : () -> ()
      %dma_wait3A = arith.constant 3072 : i32
      %dma_wait3A_30 = tpu.memref_slice %arg6[%dma_wait3A] : memref<3328xi32, #tpu.memory_space<vmem>> -> memref<128xi32, #tpu.memory_space<vmem>>
      %dma_wait3A_31 = arith.constant 0 : i32
      %dma_wait3A_32 = arith.constant 0 : i32
      %dma_wait3A_33 = tpu.memref_slice %arg3[%dma_wait3A_31, %dma_wait3A_32] : memref<1024x128xf32, #tpu.memory_space<hbm>> -> memref<1024x128xf32, #tpu.memory_space<hbm>>
      tpu.wait_indirect_dma semaphore(%arg9 : memref<!tpu.dma_semaphore, #tpu.memory_space<semaphore_mem>>) src(%dma_wait3A_33 : memref<1024x128xf32, #tpu.memory_space<hbm>>) dst(%arg7 : memref<128x128xf32, #tpu.memory_space<vmem>>)
      %scan3A_34 = arith.constant 0 : i32
      %scan3A_35 = arith.constant 0 : i32
      %scan3A_36 = arith.constant 128 : i32
      %scan3A_37 = arith.addi %scan3A_35, %scan3A_36 : i32
      %scan3A_38 = arith.constant 4 : i32
      %scan3A_39 = scf.for %scan3A_41 = %scan3A_35 to %scan3A_37 step %scan3A_38 iter_args(%scan3A_42 = %scan3A_34) -> (i32)  : i32 {
        %get3A = arith.index_cast %scan3A_41 : i32 to index
        %get3A_43 = arith.constant 0 : index
        %get3A_44 = tpu.vector_load %arg8[%get3A, %get3A_43] {strides = array<i32>} : memref<128x64xf32, #tpu.memory_space<vmem>>, vector<1x16xf32>,
        %get3A_45 = vector.shape_cast %get3A_44 : vector<1x16xf32> to vector<16xf32>
        %get3A_46 = arith.index_cast %scan3A_41 : i32 to index
        %get3A_47 = arith.constant 0 : index
        %get3A_48 = tpu.vector_load %arg7[%get3A_46, %get3A_47] {strides = array<i32>} : memref<128x128xf32, #tpu.memory_space<vmem>>, vector<1x16xf32>,
        %get3A_49 = vector.shape_cast %get3A_48 : vector<1x16xf32> to vector<16xf32>
        %add3A_50 = arith.addf %get3A_45, %get3A_49 : vector<16xf32>
        %swap3A = arith.index_cast %scan3A_41 : i32 to index
        %swap3A_51 = arith.constant 0 : index
        %swap3A_52 = tpu.vector_load %arg7[%swap3A, %swap3A_51] {strides = array<i32>} : memref<128x128xf32, #tpu.memory_space<vmem>>, vector<1x16xf32>,
        %swap3A_53 = vector.shape_cast %swap3A_52 : vector<1x16xf32> to vector<16xf32>
        %swap3A_54 = vector.shape_cast %add3A_50 : vector<16xf32> to vector<1x16xf32>
        tpu.vector_store %arg7[%swap3A, %swap3A_51], %swap3A_54 {strides = array<i32>} : memref<128x128xf32, #tpu.memory_space<vmem>>, vector<1x16xf32>,
        %get3A_55 = arith.index_cast %scan3A_41 : i32 to index
        %get3A_56 = arith.constant 16 : index
        %get3A_57 = tpu.vector_load %arg8[%get3A_55, %get3A_56] {strides = array<i32>} : memref<128x64xf32, #tpu.memory_space<vmem>>, vector<1x16xf32>,
        %get3A_58 = vector.shape_cast %get3A_57 : vector<1x16xf32> to vector<16xf32>
        %get3A_59 = arith.index_cast %scan3A_41 : i32 to index
        %get3A_60 = arith.constant 16 : index
        %get3A_61 = tpu.vector_load %arg7[%get3A_59, %get3A_60] {strides = array<i32>} : memref<128x128xf32, #tpu.memory_space<vmem>>, vector<1x16xf32>,
        %get3A_62 = vector.shape_cast %get3A_61 : vector<1x16xf32> to vector<16xf32>
        %add3A_63 = arith.addf %get3A_58, %get3A_62 : vector<16xf32>
        %swap3A_64 = arith.index_cast %scan3A_41 : i32 to index
        %swap3A_65 = arith.constant 16 : index
        %swap3A_66 = tpu.vector_load %arg7[%swap3A_64, %swap3A_65] {strides = array<i32>} : memref<128x128xf32, #tpu.memory_space<vmem>>, vector<1x16xf32>,
        %swap3A_67 = vector.shape_cast %swap3A_66 : vector<1x16xf32> to vector<16xf32>
        %swap3A_68 = vector.shape_cast %add3A_63 : vector<16xf32> to vector<1x16xf32>
        tpu.vector_store %arg7[%swap3A_64, %swap3A_65], %swap3A_68 {strides = array<i32>} : memref<128x128xf32, #tpu.memory_space<vmem>>, vector<1x16xf32>,
        %get3A_69 = arith.index_cast %scan3A_41 : i32 to index
        %get3A_70 = arith.constant 32 : index
        %get3A_71 = tpu.vector_load %arg8[%get3A_69, %get3A_70] {strides = array<i32>} : memref<128x64xf32, #tpu.memory_space<vmem>>, vector<1x16xf32>,
        %get3A_72 = vector.shape_cast %get3A_71 : vector<1x16xf32> to vector<16xf32>
        %get3A_73 = arith.index_cast %scan3A_41 : i32 to index
        %get3A_74 = arith.constant 32 : index
        %get3A_75 = tpu.vector_load %arg7[%get3A_73, %get3A_74] {strides = array<i32>} : memref<128x128xf32, #tpu.memory_space<vmem>>, vector<1x16xf32>,
        %get3A_76 = vector.shape_cast %get3A_75 : vector<1x16xf32> to vector<16xf32>
        %add3A_77 = arith.addf %get3A_72, %get3A_76 : vector<16xf32>
        %swap3A_78 = arith.index_cast %scan3A_41 : i32 to index
        %swap3A_79 = arith.constant 32 : index
        %swap3A_80 = tpu.vector_load %arg7[%swap3A_78, %swap3A_79] {strides = array<i32>} : memref<128x128xf32, #tpu.memory_space<vmem>>, vector<1x16xf32>,
        %swap3A_81 = vector.shape_cast %swap3A_80 : vector<1x16xf32> to vector<16xf32>
        %swap3A_82 = vector.shape_cast %add3A_77 : vector<16xf32> to vector<1x16xf32>
        tpu.vector_store %arg7[%swap3A_78, %swap3A_79], %swap3A_82 {strides = array<i32>} : memref<128x128xf32, #tpu.memory_space<vmem>>, vector<1x16xf32>,
        %get3A_83 = arith.index_cast %scan3A_41 : i32 to index
        %get3A_84 = arith.constant 48 : index
        %get3A_85 = tpu.vector_load %arg8[%get3A_83, %get3A_84] {strides = array<i32>} : memref<128x64xf32, #tpu.memory_space<vmem>>, vector<1x16xf32>,
        %get3A_86 = vector.shape_cast %get3A_85 : vector<1x16xf32> to vector<16xf32>
        %get3A_87 = arith.index_cast %scan3A_41 : i32 to index
        %get3A_88 = arith.constant 48 : index
        %get3A_89 = tpu.vector_load %arg7[%get3A_87, %get3A_88] {strides = array<i32>} : memref<128x128xf32, #tpu.memory_space<vmem>>, vector<1x16xf32>,
        %get3A_90 = vector.shape_cast %get3A_89 : vector<1x16xf32> to vector<16xf32>
        %add3A_91 = arith.addf %get3A_86, %get3A_90 : vector<16xf32>
        %swap3A_92 = arith.index_cast %scan3A_41 : i32 to index
        %swap3A_93 = arith.constant 48 : index
        %swap3A_94 = tpu.vector_load %arg7[%swap3A_92, %swap3A_93] {strides = array<i32>} : memref<128x128xf32, #tpu.memory_space<vmem>>, vector<1x16xf32>,
        %swap3A_95 = vector.shape_cast %swap3A_94 : vector<1x16xf32> to vector<16xf32>
        %swap3A_96 = vector.shape_cast %add3A_91 : vector<16xf32> to vector<1x16xf32>
        tpu.vector_store %arg7[%swap3A_92, %swap3A_93], %swap3A_96 {strides = array<i32>} : memref<128x128xf32, #tpu.memory_space<vmem>>, vector<1x16xf32>,
        %scan3A_97 = arith.constant 0 : i32
        %scan3A_98 = arith.constant 1 : i32
        %scan3A_99 = arith.addi %scan3A_41, %scan3A_98 : i32
        %get3A_100 = arith.index_cast %scan3A_99 : i32 to index
        %get3A_101 = arith.constant 0 : index
        %get3A_102 = tpu.vector_load %arg8[%get3A_100, %get3A_101] {strides = array<i32>} : memref<128x64xf32, #tpu.memory_space<vmem>>, vector<1x16xf32>,
        %get3A_103 = vector.shape_cast %get3A_102 : vector<1x16xf32> to vector<16xf32>
        %get3A_104 = arith.index_cast %scan3A_99 : i32 to index
        %get3A_105 = arith.constant 0 : index
        %get3A_106 = tpu.vector_load %arg7[%get3A_104, %get3A_105] {strides = array<i32>} : memref<128x128xf32, #tpu.memory_space<vmem>>, vector<1x16xf32>,
        %get3A_107 = vector.shape_cast %get3A_106 : vector<1x16xf32> to vector<16xf32>
        %add3A_108 = arith.addf %get3A_103, %get3A_107 : vector<16xf32>
        %swap3A_109 = arith.index_cast %scan3A_99 : i32 to index
        %swap3A_110 = arith.constant 0 : index
        %swap3A_111 = tpu.vector_load %arg7[%swap3A_109, %swap3A_110] {strides = array<i32>} : memref<128x128xf32, #tpu.memory_space<vmem>>, vector<1x16xf32>,
        %swap3A_112 = vector.shape_cast %swap3A_111 : vector<1x16xf32> to vector<16xf32>
        %swap3A_113 = vector.shape_cast %add3A_108 : vector<16xf32> to vector<1x16xf32>
        tpu.vector_store %arg7[%swap3A_109, %swap3A_110], %swap3A_113 {strides = array<i32>} : memref<128x128xf32, #tpu.memory_space<vmem>>, vector<1x16xf32>,
        %get3A_114 = arith.index_cast %scan3A_99 : i32 to index
        %get3A_115 = arith.constant 16 : index
        %get3A_116 = tpu.vector_load %arg8[%get3A_114, %get3A_115] {strides = array<i32>} : memref<128x64xf32, #tpu.memory_space<vmem>>, vector<1x16xf32>,
        %get3A_117 = vector.shape_cast %get3A_116 : vector<1x16xf32> to vector<16xf32>
        %get3A_118 = arith.index_cast %scan3A_99 : i32 to index
        %get3A_119 = arith.constant 16 : index
        %get3A_120 = tpu.vector_load %arg7[%get3A_118, %get3A_119] {strides = array<i32>} : memref<128x128xf32, #tpu.memory_space<vmem>>, vector<1x16xf32>,
        %get3A_121 = vector.shape_cast %get3A_120 : vector<1x16xf32> to vector<16xf32>
        %add3A_122 = arith.addf %get3A_117, %get3A_121 : vector<16xf32>
        %swap3A_123 = arith.index_cast %scan3A_99 : i32 to index
        %swap3A_124 = arith.constant 16 : index
        %swap3A_125 = tpu.vector_load %arg7[%swap3A_123, %swap3A_124] {strides = array<i32>} : memref<128x128xf32, #tpu.memory_space<vmem>>, vector<1x16xf32>,
        %swap3A_126 = vector.shape_cast %swap3A_125 : vector<1x16xf32> to vector<16xf32>
        %swap3A_127 = vector.shape_cast %add3A_122 : vector<16xf32> to vector<1x16xf32>
        tpu.vector_store %arg7[%swap3A_123, %swap3A_124], %swap3A_127 {strides = array<i32>} : memref<128x128xf32, #tpu.memory_space<vmem>>, vector<1x16xf32>,
        %get3A_128 = arith.index_cast %scan3A_99 : i32 to index
        %get3A_129 = arith.constant 32 : index
        %get3A_130 = tpu.vector_load %arg8[%get3A_128, %get3A_129] {strides = array<i32>} : memref<128x64xf32, #tpu.memory_space<vmem>>, vector<1x16xf32>,
        %get3A_131 = vector.shape_cast %get3A_130 : vector<1x16xf32> to vector<16xf32>
        %get3A_132 = arith.index_cast %scan3A_99 : i32 to index
        %get3A_133 = arith.constant 32 : index
        %get3A_134 = tpu.vector_load %arg7[%get3A_132, %get3A_133] {strides = array<i32>} : memref<128x128xf32, #tpu.memory_space<vmem>>, vector<1x16xf32>,
        %get3A_135 = vector.shape_cast %get3A_134 : vector<1x16xf32> to vector<16xf32>
        %add3A_136 = arith.addf %get3A_131, %get3A_135 : vector<16xf32>
        %swap3A_137 = arith.index_cast %scan3A_99 : i32 to index
        %swap3A_138 = arith.constant 32 : index
        %swap3A_139 = tpu.vector_load %arg7[%swap3A_137, %swap3A_138] {strides = array<i32>} : memref<128x128xf32, #tpu.memory_space<vmem>>, vector<1x16xf32>,
        %swap3A_140 = vector.shape_cast %swap3A_139 : vector<1x16xf32> to vector<16xf32>
        %swap3A_141 = vector.shape_cast %add3A_136 : vector<16xf32> to vector<1x16xf32>
        tpu.vector_store %arg7[%swap3A_137, %swap3A_138], %swap3A_141 {strides = array<i32>} : memref<128x128xf32, #tpu.memory_space<vmem>>, vector<1x16xf32>,
        %get3A_142 = arith.index_cast %scan3A_99 : i32 to index
        %get3A_143 = arith.constant 48 : index
        %get3A_144 = tpu.vector_load %arg8[%get3A_142, %get3A_143] {strides = array<i32>} : memref<128x64xf32, #tpu.memory_space<vmem>>, vector<1x16xf32>,
        %get3A_145 = vector.shape_cast %get3A_144 : vector<1x16xf32> to vector<16xf32>
        %get3A_146 = arith.index_cast %scan3A_99 : i32 to index
        %get3A_147 = arith.constant 48 : index
        %get3A_148 = tpu.vector_load %arg7[%get3A_146, %get3A_147] {strides = array<i32>} : memref<128x128xf32, #tpu.memory_space<vmem>>, vector<1x16xf32>,
        %get3A_149 = vector.shape_cast %get3A_148 : vector<1x16xf32> to vector<16xf32>
        %add3A_150 = arith.addf %get3A_145, %get3A_149 : vector<16xf32>
        %swap3A_151 = arith.index_cast %scan3A_99 : i32 to index
        %swap3A_152 = arith.constant 48 : index
        %swap3A_153 = tpu.vector_load %arg7[%swap3A_151, %swap3A_152] {strides = array<i32>} : memref<128x128xf32, #tpu.memory_space<vmem>>, vector<1x16xf32>,
        %swap3A_154 = vector.shape_cast %swap3A_153 : vector<1x16xf32> to vector<16xf32>
        %swap3A_155 = vector.shape_cast %add3A_150 : vector<16xf32> to vector<1x16xf32>
        tpu.vector_store %arg7[%swap3A_151, %swap3A_152], %swap3A_155 {strides = array<i32>} : memref<128x128xf32, #tpu.memory_space<vmem>>, vector<1x16xf32>,
        %scan3A_156 = arith.constant 0 : i32
        %scan3A_157 = arith.constant 2 : i32
        %scan3A_158 = arith.addi %scan3A_41, %scan3A_157 : i32
        %get3A_159 = arith.index_cast %scan3A_158 : i32 to index
        %get3A_160 = arith.constant 0 : index
        %get3A_161 = tpu.vector_load %arg8[%get3A_159, %get3A_160] {strides = array<i32>} : memref<128x64xf32, #tpu.memory_space<vmem>>, vector<1x16xf32>,
        %get3A_162 = vector.shape_cast %get3A_161 : vector<1x16xf32> to vector<16xf32>
        %get3A_163 = arith.index_cast %scan3A_158 : i32 to index
        %get3A_164 = arith.constant 0 : index
        %get3A_165 = tpu.vector_load %arg7[%get3A_163, %get3A_164] {strides = array<i32>} : memref<128x128xf32, #tpu.memory_space<vmem>>, vector<1x16xf32>,
        %get3A_166 = vector.shape_cast %get3A_165 : vector<1x16xf32> to vector<16xf32>
        %add3A_167 = arith.addf %get3A_162, %get3A_166 : vector<16xf32>
        %swap3A_168 = arith.index_cast %scan3A_158 : i32 to index
        %swap3A_169 = arith.constant 0 : index
        %swap3A_170 = tpu.vector_load %arg7[%swap3A_168, %swap3A_169] {strides = array<i32>} : memref<128x128xf32, #tpu.memory_space<vmem>>, vector<1x16xf32>,
        %swap3A_171 = vector.shape_cast %swap3A_170 : vector<1x16xf32> to vector<16xf32>
        %swap3A_172 = vector.shape_cast %add3A_167 : vector<16xf32> to vector<1x16xf32>
        tpu.vector_store %arg7[%swap3A_168, %swap3A_169], %swap3A_172 {strides = array<i32>} : memref<128x128xf32, #tpu.memory_space<vmem>>, vector<1x16xf32>,
        %get3A_173 = arith.index_cast %scan3A_158 : i32 to index
        %get3A_174 = arith.constant 16 : index
        %get3A_175 = tpu.vector_load %arg8[%get3A_173, %get3A_174] {strides = array<i32>} : memref<128x64xf32, #tpu.memory_space<vmem>>, vector<1x16xf32>,
        %get3A_176 = vector.shape_cast %get3A_175 : vector<1x16xf32> to vector<16xf32>
        %get3A_177 = arith.index_cast %scan3A_158 : i32 to index
        %get3A_178 = arith.constant 16 : index
        %get3A_179 = tpu.vector_load %arg7[%get3A_177, %get3A_178] {strides = array<i32>} : memref<128x128xf32, #tpu.memory_space<vmem>>, vector<1x16xf32>,
        %get3A_180 = vector.shape_cast %get3A_179 : vector<1x16xf32> to vector<16xf32>
        %add3A_181 = arith.addf %get3A_176, %get3A_180 : vector<16xf32>
        %swap3A_182 = arith.index_cast %scan3A_158 : i32 to index
        %swap3A_183 = arith.constant 16 : index
        %swap3A_184 = tpu.vector_load %arg7[%swap3A_182, %swap3A_183] {strides = array<i32>} : memref<128x128xf32, #tpu.memory_space<vmem>>, vector<1x16xf32>,
        %swap3A_185 = vector.shape_cast %swap3A_184 : vector<1x16xf32> to vector<16xf32>
        %swap3A_186 = vector.shape_cast %add3A_181 : vector<16xf32> to vector<1x16xf32>
        tpu.vector_store %arg7[%swap3A_182, %swap3A_183], %swap3A_186 {strides = array<i32>} : memref<128x128xf32, #tpu.memory_space<vmem>>, vector<1x16xf32>,
        %get3A_187 = arith.index_cast %scan3A_158 : i32 to index
        %get3A_188 = arith.constant 32 : index
        %get3A_189 = tpu.vector_load %arg8[%get3A_187, %get3A_188] {strides = array<i32>} : memref<128x64xf32, #tpu.memory_space<vmem>>, vector<1x16xf32>,
        %get3A_190 = vector.shape_cast %get3A_189 : vector<1x16xf32> to vector<16xf32>
        %get3A_191 = arith.index_cast %scan3A_158 : i32 to index
        %get3A_192 = arith.constant 32 : index
        %get3A_193 = tpu.vector_load %arg7[%get3A_191, %get3A_192] {strides = array<i32>} : memref<128x128xf32, #tpu.memory_space<vmem>>, vector<1x16xf32>,
        %get3A_194 = vector.shape_cast %get3A_193 : vector<1x16xf32> to vector<16xf32>
        %add3A_195 = arith.addf %get3A_190, %get3A_194 : vector<16xf32>
        %swap3A_196 = arith.index_cast %scan3A_158 : i32 to index
        %swap3A_197 = arith.constant 32 : index
        %swap3A_198 = tpu.vector_load %arg7[%swap3A_196, %swap3A_197] {strides = array<i32>} : memref<128x128xf32, #tpu.memory_space<vmem>>, vector<1x16xf32>,
        %swap3A_199 = vector.shape_cast %swap3A_198 : vector<1x16xf32> to vector<16xf32>
        %swap3A_200 = vector.shape_cast %add3A_195 : vector<16xf32> to vector<1x16xf32>
        tpu.vector_store %arg7[%swap3A_196, %swap3A_197], %swap3A_200 {strides = array<i32>} : memref<128x128xf32, #tpu.memory_space<vmem>>, vector<1x16xf32>,
        %get3A_201 = arith.index_cast %scan3A_158 : i32 to index
        %get3A_202 = arith.constant 48 : index
        %get3A_203 = tpu.vector_load %arg8[%get3A_201, %get3A_202] {strides = array<i32>} : memref<128x64xf32, #tpu.memory_space<vmem>>, vector<1x16xf32>,
        %get3A_204 = vector.shape_cast %get3A_203 : vector<1x16xf32> to vector<16xf32>
        %get3A_205 = arith.index_cast %scan3A_158 : i32 to index
        %get3A_206 = arith.constant 48 : index
        %get3A_207 = tpu.vector_load %arg7[%get3A_205, %get3A_206] {strides = array<i32>} : memref<128x128xf32, #tpu.memory_space<vmem>>, vector<1x16xf32>,
        %get3A_208 = vector.shape_cast %get3A_207 : vector<1x16xf32> to vector<16xf32>
        %add3A_209 = arith.addf %get3A_204, %get3A_208 : vector<16xf32>
        %swap3A_210 = arith.index_cast %scan3A_158 : i32 to index
        %swap3A_211 = arith.constant 48 : index
        %swap3A_212 = tpu.vector_load %arg7[%swap3A_210, %swap3A_211] {strides = array<i32>} : memref<128x128xf32, #tpu.memory_space<vmem>>, vector<1x16xf32>,
        %swap3A_213 = vector.shape_cast %swap3A_212 : vector<1x16xf32> to vector<16xf32>
        %swap3A_214 = vector.shape_cast %add3A_209 : vector<16xf32> to vector<1x16xf32>
        tpu.vector_store %arg7[%swap3A_210, %swap3A_211], %swap3A_214 {strides = array<i32>} : memref<128x128xf32, #tpu.memory_space<vmem>>, vector<1x16xf32>,
        %scan3A_215 = arith.constant 0 : i32
        %scan3A_216 = arith.constant 3 : i32
        %scan3A_217 = arith.addi %scan3A_41, %scan3A_216 : i32
        %get3A_218 = arith.index_cast %scan3A_217 : i32 to index
        %get3A_219 = arith.constant 0 : index
        %get3A_220 = tpu.vector_load %arg8[%get3A_218, %get3A_219] {strides = array<i32>} : memref<128x64xf32, #tpu.memory_space<vmem>>, vector<1x16xf32>,
        %get3A_221 = vector.shape_cast %get3A_220 : vector<1x16xf32> to vector<16xf32>
        %get3A_222 = arith.index_cast %scan3A_217 : i32 to index
        %get3A_223 = arith.constant 0 : index
        %get3A_224 = tpu.vector_load %arg7[%get3A_222, %get3A_223] {strides = array<i32>} : memref<128x128xf32, #tpu.memory_space<vmem>>, vector<1x16xf32>,
        %get3A_225 = vector.shape_cast %get3A_224 : vector<1x16xf32> to vector<16xf32>
        %add3A_226 = arith.addf %get3A_221, %get3A_225 : vector<16xf32>
        %swap3A_227 = arith.index_cast %scan3A_217 : i32 to index
        %swap3A_228 = arith.constant 0 : index
        %swap3A_229 = tpu.vector_load %arg7[%swap3A_227, %swap3A_228] {strides = array<i32>} : memref<128x128xf32, #tpu.memory_space<vmem>>, vector<1x16xf32>,
        %swap3A_230 = vector.shape_cast %swap3A_229 : vector<1x16xf32> to vector<16xf32>
        %swap3A_231 = vector.shape_cast %add3A_226 : vector<16xf32> to vector<1x16xf32>
        tpu.vector_store %arg7[%swap3A_227, %swap3A_228], %swap3A_231 {strides = array<i32>} : memref<128x128xf32, #tpu.memory_space<vmem>>, vector<1x16xf32>,
        %get3A_232 = arith.index_cast %scan3A_217 : i32 to index
        %get3A_233 = arith.constant 16 : index
        %get3A_234 = tpu.vector_load %arg8[%get3A_232, %get3A_233] {strides = array<i32>} : memref<128x64xf32, #tpu.memory_space<vmem>>, vector<1x16xf32>,
        %get3A_235 = vector.shape_cast %get3A_234 : vector<1x16xf32> to vector<16xf32>
        %get3A_236 = arith.index_cast %scan3A_217 : i32 to index
        %get3A_237 = arith.constant 16 : index
        %get3A_238 = tpu.vector_load %arg7[%get3A_236, %get3A_237] {strides = array<i32>} : memref<128x128xf32, #tpu.memory_space<vmem>>, vector<1x16xf32>,
        %get3A_239 = vector.shape_cast %get3A_238 : vector<1x16xf32> to vector<16xf32>
        %add3A_240 = arith.addf %get3A_235, %get3A_239 : vector<16xf32>
        %swap3A_241 = arith.index_cast %scan3A_217 : i32 to index
        %swap3A_242 = arith.constant 16 : index
        %swap3A_243 = tpu.vector_load %arg7[%swap3A_241, %swap3A_242] {strides = array<i32>} : memref<128x128xf32, #tpu.memory_space<vmem>>, vector<1x16xf32>,
        %swap3A_244 = vector.shape_cast %swap3A_243 : vector<1x16xf32> to vector<16xf32>
        %swap3A_245 = vector.shape_cast %add3A_240 : vector<16xf32> to vector<1x16xf32>
        tpu.vector_store %arg7[%swap3A_241, %swap3A_242], %swap3A_245 {strides = array<i32>} : memref<128x128xf32, #tpu.memory_space<vmem>>, vector<1x16xf32>,
        %get3A_246 = arith.index_cast %scan3A_217 : i32 to index
        %get3A_247 = arith.constant 32 : index
        %get3A_248 = tpu.vector_load %arg8[%get3A_246, %get3A_247] {strides = array<i32>} : memref<128x64xf32, #tpu.memory_space<vmem>>, vector<1x16xf32>,
        %get3A_249 = vector.shape_cast %get3A_248 : vector<1x16xf32> to vector<16xf32>
        %get3A_250 = arith.index_cast %scan3A_217 : i32 to index
        %get3A_251 = arith.constant 32 : index
        %get3A_252 = tpu.vector_load %arg7[%get3A_250, %get3A_251] {strides = array<i32>} : memref<128x128xf32, #tpu.memory_space<vmem>>, vector<1x16xf32>,
        %get3A_253 = vector.shape_cast %get3A_252 : vector<1x16xf32> to vector<16xf32>
        %add3A_254 = arith.addf %get3A_249, %get3A_253 : vector<16xf32>
        %swap3A_255 = arith.index_cast %scan3A_217 : i32 to index
        %swap3A_256 = arith.constant 32 : index
        %swap3A_257 = tpu.vector_load %arg7[%swap3A_255, %swap3A_256] {strides = array<i32>} : memref<128x128xf32, #tpu.memory_space<vmem>>, vector<1x16xf32>,
        %swap3A_258 = vector.shape_cast %swap3A_257 : vector<1x16xf32> to vector<16xf32>
        %swap3A_259 = vector.shape_cast %add3A_254 : vector<16xf32> to vector<1x16xf32>
        tpu.vector_store %arg7[%swap3A_255, %swap3A_256], %swap3A_259 {strides = array<i32>} : memref<128x128xf32, #tpu.memory_space<vmem>>, vector<1x16xf32>,
        %get3A_260 = arith.index_cast %scan3A_217 : i32 to index
        %get3A_261 = arith.constant 48 : index
        %get3A_262 = tpu.vector_load %arg8[%get3A_260, %get3A_261] {strides = array<i32>} : memref<128x64xf32, #tpu.memory_space<vmem>>, vector<1x16xf32>,
        %get3A_263 = vector.shape_cast %get3A_262 : vector<1x16xf32> to vector<16xf32>
        %get3A_264 = arith.index_cast %scan3A_217 : i32 to index
        %get3A_265 = arith.constant 48 : index
        %get3A_266 = tpu.vector_load %arg7[%get3A_264, %get3A_265] {strides = array<i32>} : memref<128x128xf32, #tpu.memory_space<vmem>>, vector<1x16xf32>,
        %get3A_267 = vector.shape_cast %get3A_266 : vector<1x16xf32> to vector<16xf32>
        %add3A_268 = arith.addf %get3A_263, %get3A_267 : vector<16xf32>
        %swap3A_269 = arith.index_cast %scan3A_217 : i32 to index
        %swap3A_270 = arith.constant 48 : index
        %swap3A_271 = tpu.vector_load %arg7[%swap3A_269, %swap3A_270] {strides = array<i32>} : memref<128x128xf32, #tpu.memory_space<vmem>>, vector<1x16xf32>,
        %swap3A_272 = vector.shape_cast %swap3A_271 : vector<1x16xf32> to vector<16xf32>
        %swap3A_273 = vector.shape_cast %add3A_268 : vector<16xf32> to vector<1x16xf32>
        tpu.vector_store %arg7[%swap3A_269, %swap3A_270], %swap3A_273 {strides = array<i32>} : memref<128x128xf32, #tpu.memory_space<vmem>>, vector<1x16xf32>,
        %scan3A_274 = arith.constant 0 : i32
        scf.yield %scan3A_274 : i32
      }
      %scan3A_40 = arith.constant 128 : i32
      "tpu.region"() ({
        %run_scoped3A = tpu.sem_alloc : memref<!tpu.dma_semaphore, #tpu.memory_space<semaphore_mem>>
        %dma_start3A_41 = arith.constant 0 : i32
        %dma_start3A_42 = arith.constant 0 : i32
        %dma_start3A_43 = tpu.memref_slice %arg7[%dma_start3A_41, %dma_start3A_42] : memref<128x128xf32, #tpu.memory_space<vmem>> -> memref<128x128xf32, #tpu.memory_space<vmem>>
        %dma_start3A_44 = arith.constant 0 : i32
        %dma_start3A_45 = tpu.memref_slice %arg5[%mul3A_25, %dma_start3A_44] : memref<100000x128xf32, #tpu.memory_space<hbm>> -> memref<128x128xf32, #tpu.memory_space<hbm>>
        %dma_start3A_46 = arith.constant 0 : i32
        %dma_start3A_47 = tpu.memref_slice %arg5[%mul3A_25, %dma_start3A_46] : memref<100000x128xf32, #tpu.memory_space<hbm>> -> memref<128x128xf32, #tpu.memory_space<hbm>>
        %dma_start3A_48 = arith.constant 0 : i32
        %dma_start3A_49 = arith.constant 0 : i32
        %dma_start3A_50 = tpu.memref_slice %arg7[%dma_start3A_48, %dma_start3A_49] : memref<128x128xf32, #tpu.memory_space<vmem>> -> memref<128x128xf32, #tpu.memory_space<vmem>>
        tpu.enqueue_dma source(%dma_start3A_50 : memref<128x128xf32, #tpu.memory_space<vmem>>) target(%dma_start3A_47 : memref<128x128xf32, #tpu.memory_space<hbm>>) target_semaphore(%run_scoped3A : memref<!tpu.dma_semaphore, #tpu.memory_space<semaphore_mem>>)
        %dma_wait3A_51 = arith.constant 0 : i32
        %dma_wait3A_52 = arith.constant 0 : i32
        %dma_wait3A_53 = tpu.memref_slice %arg7[%dma_wait3A_51, %dma_wait3A_52] : memref<128x128xf32, #tpu.memory_space<vmem>> -> memref<128x128xf32, #tpu.memory_space<vmem>>
        %dma_wait3A_54 = arith.constant 0 : i32
        %dma_wait3A_55 = tpu.memref_slice %arg5[%mul3A_25, %dma_wait3A_54] : memref<100000x128xf32, #tpu.memory_space<hbm>> -> memref<128x128xf32, #tpu.memory_space<hbm>>
        %dma_wait3A_56 = arith.constant 0 : i32
        %dma_wait3A_57 = tpu.memref_slice %arg5[%mul3A_25, %dma_wait3A_56] : memref<100000x128xf32, #tpu.memory_space<hbm>> -> memref<128x128xf32, #tpu.memory_space<hbm>>
        %dma_wait3A_58 = arith.constant 0 : i32
        %dma_wait3A_59 = arith.constant 0 : i32
        %dma_wait3A_60 = tpu.memref_slice %arg7[%dma_wait3A_58, %dma_wait3A_59] : memref<128x128xf32, #tpu.memory_space<vmem>> -> memref<128x128xf32, #tpu.memory_space<vmem>>
        tpu.wait_dma2 semaphore(%run_scoped3A : memref<!tpu.dma_semaphore, #tpu.memory_space<semaphore_mem>>) src(%dma_wait3A_60 : memref<128x128xf32, #tpu.memory_space<vmem>>) dst(%dma_wait3A_57 : memref<128x128xf32, #tpu.memory_space<hbm>>)
        tpu.yield
      }) : () -> ()
    } else {
    }
    %eq3A = arith.constant 31 : i32
    %eq3A_18 = arith.cmpi eq, %add3A, %eq3A : i32
    %convert_element_type3A_19 = arith.extui %eq3A_18 : i1 to i32
    %cond3A_20 = arith.constant 0 : i32
    %cond3A_21 = arith.cmpi ne, %convert_element_type3A_19, %cond3A_20 : i32
    scf.if %cond3A_21 {
      "tpu.region"() ({
        %run_scoped3A = tpu.sem_alloc : memref<!tpu.dma_semaphore, #tpu.memory_space<semaphore_mem>>
        %dma_start3A_37 = arith.constant 3200 : i32
        %dma_start3A_38 = tpu.memref_slice %arg6[%dma_start3A_37] : memref<3328xi32, #tpu.memory_space<vmem>> -> memref<128xi32, #tpu.memory_space<vmem>>
        %dma_start3A_39 = arith.constant 99968 : i32
        %dma_start3A_40 = tpu.memref_slice %arg4[%dma_start3A_39] : memref<100096xi32, #tpu.memory_space<hbm>> -> memref<128xi32, #tpu.memory_space<hbm>>
        %dma_start3A_41 = arith.constant 3200 : i32
        %dma_start3A_42 = tpu.memref_slice %arg6[%dma_start3A_41] : memref<3328xi32, #tpu.memory_space<vmem>> -> memref<128xi32, #tpu.memory_space<vmem>>
        %dma_start3A_43 = arith.constant 99968 : i32
        %dma_start3A_44 = tpu.memref_slice %arg4[%dma_start3A_43] : memref<100096xi32, #tpu.memory_space<hbm>> -> memref<128xi32, #tpu.memory_space<hbm>>
        tpu.enqueue_dma source(%dma_start3A_44 : memref<128xi32, #tpu.memory_space<hbm>>) target(%dma_start3A_42 : memref<128xi32, #tpu.memory_space<vmem>>) target_semaphore(%run_scoped3A : memref<!tpu.dma_semaphore, #tpu.memory_space<semaphore_mem>>)
        %dma_wait3A_45 = arith.constant 3200 : i32
        %dma_wait3A_46 = tpu.memref_slice %arg6[%dma_wait3A_45] : memref<3328xi32, #tpu.memory_space<vmem>> -> memref<128xi32, #tpu.memory_space<vmem>>
        %dma_wait3A_47 = arith.constant 99968 : i32
        %dma_wait3A_48 = tpu.memref_slice %arg4[%dma_wait3A_47] : memref<100096xi32, #tpu.memory_space<hbm>> -> memref<128xi32, #tpu.memory_space<hbm>>
        %dma_wait3A_49 = arith.constant 3200 : i32
        %dma_wait3A_50 = tpu.memref_slice %arg6[%dma_wait3A_49] : memref<3328xi32, #tpu.memory_space<vmem>> -> memref<128xi32, #tpu.memory_space<vmem>>
        %dma_wait3A_51 = arith.constant 99968 : i32
        %dma_wait3A_52 = tpu.memref_slice %arg4[%dma_wait3A_51] : memref<100096xi32, #tpu.memory_space<hbm>> -> memref<128xi32, #tpu.memory_space<hbm>>
        tpu.wait_dma2 semaphore(%run_scoped3A : memref<!tpu.dma_semaphore, #tpu.memory_space<semaphore_mem>>) src(%dma_wait3A_52 : memref<128xi32, #tpu.memory_space<hbm>>) dst(%dma_wait3A_50 : memref<128xi32, #tpu.memory_space<vmem>>)
        tpu.yield
      }) : () -> ()
      %dma_start3A = arith.constant 3200 : i32
      %dma_start3A_22 = tpu.memref_slice %arg6[%dma_start3A] : memref<3328xi32, #tpu.memory_space<vmem>> -> memref<128xi32, #tpu.memory_space<vmem>>
      %dma_start3A_23 = arith.constant 0 : i32
      %dma_start3A_24 = arith.constant 0 : i32
      %dma_start3A_25 = tpu.memref_slice %arg3[%dma_start3A_23, %dma_start3A_24] : memref<1024x128xf32, #tpu.memory_space<hbm>> -> memref<1024x128xf32, #tpu.memory_space<hbm>>
      tpu.enqueue_indirect_dma source(%dma_start3A_25 : memref<1024x128xf32, #tpu.memory_space<hbm>>) target(%arg7 : memref<128x128xf32, #tpu.memory_space<vmem>>) offsets(%dma_start3A_22 : memref<128xi32, #tpu.memory_space<vmem>>) semaphore(%arg9 : memref<!tpu.dma_semaphore, #tpu.memory_space<semaphore_mem>>)
      "tpu.region"() ({
        %run_scoped3A = tpu.sem_alloc : memref<!tpu.dma_semaphore, #tpu.memory_space<semaphore_mem>>
        %dma_start3A_37 = arith.constant 0 : i32
        %dma_start3A_38 = arith.constant 0 : i32
        %dma_start3A_39 = tpu.memref_slice %arg8[%dma_start3A_37, %dma_start3A_38] : memref<128x64xf32, #tpu.memory_space<vmem>> -> memref<32x64xf32, #tpu.memory_space<vmem>>
        %dma_start3A_40 = arith.constant 99968 : i32
        %dma_start3A_41 = arith.constant 0 : i32
        %dma_start3A_42 = tpu.memref_slice %arg2[%dma_start3A_40, %dma_start3A_41] : memref<100000x64xf32, #tpu.memory_space<hbm>> -> memref<32x64xf32, #tpu.memory_space<hbm>>
        %dma_start3A_43 = arith.constant 0 : i32
        %dma_start3A_44 = arith.constant 0 : i32
        %dma_start3A_45 = tpu.memref_slice %arg8[%dma_start3A_43, %dma_start3A_44] : memref<128x64xf32, #tpu.memory_space<vmem>> -> memref<32x64xf32, #tpu.memory_space<vmem>>
        %dma_start3A_46 = arith.constant 99968 : i32
        %dma_start3A_47 = arith.constant 0 : i32
        %dma_start3A_48 = tpu.memref_slice %arg2[%dma_start3A_46, %dma_start3A_47] : memref<100000x64xf32, #tpu.memory_space<hbm>> -> memref<32x64xf32, #tpu.memory_space<hbm>>
        tpu.enqueue_dma source(%dma_start3A_48 : memref<32x64xf32, #tpu.memory_space<hbm>>) target(%dma_start3A_45 : memref<32x64xf32, #tpu.memory_space<vmem>>) target_semaphore(%run_scoped3A : memref<!tpu.dma_semaphore, #tpu.memory_space<semaphore_mem>>)
        %dma_wait3A_49 = arith.constant 0 : i32
        %dma_wait3A_50 = arith.constant 0 : i32
        %dma_wait3A_51 = tpu.memref_slice %arg8[%dma_wait3A_49, %dma_wait3A_50] : memref<128x64xf32, #tpu.memory_space<vmem>> -> memref<32x64xf32, #tpu.memory_space<vmem>>
        %dma_wait3A_52 = arith.constant 99968 : i32
        %dma_wait3A_53 = arith.constant 0 : i32
        %dma_wait3A_54 = tpu.memref_slice %arg2[%dma_wait3A_52, %dma_wait3A_53] : memref<100000x64xf32, #tpu.memory_space<hbm>> -> memref<32x64xf32, #tpu.memory_space<hbm>>
        %dma_wait3A_55 = arith.constant 0 : i32
        %dma_wait3A_56 = arith.constant 0 : i32
        %dma_wait3A_57 = tpu.memref_slice %arg8[%dma_wait3A_55, %dma_wait3A_56] : memref<128x64xf32, #tpu.memory_space<vmem>> -> memref<32x64xf32, #tpu.memory_space<vmem>>
        %dma_wait3A_58 = arith.constant 99968 : i32
        %dma_wait3A_59 = arith.constant 0 : i32
        %dma_wait3A_60 = tpu.memref_slice %arg2[%dma_wait3A_58, %dma_wait3A_59] : memref<100000x64xf32, #tpu.memory_space<hbm>> -> memref<32x64xf32, #tpu.memory_space<hbm>>
        tpu.wait_dma2 semaphore(%run_scoped3A : memref<!tpu.dma_semaphore, #tpu.memory_space<semaphore_mem>>) src(%dma_wait3A_60 : memref<32x64xf32, #tpu.memory_space<hbm>>) dst(%dma_wait3A_57 : memref<32x64xf32, #tpu.memory_space<vmem>>)
        tpu.yield
      }) : () -> ()
      %dma_wait3A = arith.constant 3200 : i32
      %dma_wait3A_26 = tpu.memref_slice %arg6[%dma_wait3A] : memref<3328xi32, #tpu.memory_space<vmem>> -> memref<128xi32, #tpu.memory_space<vmem>>
      %dma_wait3A_27 = arith.constant 0 : i32
      %dma_wait3A_28 = arith.constant 0 : i32
      %dma_wait3A_29 = tpu.memref_slice %arg3[%dma_wait3A_27, %dma_wait3A_28] : memref<1024x128xf32, #tpu.memory_space<hbm>> -> memref<1024x128xf32, #tpu.memory_space<hbm>>
      tpu.wait_indirect_dma semaphore(%arg9 : memref<!tpu.dma_semaphore, #tpu.memory_space<semaphore_mem>>) src(%dma_wait3A_29 : memref<1024x128xf32, #tpu.memory_space<hbm>>) dst(%arg7 : memref<128x128xf32, #tpu.memory_space<vmem>>)
      %scan3A_30 = arith.constant 0 : i32
      %scan3A_31 = arith.constant 0 : i32
      %scan3A_32 = arith.constant 32 : i32
      %scan3A_33 = arith.addi %scan3A_31, %scan3A_32 : i32
      %scan3A_34 = arith.constant 4 : i32
      %scan3A_35 = scf.for %scan3A_37 = %scan3A_31 to %scan3A_33 step %scan3A_34 iter_args(%scan3A_38 = %scan3A_30) -> (i32)  : i32 {
        %get3A = arith.index_cast %scan3A_37 : i32 to index
        %get3A_39 = arith.constant 0 : index
        %get3A_40 = tpu.vector_load %arg8[%get3A, %get3A_39] {strides = array<i32>} : memref<128x64xf32, #tpu.memory_space<vmem>>, vector<1x16xf32>,
        %get3A_41 = vector.shape_cast %get3A_40 : vector<1x16xf32> to vector<16xf32>
        %get3A_42 = arith.index_cast %scan3A_37 : i32 to index
        %get3A_43 = arith.constant 0 : index
        %get3A_44 = tpu.vector_load %arg7[%get3A_42, %get3A_43] {strides = array<i32>} : memref<128x128xf32, #tpu.memory_space<vmem>>, vector<1x16xf32>,
        %get3A_45 = vector.shape_cast %get3A_44 : vector<1x16xf32> to vector<16xf32>
        %add3A_46 = arith.addf %get3A_41, %get3A_45 : vector<16xf32>
        %swap3A = arith.index_cast %scan3A_37 : i32 to index
        %swap3A_47 = arith.constant 0 : index
        %swap3A_48 = tpu.vector_load %arg7[%swap3A, %swap3A_47] {strides = array<i32>} : memref<128x128xf32, #tpu.memory_space<vmem>>, vector<1x16xf32>,
        %swap3A_49 = vector.shape_cast %swap3A_48 : vector<1x16xf32> to vector<16xf32>
        %swap3A_50 = vector.shape_cast %add3A_46 : vector<16xf32> to vector<1x16xf32>
        tpu.vector_store %arg7[%swap3A, %swap3A_47], %swap3A_50 {strides = array<i32>} : memref<128x128xf32, #tpu.memory_space<vmem>>, vector<1x16xf32>,
        %get3A_51 = arith.index_cast %scan3A_37 : i32 to index
        %get3A_52 = arith.constant 16 : index
        %get3A_53 = tpu.vector_load %arg8[%get3A_51, %get3A_52] {strides = array<i32>} : memref<128x64xf32, #tpu.memory_space<vmem>>, vector<1x16xf32>,
        %get3A_54 = vector.shape_cast %get3A_53 : vector<1x16xf32> to vector<16xf32>
        %get3A_55 = arith.index_cast %scan3A_37 : i32 to index
        %get3A_56 = arith.constant 16 : index
        %get3A_57 = tpu.vector_load %arg7[%get3A_55, %get3A_56] {strides = array<i32>} : memref<128x128xf32, #tpu.memory_space<vmem>>, vector<1x16xf32>,
        %get3A_58 = vector.shape_cast %get3A_57 : vector<1x16xf32> to vector<16xf32>
        %add3A_59 = arith.addf %get3A_54, %get3A_58 : vector<16xf32>
        %swap3A_60 = arith.index_cast %scan3A_37 : i32 to index
        %swap3A_61 = arith.constant 16 : index
        %swap3A_62 = tpu.vector_load %arg7[%swap3A_60, %swap3A_61] {strides = array<i32>} : memref<128x128xf32, #tpu.memory_space<vmem>>, vector<1x16xf32>,
        %swap3A_63 = vector.shape_cast %swap3A_62 : vector<1x16xf32> to vector<16xf32>
        %swap3A_64 = vector.shape_cast %add3A_59 : vector<16xf32> to vector<1x16xf32>
        tpu.vector_store %arg7[%swap3A_60, %swap3A_61], %swap3A_64 {strides = array<i32>} : memref<128x128xf32, #tpu.memory_space<vmem>>, vector<1x16xf32>,
        %get3A_65 = arith.index_cast %scan3A_37 : i32 to index
        %get3A_66 = arith.constant 32 : index
        %get3A_67 = tpu.vector_load %arg8[%get3A_65, %get3A_66] {strides = array<i32>} : memref<128x64xf32, #tpu.memory_space<vmem>>, vector<1x16xf32>,
        %get3A_68 = vector.shape_cast %get3A_67 : vector<1x16xf32> to vector<16xf32>
        %get3A_69 = arith.index_cast %scan3A_37 : i32 to index
        %get3A_70 = arith.constant 32 : index
        %get3A_71 = tpu.vector_load %arg7[%get3A_69, %get3A_70] {strides = array<i32>} : memref<128x128xf32, #tpu.memory_space<vmem>>, vector<1x16xf32>,
        %get3A_72 = vector.shape_cast %get3A_71 : vector<1x16xf32> to vector<16xf32>
        %add3A_73 = arith.addf %get3A_68, %get3A_72 : vector<16xf32>
        %swap3A_74 = arith.index_cast %scan3A_37 : i32 to index
        %swap3A_75 = arith.constant 32 : index
        %swap3A_76 = tpu.vector_load %arg7[%swap3A_74, %swap3A_75] {strides = array<i32>} : memref<128x128xf32, #tpu.memory_space<vmem>>, vector<1x16xf32>,
        %swap3A_77 = vector.shape_cast %swap3A_76 : vector<1x16xf32> to vector<16xf32>
        %swap3A_78 = vector.shape_cast %add3A_73 : vector<16xf32> to vector<1x16xf32>
        tpu.vector_store %arg7[%swap3A_74, %swap3A_75], %swap3A_78 {strides = array<i32>} : memref<128x128xf32, #tpu.memory_space<vmem>>, vector<1x16xf32>,
        %get3A_79 = arith.index_cast %scan3A_37 : i32 to index
        %get3A_80 = arith.constant 48 : index
        %get3A_81 = tpu.vector_load %arg8[%get3A_79, %get3A_80] {strides = array<i32>} : memref<128x64xf32, #tpu.memory_space<vmem>>, vector<1x16xf32>,
        %get3A_82 = vector.shape_cast %get3A_81 : vector<1x16xf32> to vector<16xf32>
        %get3A_83 = arith.index_cast %scan3A_37 : i32 to index
        %get3A_84 = arith.constant 48 : index
        %get3A_85 = tpu.vector_load %arg7[%get3A_83, %get3A_84] {strides = array<i32>} : memref<128x128xf32, #tpu.memory_space<vmem>>, vector<1x16xf32>,
        %get3A_86 = vector.shape_cast %get3A_85 : vector<1x16xf32> to vector<16xf32>
        %add3A_87 = arith.addf %get3A_82, %get3A_86 : vector<16xf32>
        %swap3A_88 = arith.index_cast %scan3A_37 : i32 to index
        %swap3A_89 = arith.constant 48 : index
        %swap3A_90 = tpu.vector_load %arg7[%swap3A_88, %swap3A_89] {strides = array<i32>} : memref<128x128xf32, #tpu.memory_space<vmem>>, vector<1x16xf32>,
        %swap3A_91 = vector.shape_cast %swap3A_90 : vector<1x16xf32> to vector<16xf32>
        %swap3A_92 = vector.shape_cast %add3A_87 : vector<16xf32> to vector<1x16xf32>
        tpu.vector_store %arg7[%swap3A_88, %swap3A_89], %swap3A_92 {strides = array<i32>} : memref<128x128xf32, #tpu.memory_space<vmem>>, vector<1x16xf32>,
        %scan3A_93 = arith.constant 0 : i32
        %scan3A_94 = arith.constant 1 : i32
        %scan3A_95 = arith.addi %scan3A_37, %scan3A_94 : i32
        %get3A_96 = arith.index_cast %scan3A_95 : i32 to index
        %get3A_97 = arith.constant 0 : index
        %get3A_98 = tpu.vector_load %arg8[%get3A_96, %get3A_97] {strides = array<i32>} : memref<128x64xf32, #tpu.memory_space<vmem>>, vector<1x16xf32>,
        %get3A_99 = vector.shape_cast %get3A_98 : vector<1x16xf32> to vector<16xf32>
        %get3A_100 = arith.index_cast %scan3A_95 : i32 to index
        %get3A_101 = arith.constant 0 : index
        %get3A_102 = tpu.vector_load %arg7[%get3A_100, %get3A_101] {strides = array<i32>} : memref<128x128xf32, #tpu.memory_space<vmem>>, vector<1x16xf32>,
        %get3A_103 = vector.shape_cast %get3A_102 : vector<1x16xf32> to vector<16xf32>
        %add3A_104 = arith.addf %get3A_99, %get3A_103 : vector<16xf32>
        %swap3A_105 = arith.index_cast %scan3A_95 : i32 to index
        %swap3A_106 = arith.constant 0 : index
        %swap3A_107 = tpu.vector_load %arg7[%swap3A_105, %swap3A_106] {strides = array<i32>} : memref<128x128xf32, #tpu.memory_space<vmem>>, vector<1x16xf32>,
        %swap3A_108 = vector.shape_cast %swap3A_107 : vector<1x16xf32> to vector<16xf32>
        %swap3A_109 = vector.shape_cast %add3A_104 : vector<16xf32> to vector<1x16xf32>
        tpu.vector_store %arg7[%swap3A_105, %swap3A_106], %swap3A_109 {strides = array<i32>} : memref<128x128xf32, #tpu.memory_space<vmem>>, vector<1x16xf32>,
        %get3A_110 = arith.index_cast %scan3A_95 : i32 to index
        %get3A_111 = arith.constant 16 : index
        %get3A_112 = tpu.vector_load %arg8[%get3A_110, %get3A_111] {strides = array<i32>} : memref<128x64xf32, #tpu.memory_space<vmem>>, vector<1x16xf32>,
        %get3A_113 = vector.shape_cast %get3A_112 : vector<1x16xf32> to vector<16xf32>
        %get3A_114 = arith.index_cast %scan3A_95 : i32 to index
        %get3A_115 = arith.constant 16 : index
        %get3A_116 = tpu.vector_load %arg7[%get3A_114, %get3A_115] {strides = array<i32>} : memref<128x128xf32, #tpu.memory_space<vmem>>, vector<1x16xf32>,
        %get3A_117 = vector.shape_cast %get3A_116 : vector<1x16xf32> to vector<16xf32>
        %add3A_118 = arith.addf %get3A_113, %get3A_117 : vector<16xf32>
        %swap3A_119 = arith.index_cast %scan3A_95 : i32 to index
        %swap3A_120 = arith.constant 16 : index
        %swap3A_121 = tpu.vector_load %arg7[%swap3A_119, %swap3A_120] {strides = array<i32>} : memref<128x128xf32, #tpu.memory_space<vmem>>, vector<1x16xf32>,
        %swap3A_122 = vector.shape_cast %swap3A_121 : vector<1x16xf32> to vector<16xf32>
        %swap3A_123 = vector.shape_cast %add3A_118 : vector<16xf32> to vector<1x16xf32>
        tpu.vector_store %arg7[%swap3A_119, %swap3A_120], %swap3A_123 {strides = array<i32>} : memref<128x128xf32, #tpu.memory_space<vmem>>, vector<1x16xf32>,
        %get3A_124 = arith.index_cast %scan3A_95 : i32 to index
        %get3A_125 = arith.constant 32 : index
        %get3A_126 = tpu.vector_load %arg8[%get3A_124, %get3A_125] {strides = array<i32>} : memref<128x64xf32, #tpu.memory_space<vmem>>, vector<1x16xf32>,
        %get3A_127 = vector.shape_cast %get3A_126 : vector<1x16xf32> to vector<16xf32>
        %get3A_128 = arith.index_cast %scan3A_95 : i32 to index
        %get3A_129 = arith.constant 32 : index
        %get3A_130 = tpu.vector_load %arg7[%get3A_128, %get3A_129] {strides = array<i32>} : memref<128x128xf32, #tpu.memory_space<vmem>>, vector<1x16xf32>,
        %get3A_131 = vector.shape_cast %get3A_130 : vector<1x16xf32> to vector<16xf32>
        %add3A_132 = arith.addf %get3A_127, %get3A_131 : vector<16xf32>
        %swap3A_133 = arith.index_cast %scan3A_95 : i32 to index
        %swap3A_134 = arith.constant 32 : index
        %swap3A_135 = tpu.vector_load %arg7[%swap3A_133, %swap3A_134] {strides = array<i32>} : memref<128x128xf32, #tpu.memory_space<vmem>>, vector<1x16xf32>,
        %swap3A_136 = vector.shape_cast %swap3A_135 : vector<1x16xf32> to vector<16xf32>
        %swap3A_137 = vector.shape_cast %add3A_132 : vector<16xf32> to vector<1x16xf32>
        tpu.vector_store %arg7[%swap3A_133, %swap3A_134], %swap3A_137 {strides = array<i32>} : memref<128x128xf32, #tpu.memory_space<vmem>>, vector<1x16xf32>,
        %get3A_138 = arith.index_cast %scan3A_95 : i32 to index
        %get3A_139 = arith.constant 48 : index
        %get3A_140 = tpu.vector_load %arg8[%get3A_138, %get3A_139] {strides = array<i32>} : memref<128x64xf32, #tpu.memory_space<vmem>>, vector<1x16xf32>,
        %get3A_141 = vector.shape_cast %get3A_140 : vector<1x16xf32> to vector<16xf32>
        %get3A_142 = arith.index_cast %scan3A_95 : i32 to index
        %get3A_143 = arith.constant 48 : index
        %get3A_144 = tpu.vector_load %arg7[%get3A_142, %get3A_143] {strides = array<i32>} : memref<128x128xf32, #tpu.memory_space<vmem>>, vector<1x16xf32>,
        %get3A_145 = vector.shape_cast %get3A_144 : vector<1x16xf32> to vector<16xf32>
        %add3A_146 = arith.addf %get3A_141, %get3A_145 : vector<16xf32>
        %swap3A_147 = arith.index_cast %scan3A_95 : i32 to index
        %swap3A_148 = arith.constant 48 : index
        %swap3A_149 = tpu.vector_load %arg7[%swap3A_147, %swap3A_148] {strides = array<i32>} : memref<128x128xf32, #tpu.memory_space<vmem>>, vector<1x16xf32>,
        %swap3A_150 = vector.shape_cast %swap3A_149 : vector<1x16xf32> to vector<16xf32>
        %swap3A_151 = vector.shape_cast %add3A_146 : vector<16xf32> to vector<1x16xf32>
        tpu.vector_store %arg7[%swap3A_147, %swap3A_148], %swap3A_151 {strides = array<i32>} : memref<128x128xf32, #tpu.memory_space<vmem>>, vector<1x16xf32>,
        %scan3A_152 = arith.constant 0 : i32
        %scan3A_153 = arith.constant 2 : i32
        %scan3A_154 = arith.addi %scan3A_37, %scan3A_153 : i32
        %get3A_155 = arith.index_cast %scan3A_154 : i32 to index
        %get3A_156 = arith.constant 0 : index
        %get3A_157 = tpu.vector_load %arg8[%get3A_155, %get3A_156] {strides = array<i32>} : memref<128x64xf32, #tpu.memory_space<vmem>>, vector<1x16xf32>,
        %get3A_158 = vector.shape_cast %get3A_157 : vector<1x16xf32> to vector<16xf32>
        %get3A_159 = arith.index_cast %scan3A_154 : i32 to index
        %get3A_160 = arith.constant 0 : index
        %get3A_161 = tpu.vector_load %arg7[%get3A_159, %get3A_160] {strides = array<i32>} : memref<128x128xf32, #tpu.memory_space<vmem>>, vector<1x16xf32>,
        %get3A_162 = vector.shape_cast %get3A_161 : vector<1x16xf32> to vector<16xf32>
        %add3A_163 = arith.addf %get3A_158, %get3A_162 : vector<16xf32>
        %swap3A_164 = arith.index_cast %scan3A_154 : i32 to index
        %swap3A_165 = arith.constant 0 : index
        %swap3A_166 = tpu.vector_load %arg7[%swap3A_164, %swap3A_165] {strides = array<i32>} : memref<128x128xf32, #tpu.memory_space<vmem>>, vector<1x16xf32>,
        %swap3A_167 = vector.shape_cast %swap3A_166 : vector<1x16xf32> to vector<16xf32>
        %swap3A_168 = vector.shape_cast %add3A_163 : vector<16xf32> to vector<1x16xf32>
        tpu.vector_store %arg7[%swap3A_164, %swap3A_165], %swap3A_168 {strides = array<i32>} : memref<128x128xf32, #tpu.memory_space<vmem>>, vector<1x16xf32>,
        %get3A_169 = arith.index_cast %scan3A_154 : i32 to index
        %get3A_170 = arith.constant 16 : index
        %get3A_171 = tpu.vector_load %arg8[%get3A_169, %get3A_170] {strides = array<i32>} : memref<128x64xf32, #tpu.memory_space<vmem>>, vector<1x16xf32>,
        %get3A_172 = vector.shape_cast %get3A_171 : vector<1x16xf32> to vector<16xf32>
        %get3A_173 = arith.index_cast %scan3A_154 : i32 to index
        %get3A_174 = arith.constant 16 : index
        %get3A_175 = tpu.vector_load %arg7[%get3A_173, %get3A_174] {strides = array<i32>} : memref<128x128xf32, #tpu.memory_space<vmem>>, vector<1x16xf32>,
        %get3A_176 = vector.shape_cast %get3A_175 : vector<1x16xf32> to vector<16xf32>
        %add3A_177 = arith.addf %get3A_172, %get3A_176 : vector<16xf32>
        %swap3A_178 = arith.index_cast %scan3A_154 : i32 to index
        %swap3A_179 = arith.constant 16 : index
        %swap3A_180 = tpu.vector_load %arg7[%swap3A_178, %swap3A_179] {strides = array<i32>} : memref<128x128xf32, #tpu.memory_space<vmem>>, vector<1x16xf32>,
        %swap3A_181 = vector.shape_cast %swap3A_180 : vector<1x16xf32> to vector<16xf32>
        %swap3A_182 = vector.shape_cast %add3A_177 : vector<16xf32> to vector<1x16xf32>
        tpu.vector_store %arg7[%swap3A_178, %swap3A_179], %swap3A_182 {strides = array<i32>} : memref<128x128xf32, #tpu.memory_space<vmem>>, vector<1x16xf32>,
        %get3A_183 = arith.index_cast %scan3A_154 : i32 to index
        %get3A_184 = arith.constant 32 : index
        %get3A_185 = tpu.vector_load %arg8[%get3A_183, %get3A_184] {strides = array<i32>} : memref<128x64xf32, #tpu.memory_space<vmem>>, vector<1x16xf32>,
        %get3A_186 = vector.shape_cast %get3A_185 : vector<1x16xf32> to vector<16xf32>
        %get3A_187 = arith.index_cast %scan3A_154 : i32 to index
        %get3A_188 = arith.constant 32 : index
        %get3A_189 = tpu.vector_load %arg7[%get3A_187, %get3A_188] {strides = array<i32>} : memref<128x128xf32, #tpu.memory_space<vmem>>, vector<1x16xf32>,
        %get3A_190 = vector.shape_cast %get3A_189 : vector<1x16xf32> to vector<16xf32>
        %add3A_191 = arith.addf %get3A_186, %get3A_190 : vector<16xf32>
        %swap3A_192 = arith.index_cast %scan3A_154 : i32 to index
        %swap3A_193 = arith.constant 32 : index
        %swap3A_194 = tpu.vector_load %arg7[%swap3A_192, %swap3A_193] {strides = array<i32>} : memref<128x128xf32, #tpu.memory_space<vmem>>, vector<1x16xf32>,
        %swap3A_195 = vector.shape_cast %swap3A_194 : vector<1x16xf32> to vector<16xf32>
        %swap3A_196 = vector.shape_cast %add3A_191 : vector<16xf32> to vector<1x16xf32>
        tpu.vector_store %arg7[%swap3A_192, %swap3A_193], %swap3A_196 {strides = array<i32>} : memref<128x128xf32, #tpu.memory_space<vmem>>, vector<1x16xf32>,
        %get3A_197 = arith.index_cast %scan3A_154 : i32 to index
        %get3A_198 = arith.constant 48 : index
        %get3A_199 = tpu.vector_load %arg8[%get3A_197, %get3A_198] {strides = array<i32>} : memref<128x64xf32, #tpu.memory_space<vmem>>, vector<1x16xf32>,
        %get3A_200 = vector.shape_cast %get3A_199 : vector<1x16xf32> to vector<16xf32>
        %get3A_201 = arith.index_cast %scan3A_154 : i32 to index
        %get3A_202 = arith.constant 48 : index
        %get3A_203 = tpu.vector_load %arg7[%get3A_201, %get3A_202] {strides = array<i32>} : memref<128x128xf32, #tpu.memory_space<vmem>>, vector<1x16xf32>,
        %get3A_204 = vector.shape_cast %get3A_203 : vector<1x16xf32> to vector<16xf32>
        %add3A_205 = arith.addf %get3A_200, %get3A_204 : vector<16xf32>
        %swap3A_206 = arith.index_cast %scan3A_154 : i32 to index
        %swap3A_207 = arith.constant 48 : index
        %swap3A_208 = tpu.vector_load %arg7[%swap3A_206, %swap3A_207] {strides = array<i32>} : memref<128x128xf32, #tpu.memory_space<vmem>>, vector<1x16xf32>,
        %swap3A_209 = vector.shape_cast %swap3A_208 : vector<1x16xf32> to vector<16xf32>
        %swap3A_210 = vector.shape_cast %add3A_205 : vector<16xf32> to vector<1x16xf32>
        tpu.vector_store %arg7[%swap3A_206, %swap3A_207], %swap3A_210 {strides = array<i32>} : memref<128x128xf32, #tpu.memory_space<vmem>>, vector<1x16xf32>,
        %scan3A_211 = arith.constant 0 : i32
        %scan3A_212 = arith.constant 3 : i32
        %scan3A_213 = arith.addi %scan3A_37, %scan3A_212 : i32
        %get3A_214 = arith.index_cast %scan3A_213 : i32 to index
        %get3A_215 = arith.constant 0 : index
        %get3A_216 = tpu.vector_load %arg8[%get3A_214, %get3A_215] {strides = array<i32>} : memref<128x64xf32, #tpu.memory_space<vmem>>, vector<1x16xf32>,
        %get3A_217 = vector.shape_cast %get3A_216 : vector<1x16xf32> to vector<16xf32>
        %get3A_218 = arith.index_cast %scan3A_213 : i32 to index
        %get3A_219 = arith.constant 0 : index
        %get3A_220 = tpu.vector_load %arg7[%get3A_218, %get3A_219] {strides = array<i32>} : memref<128x128xf32, #tpu.memory_space<vmem>>, vector<1x16xf32>,
        %get3A_221 = vector.shape_cast %get3A_220 : vector<1x16xf32> to vector<16xf32>
        %add3A_222 = arith.addf %get3A_217, %get3A_221 : vector<16xf32>
        %swap3A_223 = arith.index_cast %scan3A_213 : i32 to index
        %swap3A_224 = arith.constant 0 : index
        %swap3A_225 = tpu.vector_load %arg7[%swap3A_223, %swap3A_224] {strides = array<i32>} : memref<128x128xf32, #tpu.memory_space<vmem>>, vector<1x16xf32>,
        %swap3A_226 = vector.shape_cast %swap3A_225 : vector<1x16xf32> to vector<16xf32>
        %swap3A_227 = vector.shape_cast %add3A_222 : vector<16xf32> to vector<1x16xf32>
        tpu.vector_store %arg7[%swap3A_223, %swap3A_224], %swap3A_227 {strides = array<i32>} : memref<128x128xf32, #tpu.memory_space<vmem>>, vector<1x16xf32>,
        %get3A_228 = arith.index_cast %scan3A_213 : i32 to index
        %get3A_229 = arith.constant 16 : index
        %get3A_230 = tpu.vector_load %arg8[%get3A_228, %get3A_229] {strides = array<i32>} : memref<128x64xf32, #tpu.memory_space<vmem>>, vector<1x16xf32>,
        %get3A_231 = vector.shape_cast %get3A_230 : vector<1x16xf32> to vector<16xf32>
        %get3A_232 = arith.index_cast %scan3A_213 : i32 to index
        %get3A_233 = arith.constant 16 : index
        %get3A_234 = tpu.vector_load %arg7[%get3A_232, %get3A_233] {strides = array<i32>} : memref<128x128xf32, #tpu.memory_space<vmem>>, vector<1x16xf32>,
        %get3A_235 = vector.shape_cast %get3A_234 : vector<1x16xf32> to vector<16xf32>
        %add3A_236 = arith.addf %get3A_231, %get3A_235 : vector<16xf32>
        %swap3A_237 = arith.index_cast %scan3A_213 : i32 to index
        %swap3A_238 = arith.constant 16 : index
        %swap3A_239 = tpu.vector_load %arg7[%swap3A_237, %swap3A_238] {strides = array<i32>} : memref<128x128xf32, #tpu.memory_space<vmem>>, vector<1x16xf32>,
        %swap3A_240 = vector.shape_cast %swap3A_239 : vector<1x16xf32> to vector<16xf32>
        %swap3A_241 = vector.shape_cast %add3A_236 : vector<16xf32> to vector<1x16xf32>
        tpu.vector_store %arg7[%swap3A_237, %swap3A_238], %swap3A_241 {strides = array<i32>} : memref<128x128xf32, #tpu.memory_space<vmem>>, vector<1x16xf32>,
        %get3A_242 = arith.index_cast %scan3A_213 : i32 to index
        %get3A_243 = arith.constant 32 : index
        %get3A_244 = tpu.vector_load %arg8[%get3A_242, %get3A_243] {strides = array<i32>} : memref<128x64xf32, #tpu.memory_space<vmem>>, vector<1x16xf32>,
        %get3A_245 = vector.shape_cast %get3A_244 : vector<1x16xf32> to vector<16xf32>
        %get3A_246 = arith.index_cast %scan3A_213 : i32 to index
        %get3A_247 = arith.constant 32 : index
        %get3A_248 = tpu.vector_load %arg7[%get3A_246, %get3A_247] {strides = array<i32>} : memref<128x128xf32, #tpu.memory_space<vmem>>, vector<1x16xf32>,
        %get3A_249 = vector.shape_cast %get3A_248 : vector<1x16xf32> to vector<16xf32>
        %add3A_250 = arith.addf %get3A_245, %get3A_249 : vector<16xf32>
        %swap3A_251 = arith.index_cast %scan3A_213 : i32 to index
        %swap3A_252 = arith.constant 32 : index
        %swap3A_253 = tpu.vector_load %arg7[%swap3A_251, %swap3A_252] {strides = array<i32>} : memref<128x128xf32, #tpu.memory_space<vmem>>, vector<1x16xf32>,
        %swap3A_254 = vector.shape_cast %swap3A_253 : vector<1x16xf32> to vector<16xf32>
        %swap3A_255 = vector.shape_cast %add3A_250 : vector<16xf32> to vector<1x16xf32>
        tpu.vector_store %arg7[%swap3A_251, %swap3A_252], %swap3A_255 {strides = array<i32>} : memref<128x128xf32, #tpu.memory_space<vmem>>, vector<1x16xf32>,
        %get3A_256 = arith.index_cast %scan3A_213 : i32 to index
        %get3A_257 = arith.constant 48 : index
        %get3A_258 = tpu.vector_load %arg8[%get3A_256, %get3A_257] {strides = array<i32>} : memref<128x64xf32, #tpu.memory_space<vmem>>, vector<1x16xf32>,
        %get3A_259 = vector.shape_cast %get3A_258 : vector<1x16xf32> to vector<16xf32>
        %get3A_260 = arith.index_cast %scan3A_213 : i32 to index
        %get3A_261 = arith.constant 48 : index
        %get3A_262 = tpu.vector_load %arg7[%get3A_260, %get3A_261] {strides = array<i32>} : memref<128x128xf32, #tpu.memory_space<vmem>>, vector<1x16xf32>,
        %get3A_263 = vector.shape_cast %get3A_262 : vector<1x16xf32> to vector<16xf32>
        %add3A_264 = arith.addf %get3A_259, %get3A_263 : vector<16xf32>
        %swap3A_265 = arith.index_cast %scan3A_213 : i32 to index
        %swap3A_266 = arith.constant 48 : index
        %swap3A_267 = tpu.vector_load %arg7[%swap3A_265, %swap3A_266] {strides = array<i32>} : memref<128x128xf32, #tpu.memory_space<vmem>>, vector<1x16xf32>,
        %swap3A_268 = vector.shape_cast %swap3A_267 : vector<1x16xf32> to vector<16xf32>
        %swap3A_269 = vector.shape_cast %add3A_264 : vector<16xf32> to vector<1x16xf32>
        tpu.vector_store %arg7[%swap3A_265, %swap3A_266], %swap3A_269 {strides = array<i32>} : memref<128x128xf32, #tpu.memory_space<vmem>>, vector<1x16xf32>,
        %scan3A_270 = arith.constant 0 : i32
        scf.yield %scan3A_270 : i32
      }
      %scan3A_36 = arith.constant 32 : i32
      "tpu.region"() ({
        %run_scoped3A = tpu.sem_alloc : memref<!tpu.dma_semaphore, #tpu.memory_space<semaphore_mem>>
        %dma_start3A_37 = arith.constant 0 : i32
        %dma_start3A_38 = arith.constant 0 : i32
        %dma_start3A_39 = tpu.memref_slice %arg7[%dma_start3A_37, %dma_start3A_38] : memref<128x128xf32, #tpu.memory_space<vmem>> -> memref<32x128xf32, #tpu.memory_space<vmem>>
        %dma_start3A_40 = arith.constant 99968 : i32
        %dma_start3A_41 = arith.constant 0 : i32
        %dma_start3A_42 = tpu.memref_slice %arg5[%dma_start3A_40, %dma_start3A_41] : memref<100000x128xf32, #tpu.memory_space<hbm>> -> memref<32x128xf32, #tpu.memory_space<hbm>>
        %dma_start3A_43 = arith.constant 99968 : i32
        %dma_start3A_44 = arith.constant 0 : i32
        %dma_start3A_45 = tpu.memref_slice %arg5[%dma_start3A_43, %dma_start3A_44] : memref<100000x128xf32, #tpu.memory_space<hbm>> -> memref<32x128xf32, #tpu.memory_space<hbm>>
        %dma_start3A_46 = arith.constant 0 : i32
        %dma_start3A_47 = arith.constant 0 : i32
        %dma_start3A_48 = tpu.memref_slice %arg7[%dma_start3A_46, %dma_start3A_47] : memref<128x128xf32, #tpu.memory_space<vmem>> -> memref<32x128xf32, #tpu.memory_space<vmem>>
        tpu.enqueue_dma source(%dma_start3A_48 : memref<32x128xf32, #tpu.memory_space<vmem>>) target(%dma_start3A_45 : memref<32x128xf32, #tpu.memory_space<hbm>>) target_semaphore(%run_scoped3A : memref<!tpu.dma_semaphore, #tpu.memory_space<semaphore_mem>>)
        %dma_wait3A_49 = arith.constant 0 : i32
        %dma_wait3A_50 = arith.constant 0 : i32
        %dma_wait3A_51 = tpu.memref_slice %arg7[%dma_wait3A_49, %dma_wait3A_50] : memref<128x128xf32, #tpu.memory_space<vmem>> -> memref<32x128xf32, #tpu.memory_space<vmem>>
        %dma_wait3A_52 = arith.constant 99968 : i32
        %dma_wait3A_53 = arith.constant 0 : i32
        %dma_wait3A_54 = tpu.memref_slice %arg5[%dma_wait3A_52, %dma_wait3A_53] : memref<100000x128xf32, #tpu.memory_space<hbm>> -> memref<32x128xf32, #tpu.memory_space<hbm>>
        %dma_wait3A_55 = arith.constant 99968 : i32
        %dma_wait3A_56 = arith.constant 0 : i32
        %dma_wait3A_57 = tpu.memref_slice %arg5[%dma_wait3A_55, %dma_wait3A_56] : memref<100000x128xf32, #tpu.memory_space<hbm>> -> memref<32x128xf32, #tpu.memory_space<hbm>>
        %dma_wait3A_58 = arith.constant 0 : i32
        %dma_wait3A_59 = arith.constant 0 : i32
        %dma_wait3A_60 = tpu.memref_slice %arg7[%dma_wait3A_58, %dma_wait3A_59] : memref<128x128xf32, #tpu.memory_space<vmem>> -> memref<32x128xf32, #tpu.memory_space<vmem>>
        tpu.wait_dma2 semaphore(%run_scoped3A : memref<!tpu.dma_semaphore, #tpu.memory_space<semaphore_mem>>) src(%dma_wait3A_60 : memref<32x128xf32, #tpu.memory_space<vmem>>) dst(%dma_wait3A_57 : memref<32x128xf32, #tpu.memory_space<hbm>>)
        tpu.yield
      }) : () -> ()
    } else {
    }
    return
  }
}

</mosaic_0001>

<sc_bundles>
// kernel: kernel.4.cloned.1.call-start
scs
__scs_entry_jumppad:
0x0: {  	(pc) =	sbr.rel $0x88, $3  }
0x1: {  	(tag) =	ssettag $0x0;
	lr =	simm.s32 $0x1  }
0x2: {  	[smem:$0x3F9D] =	sst lr;
	_ =	strace $0xD0000000  }
0x3: {  	_ = 	snop  }
0x4: {  	_ = 	snop  }
0x5: {  	_ = 	snop  }
0x6: {  	_ = 	snop  }
0x7: {  	_ = 	snop  }
__scs_overlays_trampoline_lowered:
0x8: {  	[smem:$0x3FAC] =	sst s0  }
0x9: {  	[smem:$0x3FAD] =	sst s1  }
0xa: {  	[smem:$0x3FAE] =	sst s2  }
0xb: {  	[smem:$0x3FAF] =	sst s3  }
0xc: {  	[smem:$0x3FB0] =	sst s4  }
0xd: {  	[smem:$0x3FB1] =	sst s5  }
0xe: {  	[smem:$0x3FB2] =	sst s6  }
0xf: {  	[smem:$0x3FB3] =	sst s7  }
0x10: {  	[smem:$0x3FB4] =	sst s8  }
0x11: {  	[smem:$0x3FB5] =	sst s9;
	s0 =	simm.s32 @!p0 $0x0  }
0x12: {  	s1 =	sld [smem:$0x3F9B];
	s0 =	simm.s32 @p0 $0x1  }
0x13: {  	[smem:$0x3FB6] =	sst s0;
	s0 =	simm.s32 @!p1 $0x0  }
0x14: {  	s2 =	sld [smem:$0x3F9A];
	s0 =	simm.s32 @p1 $0x1  }
0x15: {  	[smem:$0x3FB7] =	sst s0;
	s0 =	simm.s32 @!p2 $0x0  }
0x16: {  	s3 =	sld [smem:$0x3FDB];
	s0 =	simm.s32 @p2 $0x1  }
0x17: {  	s4 =	simm.s32 $0x1BF5;
	[smem:$0x3FB9] =	sst s0  }
0x18: {  	s0 =	sld [smem:$0x3F9C];
	_ =	swait.ge [sflag:s4], $0x0  }
0x19: {  	s7 =	sld [smem:$0x3F9D]  }
0x1a: {  	s8 =	sadd.s32 $0xFFFFE003, lr  }
0x1b: {  	s9 =	sadd.s32 $0xFFFFFEF7, lr;
	s5 =	simm.s32 $0xFFFFFFFF;
	p2 =	slt.u32 s8, $0xFFFFF086  }
0x1c: {  	p1 =	slt.u32 s9, $0xF7A;
	s5 =	simm.s32 @!p2 $0x0  }
0x1d: {  	s5 =	simm.s32 @p1 $0x1;
	p0 =	seq.s32 s7, s2  }
0x1e: {  	s7 =	smul.u32 @!p0 $0xF7A, s2;
	p2 =	seq.s32 @!p0 s5, $0x0  }
0x1f: {  	s9 =	smul.u32 $0xF7A, s1;
	s8 =	simm.s32 @!p0 $0x1BF5;
	p2 =	por !p2, p0  }
0x20: {  	[sflag:s8] =	ssyncset.s32 @!p0 $0xFFFFF086;
	s6 =	sadd.s32 @!p0 s3, s7;
	s7 =	simm.s32 @!p0 $0x108  }
0x21: {  	s3 =	sadd.s32 s3, s9;
	s6 =	sadd.s32 @!p0 $0x88, s6;
	s7 =	simm.s32 @p2 $0x1082  }
0x22: {  	[simem:s7], [sflag:s8] =	dma.local @!p0 [hbm:s6], $0xF7A  }
0x23: {  	s9 =	sor.u32 $0xD0000000, s2;
	s6 =	simm.s32 $0x108;
	_ =	swait.ge @!p0 [sflag:s8], $0x0  }
0x24: {  	s3 =	sadd.s32 $0x88, s3;
	s6 =	simm.s32 @!p1 $0x1082;
	[sflag:s4] =	ssyncset.s32 $0xFFFFF086  }
0x25: {  	[simem:s6], [sflag:s4] =	dma.local [hbm:s3], $0xF7A  }
0x26: {  	[smem:$0x3F9D] =	sst s1;
	(tag) =	ssettag s2;
	_ =	strace s9  }
0x27: {  	s1 =	sld [smem:$0x3FAD]  }
0x28: {  	s2 =	sld [smem:$0x3FAE]  }
0x29: {  	s4 =	sld [smem:$0x3FB0]  }
0x2a: {  	p0 =	seq.s32 s5, $0x0;
	s5 =	sld [smem:$0x3FB1]  }
0x2b: {  	s6 =	sld [smem:$0x3FB2]  }
0x2c: {  	s7 =	sld [smem:$0x3FB3]  }
0x2d: {  	s3 =	simm.s32 $0x108;
	s8 =	sld [smem:$0x3FB4]  }
0x2e: {  	s3 =	simm.s32 @!p0 $0x1082;
	s9 =	sld [smem:$0x3FB5]  }
0x2f: {  	lr =	sadd.s32 s0, s3;
	s0 =	sld [smem:$0x3FAC]  }
0x30: {  	s3 =	sld [smem:$0x3FAF]  }
0x31: {  	[smem:$0x3FB8] =	sst s10  }
0x32: {  	s10 =	sld [smem:$0x3FB6];
	_ =	sdelay $0x3  }
0x33: {  	p0 =	seq.s32 s10, $0x1;
	s10 =	sld [smem:$0x3FB8];
	_ =	sdelay $0x3  }
0x34: {  	[smem:$0x3FB8] =	sst s10  }
0x35: {  	s10 =	sld [smem:$0x3FB7];
	_ =	sdelay $0x3  }
0x36: {  	p1 =	seq.s32 s10, $0x1;
	s10 =	sld [smem:$0x3FB8];
	_ =	sdelay $0x3  }
0x37: {  	[smem:$0x3FB8] =	sst s10  }
0x38: {  	s10 =	sld [smem:$0x3FB9]  }
0x39: {  	_ = 	snop;
	(pc) =	sbr.ind lr, $3  }
0x3a: {  	_ = 	snop  }
0x3b: {  	_ = 	snop  }
0x3c: {  	p2 =	seq.s32 s10, $0x1;
	s10 =	sld [smem:$0x3FB8]  }
0x3d: {  	_ =	shalt  }
0x3e: {  	_ =	shalt  }
0x3f: {  	_ =	shalt  }
0x40: {  	_ =	shalt  }
0x41: {  	_ =	shalt  }
0x42: {  	_ =	shalt  }
0x43: {  	_ =	shalt  }
0x44: {  	_ =	shalt  }
0x45: {  	_ =	shalt  }
0x46: {  	_ =	shalt  }
0x47: {  	_ =	shalt  }
0x48: {  	_ =	shalt  }
0x49: {  	_ =	shalt  }
0x4a: {  	_ =	shalt  }
0x4b: {  	_ =	shalt  }
0x4c: {  	_ =	shalt  }
0x4d: {  	_ =	shalt  }
0x4e: {  	_ =	shalt  }
0x4f: {  	_ =	shalt  }
0x50: {  	_ =	shalt  }
0x51: {  	_ =	shalt  }
0x52: {  	_ =	shalt  }
0x53: {  	_ =	shalt  }
0x54: {  	_ =	shalt  }
0x55: {  	_ =	shalt  }
0x56: {  	_ =	shalt  }
0x57: {  	_ =	shalt  }
0x58: {  	_ =	shalt  }
0x59: {  	_ =	shalt  }
0x5a: {  	_ =	shalt  }
0x5b: {  	_ =	shalt  }
0x5c: {  	_ =	shalt  }
0x5d: {  	_ =	shalt  }
0x5e: {  	_ =	shalt  }
0x5f: {  	_ =	shalt  }
0x60: {  	_ =	shalt  }
0x61: {  	_ =	shalt  }
0x62: {  	_ =	shalt  }
0x63: {  	_ =	shalt  }
0x64: {  	_ =	shalt  }
0x65: {  	_ =	shalt  }
0x66: {  	_ =	shalt  }
0x67: {  	_ =	shalt  }
0x68: {  	_ =	shalt  }
0x69: {  	_ =	shalt  }
0x6a: {  	_ =	shalt  }
0x6b: {  	_ =	shalt  }
0x6c: {  	_ =	shalt  }
0x6d: {  	_ =	shalt  }
0x6e: {  	_ =	shalt  }
0x6f: {  	_ =	shalt  }
0x70: {  	_ =	shalt  }
0x71: {  	_ =	shalt  }
0x72: {  	_ =	shalt  }
0x73: {  	_ =	shalt  }
0x74: {  	_ =	shalt  }
0x75: {  	_ =	shalt  }
0x76: {  	_ =	shalt  }
0x77: {  	_ =	shalt  }
0x78: {  	_ =	shalt  }
0x79: {  	_ =	shalt  }
0x7a: {  	_ =	shalt  }
0x7b: {  	_ =	shalt  }
0x7c: {  	_ =	shalt  }
0x7d: {  	_ =	shalt  }
0x7e: {  	_ =	shalt  }
0x7f: {  	_ =	shalt  }
0x80: {  	_ =	shalt  }
0x81: {  	_ =	shalt  }
0x82: {  	_ =	shalt  }
0x83: {  	_ =	shalt  }
0x84: {  	_ =	shalt  }
0x85: {  	_ =	shalt  }
0x86: {  	_ =	shalt  }
0x87: {  	_ =	shalt  }
.Lfunc_end0:
.L_simem_size_0:
called_computation.1_lowered:
.L_overlay_start_0:
0x88: {  	s2 =	sld [smem:$0x3FD9]  }
0x89: {  	s3 =	sld [smem:$0x3FFE];
	_ =	sdelay $0x1  }
0x8a: {  	s1 =	srdreg.scid  }
0x8b: {  	s0 =	sand.u32 $0x1, s1  }
0x8c: {  	s17 =	sshll.u32 s0, $0xA;
	s2 =	sadd.s32 s3, s2  }
0x8d: {  	s2 =	sadd.s32 s2, s17  }
0x8e: {  	[smem:$0x3FC4] =	sst s2  }
0x8f: {  	_ = 	snop  }
0x90: {  	s2 =	sld [smem:$0x3FD0];
	(tm) =	ssettm $0x1  }
0x91: {  	s18 =	sld [smem:$0x3FFB];
	_ =	sdelay $0x3  }
0x92: {  	_ =	strace s18  }
0x93: {  	s3 =	sld [smem:$0x3FFC];
	_ =	sdelay $0x3  }
0x94: {  	_ =	strace s3  }
0x95: {  	s3 =	sld [smem:$0x3FFD];
	_ =	sdelay $0x3  }
0x96: {  	_ =	strace s3  }
0x97: {  	_ =	strace $0x8FFFFFFF  }
0x98: {  	s19 =	sld [smem:$0x3FDB];
	_ =	sdelay $0x1  }
0x99: {  	s4 =	simm.s32 $_scs_section_size  }
0x9a: {  	s5 =	simm.s32 $_size__tile_overlayer_lowered;
	s6 =	simm.s32 $_tile_overlayer_lowered  }
0x9b: {  	s22 =	simm.s32 $0x1BFF;
	s21 =	sshll.u32 s6, $0x1;
	s3 =	sadd.s32 s4, s19  }
0x9c: {  	s7 =	simm.s32 $0x0;
	s20 =	sshll.u32 s5, $0x1;
	s5 =	sadd.s32 s21, s3  }
0x9d: {  	[timem:s7], [sflag:s22] =	dma.local [hbm:s5], s20  }
0x9e: {  	_ =	swait.ge [sflag:s22], s20  }
0x9f: {  	s4 =	ssub.s32 $0x0, s20;
	[sflag:s22] =	ssyncset.done $0x0  }
0xa0: {  	[sflag:s22] =	ssyncadd.s32 s4;
	_ =	sdelay $0x1  }
0xa1: {  	s23 =	simm.s32 $0x1B8B  }
0xa2: {  	_ =	swait.ge [sflag:s23], $0x1  }
0xa3: {  	[sflag:s23] =	ssyncset.done $0x0  }
0xa4: {  	s25 =	simm.s32 $0x1B8E;
	s24 =	sld [smem:$0x3FFE];
	[sflag:s23] =	ssyncadd.s32 $0xFFFFFFFF  }
0xa5: {  	s26 =	simm.s32 $execute0_lowered;
	[smem:$0x3FD2] =	sst s25  }
0xa6: {  	s5 =	sshll.u32 s26, $0x1;
	_ =	strace $0x80000046;
	[dreg:$0x1] =	wrdreg $0xFFFFFFFF  }
0xa7: {  	s28 =	simm.s32 $_size_execute0_lowered;
	s3 =	sadd.s32 s3, s5;
	[dreg:$0x0] =	wrdreg $0x0  }
0xa8: {  	s5 =	sshll.u32 s28, $0x1;
	[dreg:$0x2] =	wrdreg s3  }
0xa9: {  	[dreg:$0x3] =	wrdreg s5  }
0xaa: {  	[dreg:$0x4] =	wrdreg $0xC0  }
0xab: {  	_ =	task [dreg:s7], $0x5FFFF  }
0xac: {  	[dreg:$0x1] =	wrdreg $0xFFFFFFFF  }
0xad: {  	[dreg:$0x0] =	wrdreg $0x60  }
0xae: {  	[dreg:$0x2] =	wrdreg s2  }
0xaf: {  	[dreg:$0x3] =	wrdreg s24  }
0xb0: {  	[dreg:$0x4] =	wrdreg $0x9  }
0xb1: {  	_ =	task.clear_ibuf [dreg:s7], $0x5FFFF;
	_ =	strace $0x90000046  }
0xb2: {  	s29 =	simm.s32 $0x9;
	_ =	strace $0x80000048  }
0xb3: {  	_ =	swait.ge [sflag:s29], $0x1  }
0xb4: {  	[sflag:s29] =	ssyncadd.s32 $0xFFFFFFFF  }
0xb5: {  	_ =	strace $0x90000048  }
0xb6: {  	_ =	sfence  }
0xb7: {  	s30 =	sld [smem:$0x0];
	_ =	sdelay $0x2  }
0xb8: {  	s31 =	sshll.u32 s1, $0xD;
	s1 =	sshrl.u32 s1, $0x2  }
0xb9: {  	s3 =	sand.u32 $0x4000, s31;
	s1 =	sadd.s32 s1, s30  }
0xba: {  	s0 =	sor.u32 s3, s0;
	s1 =	sshll.u32 s1, $0x11  }
0xbb: {  	s0 =	sor.u32 s1, s0  }
0xbc: {  	s0 =	sadd.s32 $0x8F2B, s0  }
0xbd: {  	[sflag:s0] =	ssyncadd.remote.s32 $0x1  }
0xbe: {  	_ =	sfence.sel $0xFFFF  }
0xbf: {  	[dreg:$0x0] =	wrdreg $0xFFFFFFFF;
	(pc) =	sbr.abs _section_cstart, $3  }
0xc0: {  	[dreg:$0x1] =	wrdreg $0xFFFFFFFF  }
0xc1: {  	_ =	task.clear_ibuf [dreg:s7], $0x2FFFF;
	_ =	strace $0x9FFFFFFF  }
0xc2: {  	(tm) =	ssettm $0x7FFFFFFF  }
0xc3: {  	_ =	shalt  }
tec
execute0_lowered:
.L_overlay_start_1:
0x0: {  	(tag) =	ssettag $0x1  }
0x1: {  	s1 =	srdreg.scid  }
0x2: {  	s0 =	stileid.u32;
	s2 =	rddreg [dreg:$0x0]  }
0x3: {  	s13 =	rddreg [dreg:$0x1];
	s3 =	simm.s32 $0x0;
	s15 =	simm.s32 $0x2  }
0x4: {  	s16 =	simm.s32 $0x80;
	s17 =	simm.s32 $0xD00;
	s18 =	simm.s32 $0x4D00  }
0x5: {  	s19 =	simm.s32 $0x1;
	s20 =	simm.s32 $0xC00;
	s22 =	simm.s32 $0x0  }
0x6: {  	s6 =	sand.u32 $0x1, s1;
	s30 =	sshll.u32 s0, $0x1;
	s1 =	rddreg [dreg:$0x2]  }
0x7: {  	[smem:$0x7FF] =	sst s3;
	s11 =	sadd.s32 $0x40D0, s13;
	s12 =	sadd.s32 $0x186800, s2  }
0x8: {  	s21 =	sor.u32 s6, s30;
	_ =	strace $0x80000047;
	s8 =	ssub.s32 $0x2, s6  }
0x9: {  	s6 =	sadd.s32 $0x8200, s13;
	s4 =	smul.u32 $0x18, s21;
	s5 =	smin.u32 s21, $0xD  }
0xa: {  	s31 =	sshrl.u32 s8, $0x1;
	p0 =	sgt.u32 s21, $0xC;
	p1 =	sne.s32 s21, $0x1F  }
.Ltmp0:
0xb: {  	s21 =	simm.s32 $0xC80;
	s4 =	sadd.s32 s5, s4;
	(pc) =	sbr.rel .LBB2_1-.Ltmp0, $4  }
0xc: {  	s14 =	ssub.s32 s8, s31;
	s5 =	sadd.s32 $0x4200, s13;
	s7 =	sshll.u32 s4, $0x4  }
0xd: {  	s14 =	smax.u32 s14, $0x1;
	s10 =	sshll.u32 s4, $0xB;
	s9 =	sadd.s32 s7, s13  }
0xe: {  	s10 =	sadd.s32 $0xC000, s10;
	s13 =	sadd.s32 $0x18EA00, s13;
	s7 =	sadd.s32 $0x1000, s9  }
0xf: {  	s8 =	sadd.s32 $0x1180, s9;
	s9 =	sadd.s32 s2, s10;
	s10 =	sadd.s32 s6, s10  }
.LBB2_13:
0x10: {  	s22 =	sadd.s32 $0x1, s22  }
0x11: {  	p2 =	sne.s32 s22, s14  }
.Ltmp1:
0x12: {  	_ = 	snop;
	(pc) =	sbr.rel @!p2 .LBB2_14-.Ltmp1, $1  }
0x13: {  	_ =	sdelay $0x3  }
.LBB2_1:
0x14: {  	[tilespmem:s3], [sflag:$0x2] =	stream.linear.gather [hbm4b:s7+s3], $0xC00, $0x38;
	[tilespmem:$0x8D00] =	vst v63  }
0x15: {  	_ =	swait.ge [sflag:s15], $0xC00  }
0x16: {  	[sflag:s15] =	ssyncset.done $0x0  }
0x17: {  	s23 =	simm.s32 @!p0 $0x0;
	s24 =	simm.s32 @!p0 $0xC00;
	[sflag:s15] =	ssyncadd.s32 $0xFFFFF400  }
0x18: {  	[tilespmem:s24], [sflag:$0x2] =	stream.linear.gather @!p0 [hbm4b:s8+s23], $0x80, $0x38;
	[tilespmem:$0x8D00] =	vst v63  }
0x19: {  	s23 =	simm.s32 @!p0 $0x2  }
0x1a: {  	_ =	swait.ge @!p0 [sflag:s23], $0x80  }
0x1b: {  	[sflag:s23] =	ssyncset.done @!p0 $0x0  }
0x1c: {  	[sflag:s23] =	ssyncadd.s32 @!p0 $0xFFFFFF80;
	s23 =	simm.s32 $0x0  }
.LBB2_2:
0x1d: {  	s24 =	sshll.u32 s23, $0x7  }
0x1e: {  	s31 =	sadd.s32 s4, s23;
	s24 =	sand.u32 $0x3FFFFF80, s24  }
0x1f: {  	[tilespmem:s17], [sflag:$0x1] =	stream.indirect.gather [hbm4b:s5+s16], $0x80, s24, s16, $0xb8;
	[tilespmem:$0x8D00] =	vst v63  }
0x20: {  	s24 =	sshll.u32 s31, $0xB  }
0x21: {  	s24 =	sand.u32 $0x1FFFF800, s24  }
0x22: {  	s25 =	sadd.s32 s2, s24  }
0x23: {  	[tilespmem:s18], [sflag:$0x2] =	stream.linear.gather [hbm4b:s25+s3], $0x4000, $0x38;
	[tilespmem:$0x8D00] =	vst v63  }
0x24: {  	_ =	swait.ge [sflag:s15], $0x4000  }
0x25: {  	[sflag:s15] =	ssyncset.done $0x0  }
0x26: {  	[sflag:s15] =	ssyncadd.s32 $0xFFFFC000  }
0x27: {  	_ =	swait.ge [sflag:s19], $0x4000  }
0x28: {  	[sflag:s19] =	ssyncset.done $0x0  }
0x29: {  	s25 =	simm.s32 $0xE00;
	[sflag:s19] =	ssyncadd.s32 $0xFFFFC000  }
0x2a: {  	s26 =	simm.s32 $0x4E00;
	v0 =	vld [tilespmem:s25+$0xFFFFFF00]  }
0x2b: {  	v1 =	vld [tilespmem:s26+$0xFFFFFF00];
	_ =	sdelay $0x4  }
0x2c: {  	v0 =	vadd.f32 v0, v1;
	_ =	sdelay $0x1  }
0x2d: {  	[tilespmem:s25+$0xFFFFFF00] =	vst v0;
	v0 =	vld [tilespmem:s25+$0xFFFFFF10]  }
0x2e: {  	v1 =	vld [tilespmem:s26+$0xFFFFFF10];
	_ =	sdelay $0x4  }
0x2f: {  	v0 =	vadd.f32 v0, v1;
	_ =	sdelay $0x1  }
0x30: {  	[tilespmem:s25+$0xFFFFFF10] =	vst v0;
	v0 =	vld [tilespmem:s25+$0xFFFFFF20]  }
0x31: {  	v1 =	vld [tilespmem:s26+$0xFFFFFF20];
	_ =	sdelay $0x4  }
0x32: {  	v0 =	vadd.f32 v0, v1;
	_ =	sdelay $0x1  }
0x33: {  	[tilespmem:s25+$0xFFFFFF20] =	vst v0;
	v0 =	vld [tilespmem:s25+$0xFFFFFF30]  }
0x34: {  	v1 =	vld [tilespmem:s26+$0xFFFFFF30];
	_ =	sdelay $0x4  }
0x35: {  	v0 =	vadd.f32 v0, v1;
	_ =	sdelay $0x1  }
0x36: {  	[tilespmem:s25+$0xFFFFFF30] =	vst v0;
	v0 =	vld [tilespmem:s25+$0xFFFFFF80]  }
0x37: {  	v1 =	vld [tilespmem:s26+$0xFFFFFF80];
	_ =	sdelay $0x4  }
0x38: {  	v0 =	vadd.f32 v0, v1;
	_ =	sdelay $0x1  }
0x39: {  	[tilespmem:s25+$0xFFFFFF80] =	vst v0;
	v0 =	vld [tilespmem:s25+$0xFFFFFF90]  }
0x3a: {  	v1 =	vld [tilespmem:s26+$0xFFFFFF90];
	_ =	sdelay $0x4  }
0x3b: {  	v0 =	vadd.f32 v0, v1;
	_ =	sdelay $0x1  }
0x3c: {  	[tilespmem:s25+$0xFFFFFF90] =	vst v0;
	v0 =	vld [tilespmem:s25+$0xFFFFFFA0]  }
0x3d: {  	v1 =	vld [tilespmem:s26+$0xFFFFFFA0];
	_ =	sdelay $0x4  }
0x3e: {  	v0 =	vadd.f32 v0, v1;
	_ =	sdelay $0x1  }
0x3f: {  	[tilespmem:s25+$0xFFFFFFA0] =	vst v0;
	v0 =	vld [tilespmem:s25+$0xFFFFFFB0]  }
0x40: {  	v1 =	vld [tilespmem:s26+$0xFFFFFFB0];
	_ =	sdelay $0x4  }
0x41: {  	v0 =	vadd.f32 v0, v1;
	_ =	sdelay $0x1  }
0x42: {  	[tilespmem:s25+$0xFFFFFFB0] =	vst v0;
	v0 =	vld [tilespmem:s25+$0x0]  }
0x43: {  	v1 =	vld [tilespmem:s26+$0x0];
	_ =	sdelay $0x4  }
0x44: {  	v0 =	vadd.f32 v0, v1;
	_ =	sdelay $0x1  }
0x45: {  	[tilespmem:s25+$0x0] =	vst v0;
	v0 =	vld [tilespmem:s25+$0x10]  }
0x46: {  	v1 =	vld [tilespmem:s26+$0x10];
	_ =	sdelay $0x4  }
0x47: {  	v0 =	vadd.f32 v0, v1;
	_ =	sdelay $0x1  }
0x48: {  	[tilespmem:s25+$0x10] =	vst v0;
	v0 =	vld [tilespmem:s25+$0x20]  }
0x49: {  	v1 =	vld [tilespmem:s26+$0x20];
	_ =	sdelay $0x4  }
0x4a: {  	v0 =	vadd.f32 v0, v1;
	_ =	sdelay $0x1  }
0x4b: {  	[tilespmem:s25+$0x20] =	vst v0;
	v0 =	vld [tilespmem:s25+$0x30]  }
0x4c: {  	v1 =	vld [tilespmem:s26+$0x30];
	_ =	sdelay $0x4  }
0x4d: {  	v0 =	vadd.f32 v0, v1;
	_ =	sdelay $0x1  }
0x4e: {  	[tilespmem:s25+$0x30] =	vst v0;
	v0 =	vld [tilespmem:s25+$0x80]  }
0x4f: {  	v1 =	vld [tilespmem:s26+$0x80];
	_ =	sdelay $0x4  }
0x50: {  	v0 =	vadd.f32 v0, v1;
	_ =	sdelay $0x1  }
0x51: {  	[tilespmem:s25+$0x80] =	vst v0;
	v0 =	vld [tilespmem:s25+$0x90]  }
0x52: {  	v1 =	vld [tilespmem:s26+$0x90];
	_ =	sdelay $0x4  }
0x53: {  	v0 =	vadd.f32 v0, v1;
	_ =	sdelay $0x1  }
0x54: {  	[tilespmem:s25+$0x90] =	vst v0;
	v0 =	vld [tilespmem:s25+$0xA0]  }
0x55: {  	v1 =	vld [tilespmem:s26+$0xA0];
	_ =	sdelay $0x4  }
0x56: {  	v0 =	vadd.f32 v0, v1;
	_ =	sdelay $0x1  }
0x57: {  	[tilespmem:s25+$0xA0] =	vst v0;
	v0 =	vld [tilespmem:s25+$0xB0]  }
0x58: {  	v1 =	vld [tilespmem:s26+$0xB0];
	_ =	sdelay $0x4  }
0x59: {  	v0 =	vadd.f32 v0, v1  }
0x5a: {  	s28 =	simm.s32 $0x0;
	s29 =	simm.s32 $0x1000  }
.LBB2_3:
0x5b: {  	v1 =	vld [tilespmem:s29+$0xFFFFFF00];
	[tilespmem:s25+$0xB0] =	vst v0;
	s26 =	sadd.s32 $0x200, s26;
	s25 =	smov.u32 s29  }
0x5c: {  	s28 =	sadd.s32 $0x4, s28;
	v0 =	vld [tilespmem:s26+$0xFFFFFF00]  }
0x5d: {  	p2 =	slt.u32 s28, $0x7C;
	_ =	sdelay $0x3  }
0x5e: {  	v0 =	vadd.f32 v1, v0;
	_ =	sdelay $0x1  }
0x5f: {  	[tilespmem:s29+$0xFFFFFF00] =	vst v0;
	v0 =	vld [tilespmem:s29+$0xFFFFFF10]  }
0x60: {  	v1 =	vld [tilespmem:s26+$0xFFFFFF10];
	_ =	sdelay $0x4  }
0x61: {  	v0 =	vadd.f32 v0, v1;
	_ =	sdelay $0x1  }
0x62: {  	[tilespmem:s29+$0xFFFFFF10] =	vst v0;
	v0 =	vld [tilespmem:s29+$0xFFFFFF20]  }
0x63: {  	v1 =	vld [tilespmem:s26+$0xFFFFFF20];
	_ =	sdelay $0x4  }
0x64: {  	v0 =	vadd.f32 v0, v1;
	_ =	sdelay $0x1  }
0x65: {  	[tilespmem:s29+$0xFFFFFF20] =	vst v0;
	v0 =	vld [tilespmem:s29+$0xFFFFFF30]  }
0x66: {  	v1 =	vld [tilespmem:s26+$0xFFFFFF30];
	_ =	sdelay $0x4  }
0x67: {  	v0 =	vadd.f32 v0, v1;
	_ =	sdelay $0x1  }
0x68: {  	[tilespmem:s29+$0xFFFFFF30] =	vst v0;
	v0 =	vld [tilespmem:s29+$0xFFFFFF80]  }
0x69: {  	v1 =	vld [tilespmem:s26+$0xFFFFFF80];
	_ =	sdelay $0x4  }
0x6a: {  	v0 =	vadd.f32 v0, v1;
	_ =	sdelay $0x1  }
0x6b: {  	[tilespmem:s29+$0xFFFFFF80] =	vst v0;
	v0 =	vld [tilespmem:s29+$0xFFFFFF90]  }
0x6c: {  	v1 =	vld [tilespmem:s26+$0xFFFFFF90];
	_ =	sdelay $0x4  }
0x6d: {  	v0 =	vadd.f32 v0, v1;
	_ =	sdelay $0x1  }
0x6e: {  	[tilespmem:s29+$0xFFFFFF90] =	vst v0;
	v0 =	vld [tilespmem:s29+$0xFFFFFFA0]  }
0x6f: {  	v1 =	vld [tilespmem:s26+$0xFFFFFFA0];
	_ =	sdelay $0x4  }
0x70: {  	v0 =	vadd.f32 v0, v1;
	_ =	sdelay $0x1  }
0x71: {  	[tilespmem:s29+$0xFFFFFFA0] =	vst v0;
	v0 =	vld [tilespmem:s29+$0xFFFFFFB0]  }
0x72: {  	v1 =	vld [tilespmem:s26+$0xFFFFFFB0];
	_ =	sdelay $0x4  }
0x73: {  	v0 =	vadd.f32 v0, v1;
	_ =	sdelay $0x1  }
0x74: {  	[tilespmem:s29+$0xFFFFFFB0] =	vst v0;
	v0 =	vld [tilespmem:s29+$0x0]  }
0x75: {  	v1 =	vld [tilespmem:s26+$0x0];
	_ =	sdelay $0x4  }
0x76: {  	v0 =	vadd.f32 v0, v1;
	_ =	sdelay $0x1  }
0x77: {  	[tilespmem:s29+$0x0] =	vst v0;
	v0 =	vld [tilespmem:s29+$0x10]  }
0x78: {  	v1 =	vld [tilespmem:s26+$0x10];
	_ =	sdelay $0x4  }
0x79: {  	v0 =	vadd.f32 v0, v1;
	_ =	sdelay $0x1  }
0x7a: {  	[tilespmem:s29+$0x10] =	vst v0;
	v0 =	vld [tilespmem:s29+$0x20]  }
0x7b: {  	v1 =	vld [tilespmem:s26+$0x20];
	_ =	sdelay $0x4  }
0x7c: {  	v0 =	vadd.f32 v0, v1;
	_ =	sdelay $0x1  }
0x7d: {  	[tilespmem:s29+$0x20] =	vst v0;
	v0 =	vld [tilespmem:s29+$0x30]  }
0x7e: {  	v1 =	vld [tilespmem:s26+$0x30];
	_ =	sdelay $0x4  }
0x7f: {  	v0 =	vadd.f32 v0, v1;
	_ =	sdelay $0x1  }
0x80: {  	[tilespmem:s29+$0x30] =	vst v0;
	v0 =	vld [tilespmem:s29+$0x80]  }
0x81: {  	v1 =	vld [tilespmem:s26+$0x80];
	_ =	sdelay $0x4  }
0x82: {  	v0 =	vadd.f32 v0, v1;
	_ =	sdelay $0x1  }
0x83: {  	[tilespmem:s29+$0x80] =	vst v0;
	v0 =	vld [tilespmem:s29+$0x90]  }
0x84: {  	v1 =	vld [tilespmem:s26+$0x90];
	_ =	sdelay $0x4  }
0x85: {  	v0 =	vadd.f32 v0, v1;
	_ =	sdelay $0x1  }
0x86: {  	[tilespmem:s29+$0x90] =	vst v0;
	v0 =	vld [tilespmem:s29+$0xA0]  }
0x87: {  	v1 =	vld [tilespmem:s26+$0xA0];
	_ =	sdelay $0x4  }
0x88: {  	v0 =	vadd.f32 v0, v1;
	_ =	sdelay $0x1  }
0x89: {  	[tilespmem:s29+$0xA0] =	vst v0;
	v0 =	vld [tilespmem:s29+$0xB0]  }
0x8a: {  	v1 =	vld [tilespmem:s26+$0xB0];
	_ =	sdelay $0x1  }
.Ltmp2:
0x8b: {  	(pc) =	sbr.rel @p2 .LBB2_3-.Ltmp2, $3  }
0x8c: {  	_ =	sdelay $0x1  }
0x8d: {  	v0 =	vadd.f32 v0, v1  }
0x8e: {  	s29 =	sadd.s32 $0x200, s29  }
0x8f: {  	s23 =	sadd.s32 $0x1, s23  }
0x90: {  	p2 =	sne.s32 s23, $0x18  }
.Ltmp3:
0x91: {  	[tilespmem:s25+$0xB0] =	vst v0;
	s24 =	sadd.s32 s6, s24;
	(pc) =	sbr.rel @p2 .LBB2_2-.Ltmp3, $4  }
0x92: {  	[hbm4b:s24+s3] =	stream.linear.scatter [tilespmem:s17], [sflag:$0x2], $0x4000, $0x38;
	[tilespmem:$0x8D00] =	vst v63  }
0x93: {  	_ =	swait.ge [sflag:s15], $0x4000  }
0x94: {  	[sflag:s15] =	ssyncset.done $0x0  }
0x95: {  	[sflag:s15] =	ssyncadd.s32 $0xFFFFC000  }
.Ltmp4:
0x96: {  	(pc) =	sbr.rel @p0 .LBB2_9-.Ltmp4, $1  }
0x97: {  	_ =	sdelay $0x3  }
0x98: {  	[tilespmem:s17], [sflag:$0x1] =	stream.indirect.gather [hbm4b:s5+s16], $0x80, s20, s16, $0xb8;
	[tilespmem:$0x8D00] =	vst v63  }
0x99: {  	_ = 	snop  }
0x9a: {  	[tilespmem:s18], [sflag:$0x2] =	stream.linear.gather [hbm4b:s9+s3], $0x4000, $0x38;
	[tilespmem:$0x8D00] =	vst v63  }
0x9b: {  	_ =	swait.ge [sflag:s15], $0x4000  }
0x9c: {  	[sflag:s15] =	ssyncset.done $0x0  }
0x9d: {  	[sflag:s15] =	ssyncadd.s32 $0xFFFFC000  }
0x9e: {  	_ =	swait.ge [sflag:s19], $0x4000  }
0x9f: {  	[sflag:s19] =	ssyncset.done $0x0  }
0xa0: {  	s23 =	simm.s32 $0xE00;
	[sflag:s19] =	ssyncadd.s32 $0xFFFFC000  }
0xa1: {  	s24 =	simm.s32 $0x4E00;
	v0 =	vld [tilespmem:s23+$0xFFFFFF00]  }
0xa2: {  	v1 =	vld [tilespmem:s24+$0xFFFFFF00];
	_ =	sdelay $0x4  }
0xa3: {  	v0 =	vadd.f32 v0, v1;
	_ =	sdelay $0x1  }
0xa4: {  	[tilespmem:s23+$0xFFFFFF00] =	vst v0;
	v0 =	vld [tilespmem:s23+$0xFFFFFF10]  }
0xa5: {  	v1 =	vld [tilespmem:s24+$0xFFFFFF10];
	_ =	sdelay $0x4  }
0xa6: {  	v0 =	vadd.f32 v0, v1;
	_ =	sdelay $0x1  }
0xa7: {  	[tilespmem:s23+$0xFFFFFF10] =	vst v0;
	v0 =	vld [tilespmem:s23+$0xFFFFFF20]  }
0xa8: {  	v1 =	vld [tilespmem:s24+$0xFFFFFF20];
	_ =	sdelay $0x4  }
0xa9: {  	v0 =	vadd.f32 v0, v1;
	_ =	sdelay $0x1  }
0xaa: {  	[tilespmem:s23+$0xFFFFFF20] =	vst v0;
	v0 =	vld [tilespmem:s23+$0xFFFFFF30]  }
0xab: {  	v1 =	vld [tilespmem:s24+$0xFFFFFF30];
	_ =	sdelay $0x4  }
0xac: {  	v0 =	vadd.f32 v0, v1;
	_ =	sdelay $0x1  }
0xad: {  	[tilespmem:s23+$0xFFFFFF30] =	vst v0;
	v0 =	vld [tilespmem:s23+$0xFFFFFF80]  }
0xae: {  	v1 =	vld [tilespmem:s24+$0xFFFFFF80];
	_ =	sdelay $0x4  }
0xaf: {  	v0 =	vadd.f32 v0, v1;
	_ =	sdelay $0x1  }
0xb0: {  	[tilespmem:s23+$0xFFFFFF80] =	vst v0;
	v0 =	vld [tilespmem:s23+$0xFFFFFF90]  }
0xb1: {  	v1 =	vld [tilespmem:s24+$0xFFFFFF90];
	_ =	sdelay $0x4  }
0xb2: {  	v0 =	vadd.f32 v0, v1;
	_ =	sdelay $0x1  }
0xb3: {  	[tilespmem:s23+$0xFFFFFF90] =	vst v0;
	v0 =	vld [tilespmem:s23+$0xFFFFFFA0]  }
0xb4: {  	v1 =	vld [tilespmem:s24+$0xFFFFFFA0];
	_ =	sdelay $0x4  }
0xb5: {  	v0 =	vadd.f32 v0, v1;
	_ =	sdelay $0x1  }
0xb6: {  	[tilespmem:s23+$0xFFFFFFA0] =	vst v0;
	v0 =	vld [tilespmem:s23+$0xFFFFFFB0]  }
0xb7: {  	v1 =	vld [tilespmem:s24+$0xFFFFFFB0];
	_ =	sdelay $0x4  }
0xb8: {  	v0 =	vadd.f32 v0, v1;
	_ =	sdelay $0x1  }
0xb9: {  	[tilespmem:s23+$0xFFFFFFB0] =	vst v0;
	v0 =	vld [tilespmem:s23+$0x0]  }
0xba: {  	v1 =	vld [tilespmem:s24+$0x0];
	_ =	sdelay $0x4  }
0xbb: {  	v0 =	vadd.f32 v0, v1;
	_ =	sdelay $0x1  }
0xbc: {  	[tilespmem:s23+$0x0] =	vst v0;
	v0 =	vld [tilespmem:s23+$0x10]  }
0xbd: {  	v1 =	vld [tilespmem:s24+$0x10];
	_ =	sdelay $0x4  }
0xbe: {  	v0 =	vadd.f32 v0, v1;
	_ =	sdelay $0x1  }
0xbf: {  	[tilespmem:s23+$0x10] =	vst v0;
	v0 =	vld [tilespmem:s23+$0x20]  }
0xc0: {  	v1 =	vld [tilespmem:s24+$0x20];
	_ =	sdelay $0x4  }
0xc1: {  	v0 =	vadd.f32 v0, v1;
	_ =	sdelay $0x1  }
0xc2: {  	[tilespmem:s23+$0x20] =	vst v0;
	v0 =	vld [tilespmem:s23+$0x30]  }
0xc3: {  	v1 =	vld [tilespmem:s24+$0x30];
	_ =	sdelay $0x4  }
0xc4: {  	v0 =	vadd.f32 v0, v1;
	_ =	sdelay $0x1  }
0xc5: {  	[tilespmem:s23+$0x30] =	vst v0;
	v0 =	vld [tilespmem:s23+$0x80]  }
0xc6: {  	v1 =	vld [tilespmem:s24+$0x80];
	_ =	sdelay $0x4  }
0xc7: {  	v0 =	vadd.f32 v0, v1;
	_ =	sdelay $0x1  }
0xc8: {  	[tilespmem:s23+$0x80] =	vst v0;
	v0 =	vld [tilespmem:s23+$0x90]  }
0xc9: {  	v1 =	vld [tilespmem:s24+$0x90];
	_ =	sdelay $0x4  }
0xca: {  	v0 =	vadd.f32 v0, v1;
	_ =	sdelay $0x1  }
0xcb: {  	[tilespmem:s23+$0x90] =	vst v0;
	v0 =	vld [tilespmem:s23+$0xA0]  }
0xcc: {  	v1 =	vld [tilespmem:s24+$0xA0];
	_ =	sdelay $0x4  }
0xcd: {  	v0 =	vadd.f32 v0, v1;
	_ =	sdelay $0x1  }
0xce: {  	[tilespmem:s23+$0xA0] =	vst v0;
	v0 =	vld [tilespmem:s23+$0xB0]  }
0xcf: {  	v1 =	vld [tilespmem:s24+$0xB0];
	_ =	sdelay $0x4  }
0xd0: {  	v0 =	vadd.f32 v0, v1  }
0xd1: {  	s25 =	simm.s32 $0x0;
	s26 =	simm.s32 $0x1000  }
.LBB2_7:
0xd2: {  	v1 =	vld [tilespmem:s26+$0xFFFFFF00];
	[tilespmem:s23+$0xB0] =	vst v0;
	s24 =	sadd.s32 $0x200, s24;
	s23 =	smov.u32 s26  }
0xd3: {  	s25 =	sadd.s32 $0x4, s25;
	v0 =	vld [tilespmem:s24+$0xFFFFFF00]  }
0xd4: {  	p2 =	slt.u32 s25, $0x7C;
	_ =	sdelay $0x3  }
0xd5: {  	v0 =	vadd.f32 v1, v0;
	_ =	sdelay $0x1  }
0xd6: {  	[tilespmem:s26+$0xFFFFFF00] =	vst v0;
	v0 =	vld [tilespmem:s26+$0xFFFFFF10]  }
0xd7: {  	v1 =	vld [tilespmem:s24+$0xFFFFFF10];
	_ =	sdelay $0x4  }
0xd8: {  	v0 =	vadd.f32 v0, v1;
	_ =	sdelay $0x1  }
0xd9: {  	[tilespmem:s26+$0xFFFFFF10] =	vst v0;
	v0 =	vld [tilespmem:s26+$0xFFFFFF20]  }
0xda: {  	v1 =	vld [tilespmem:s24+$0xFFFFFF20];
	_ =	sdelay $0x4  }
0xdb: {  	v0 =	vadd.f32 v0, v1;
	_ =	sdelay $0x1  }
0xdc: {  	[tilespmem:s26+$0xFFFFFF20] =	vst v0;
	v0 =	vld [tilespmem:s26+$0xFFFFFF30]  }
0xdd: {  	v1 =	vld [tilespmem:s24+$0xFFFFFF30];
	_ =	sdelay $0x4  }
0xde: {  	v0 =	vadd.f32 v0, v1;
	_ =	sdelay $0x1  }
0xdf: {  	[tilespmem:s26+$0xFFFFFF30] =	vst v0;
	v0 =	vld [tilespmem:s26+$0xFFFFFF80]  }
0xe0: {  	v1 =	vld [tilespmem:s24+$0xFFFFFF80];
	_ =	sdelay $0x4  }
0xe1: {  	v0 =	vadd.f32 v0, v1;
	_ =	sdelay $0x1  }
0xe2: {  	[tilespmem:s26+$0xFFFFFF80] =	vst v0;
	v0 =	vld [tilespmem:s26+$0xFFFFFF90]  }
0xe3: {  	v1 =	vld [tilespmem:s24+$0xFFFFFF90];
	_ =	sdelay $0x4  }
0xe4: {  	v0 =	vadd.f32 v0, v1;
	_ =	sdelay $0x1  }
0xe5: {  	[tilespmem:s26+$0xFFFFFF90] =	vst v0;
	v0 =	vld [tilespmem:s26+$0xFFFFFFA0]  }
0xe6: {  	v1 =	vld [tilespmem:s24+$0xFFFFFFA0];
	_ =	sdelay $0x4  }
0xe7: {  	v0 =	vadd.f32 v0, v1;
	_ =	sdelay $0x1  }
0xe8: {  	[tilespmem:s26+$0xFFFFFFA0] =	vst v0;
	v0 =	vld [tilespmem:s26+$0xFFFFFFB0]  }
0xe9: {  	v1 =	vld [tilespmem:s24+$0xFFFFFFB0];
	_ =	sdelay $0x4  }
0xea: {  	v0 =	vadd.f32 v0, v1;
	_ =	sdelay $0x1  }
0xeb: {  	[tilespmem:s26+$0xFFFFFFB0] =	vst v0;
	v0 =	vld [tilespmem:s26+$0x0]  }
0xec: {  	v1 =	vld [tilespmem:s24+$0x0];
	_ =	sdelay $0x4  }
0xed: {  	v0 =	vadd.f32 v0, v1;
	_ =	sdelay $0x1  }
0xee: {  	[tilespmem:s26+$0x0] =	vst v0;
	v0 =	vld [tilespmem:s26+$0x10]  }
0xef: {  	v1 =	vld [tilespmem:s24+$0x10];
	_ =	sdelay $0x4  }
0xf0: {  	v0 =	vadd.f32 v0, v1;
	_ =	sdelay $0x1  }
0xf1: {  	[tilespmem:s26+$0x10] =	vst v0;
	v0 =	vld [tilespmem:s26+$0x20]  }
0xf2: {  	v1 =	vld [tilespmem:s24+$0x20];
	_ =	sdelay $0x4  }
0xf3: {  	v0 =	vadd.f32 v0, v1;
	_ =	sdelay $0x1  }
0xf4: {  	[tilespmem:s26+$0x20] =	vst v0;
	v0 =	vld [tilespmem:s26+$0x30]  }
0xf5: {  	v1 =	vld [tilespmem:s24+$0x30];
	_ =	sdelay $0x4  }
0xf6: {  	v0 =	vadd.f32 v0, v1;
	_ =	sdelay $0x1  }
0xf7: {  	[tilespmem:s26+$0x30] =	vst v0;
	v0 =	vld [tilespmem:s26+$0x80]  }
0xf8: {  	v1 =	vld [tilespmem:s24+$0x80];
	_ =	sdelay $0x4  }
0xf9: {  	v0 =	vadd.f32 v0, v1;
	_ =	sdelay $0x1  }
0xfa: {  	[tilespmem:s26+$0x80] =	vst v0;
	v0 =	vld [tilespmem:s26+$0x90]  }
0xfb: {  	v1 =	vld [tilespmem:s24+$0x90];
	_ =	sdelay $0x4  }
0xfc: {  	v0 =	vadd.f32 v0, v1;
	_ =	sdelay $0x1  }
0xfd: {  	[tilespmem:s26+$0x90] =	vst v0;
	v0 =	vld [tilespmem:s26+$0xA0]  }
0xfe: {  	v1 =	vld [tilespmem:s24+$0xA0];
	_ =	sdelay $0x4  }
0xff: {  	v0 =	vadd.f32 v0, v1;
	_ =	sdelay $0x1  }
0x100: {  	[tilespmem:s26+$0xA0] =	vst v0;
	v0 =	vld [tilespmem:s26+$0xB0]  }
0x101: {  	v1 =	vld [tilespmem:s24+$0xB0];
	_ =	sdelay $0x1  }
.Ltmp5:
0x102: {  	(pc) =	sbr.rel @p2 .LBB2_7-.Ltmp5, $3  }
0x103: {  	_ =	sdelay $0x1  }
0x104: {  	v0 =	vadd.f32 v0, v1  }
0x105: {  	s26 =	sadd.s32 $0x200, s26  }
.Ltmp6:
0x106: {  	[tilespmem:s23+$0xB0] =	vst v0;
	(pc) =	sbr.rel .LBB2_13-.Ltmp6, $4  }
0x107: {  	[hbm4b:s10+s3] =	stream.linear.scatter [tilespmem:s17], [sflag:$0x2], $0x4000, $0x38;
	[tilespmem:$0x8D00] =	vst v63  }
0x108: {  	_ =	swait.ge [sflag:s15], $0x4000  }
0x109: {  	[sflag:s15] =	ssyncset.done $0x0  }
0x10a: {  	[sflag:s15] =	ssyncadd.s32 $0xFFFFC000  }
.LBB2_9:
.Ltmp7:
0x10b: {  	(pc) =	sbr.rel @p1 .LBB2_13-.Ltmp7, $1  }
0x10c: {  	_ =	sdelay $0x3  }
0x10d: {  	[tilespmem:s21], [sflag:$0x2] =	stream.linear.gather [hbm4b:s11+s3], $0x80, $0x38;
	[tilespmem:$0x8D00] =	vst v63  }
0x10e: {  	_ =	swait.ge [sflag:s15], $0x80  }
0x10f: {  	[sflag:s15] =	ssyncset.done $0x0  }
0x110: {  	[sflag:s15] =	ssyncadd.s32 $0xFFFFFF80  }
0x111: {  	[tilespmem:s17], [sflag:$0x1] =	stream.indirect.gather [hbm4b:s5+s16], $0x80, s21, s16, $0xb8;
	[tilespmem:$0x8D00] =	vst v63  }
0x112: {  	_ = 	snop  }
0x113: {  	[tilespmem:s18], [sflag:$0x2] =	stream.linear.gather [hbm4b:s12+s3], $0x1000, $0x38;
	[tilespmem:$0x8D00] =	vst v63  }
0x114: {  	_ =	swait.ge [sflag:s15], $0x1000  }
0x115: {  	[sflag:s15] =	ssyncset.done $0x0  }
0x116: {  	[sflag:s15] =	ssyncadd.s32 $0xFFFFF000  }
0x117: {  	_ =	swait.ge [sflag:s19], $0x4000  }
0x118: {  	[sflag:s19] =	ssyncset.done $0x0  }
0x119: {  	s23 =	simm.s32 $0xE00;
	[sflag:s19] =	ssyncadd.s32 $0xFFFFC000  }
0x11a: {  	s24 =	simm.s32 $0x4E00;
	v0 =	vld [tilespmem:s23+$0xFFFFFF00]  }
0x11b: {  	v1 =	vld [tilespmem:s24+$0xFFFFFF00];
	_ =	sdelay $0x4  }
0x11c: {  	v0 =	vadd.f32 v0, v1;
	_ =	sdelay $0x1  }
0x11d: {  	[tilespmem:s23+$0xFFFFFF00] =	vst v0;
	v0 =	vld [tilespmem:s23+$0xFFFFFF10]  }
0x11e: {  	v1 =	vld [tilespmem:s24+$0xFFFFFF10];
	_ =	sdelay $0x4  }
0x11f: {  	v0 =	vadd.f32 v0, v1;
	_ =	sdelay $0x1  }
0x120: {  	[tilespmem:s23+$0xFFFFFF10] =	vst v0;
	v0 =	vld [tilespmem:s23+$0xFFFFFF20]  }
0x121: {  	v1 =	vld [tilespmem:s24+$0xFFFFFF20];
	_ =	sdelay $0x4  }
0x122: {  	v0 =	vadd.f32 v0, v1;
	_ =	sdelay $0x1  }
0x123: {  	[tilespmem:s23+$0xFFFFFF20] =	vst v0;
	v0 =	vld [tilespmem:s23+$0xFFFFFF30]  }
0x124: {  	v1 =	vld [tilespmem:s24+$0xFFFFFF30];
	_ =	sdelay $0x4  }
0x125: {  	v0 =	vadd.f32 v0, v1;
	_ =	sdelay $0x1  }
0x126: {  	[tilespmem:s23+$0xFFFFFF30] =	vst v0;
	v0 =	vld [tilespmem:s23+$0xFFFFFF80]  }
0x127: {  	v1 =	vld [tilespmem:s24+$0xFFFFFF80];
	_ =	sdelay $0x4  }
0x128: {  	v0 =	vadd.f32 v0, v1;
	_ =	sdelay $0x1  }
0x129: {  	[tilespmem:s23+$0xFFFFFF80] =	vst v0;
	v0 =	vld [tilespmem:s23+$0xFFFFFF90]  }
0x12a: {  	v1 =	vld [tilespmem:s24+$0xFFFFFF90];
	_ =	sdelay $0x4  }
0x12b: {  	v0 =	vadd.f32 v0, v1;
	_ =	sdelay $0x1  }
0x12c: {  	[tilespmem:s23+$0xFFFFFF90] =	vst v0;
	v0 =	vld [tilespmem:s23+$0xFFFFFFA0]  }
0x12d: {  	v1 =	vld [tilespmem:s24+$0xFFFFFFA0];
	_ =	sdelay $0x4  }
0x12e: {  	v0 =	vadd.f32 v0, v1;
	_ =	sdelay $0x1  }
0x12f: {  	[tilespmem:s23+$0xFFFFFFA0] =	vst v0;
	v0 =	vld [tilespmem:s23+$0xFFFFFFB0]  }
0x130: {  	v1 =	vld [tilespmem:s24+$0xFFFFFFB0];
	_ =	sdelay $0x4  }
0x131: {  	v0 =	vadd.f32 v0, v1;
	_ =	sdelay $0x1  }
0x132: {  	[tilespmem:s23+$0xFFFFFFB0] =	vst v0;
	v0 =	vld [tilespmem:s23+$0x0]  }
0x133: {  	v1 =	vld [tilespmem:s24+$0x0];
	_ =	sdelay $0x4  }
0x134: {  	v0 =	vadd.f32 v0, v1;
	_ =	sdelay $0x1  }
0x135: {  	[tilespmem:s23+$0x0] =	vst v0;
	v0 =	vld [tilespmem:s23+$0x10]  }
0x136: {  	v1 =	vld [tilespmem:s24+$0x10];
	_ =	sdelay $0x4  }
0x137: {  	v0 =	vadd.f32 v0, v1;
	_ =	sdelay $0x1  }
0x138: {  	[tilespmem:s23+$0x10] =	vst v0;
	v0 =	vld [tilespmem:s23+$0x20]  }
0x139: {  	v1 =	vld [tilespmem:s24+$0x20];
	_ =	sdelay $0x4  }
0x13a: {  	v0 =	vadd.f32 v0, v1;
	_ =	sdelay $0x1  }
0x13b: {  	[tilespmem:s23+$0x20] =	vst v0;
	v0 =	vld [tilespmem:s23+$0x30]  }
0x13c: {  	v1 =	vld [tilespmem:s24+$0x30];
	_ =	sdelay $0x4  }
0x13d: {  	v0 =	vadd.f32 v0, v1;
	_ =	sdelay $0x1  }
0x13e: {  	[tilespmem:s23+$0x30] =	vst v0;
	v0 =	vld [tilespmem:s23+$0x80]  }
0x13f: {  	v1 =	vld [tilespmem:s24+$0x80];
	_ =	sdelay $0x4  }
0x140: {  	v0 =	vadd.f32 v0, v1;
	_ =	sdelay $0x1  }
0x141: {  	[tilespmem:s23+$0x80] =	vst v0;
	v0 =	vld [tilespmem:s23+$0x90]  }
0x142: {  	v1 =	vld [tilespmem:s24+$0x90];
	_ =	sdelay $0x4  }
0x143: {  	v0 =	vadd.f32 v0, v1;
	_ =	sdelay $0x1  }
0x144: {  	[tilespmem:s23+$0x90] =	vst v0;
	v0 =	vld [tilespmem:s23+$0xA0]  }
0x145: {  	v1 =	vld [tilespmem:s24+$0xA0];
	_ =	sdelay $0x4  }
0x146: {  	v0 =	vadd.f32 v0, v1;
	_ =	sdelay $0x1  }
0x147: {  	[tilespmem:s23+$0xA0] =	vst v0;
	v0 =	vld [tilespmem:s23+$0xB0]  }
0x148: {  	v1 =	vld [tilespmem:s24+$0xB0];
	_ =	sdelay $0x4  }
0x149: {  	v0 =	vadd.f32 v0, v1  }
0x14a: {  	s25 =	simm.s32 $0x0;
	s26 =	simm.s32 $0x1000  }
.LBB2_11:
0x14b: {  	v1 =	vld [tilespmem:s26+$0xFFFFFF00];
	[tilespmem:s23+$0xB0] =	vst v0;
	s24 =	sadd.s32 $0x200, s24;
	s23 =	smov.u32 s26  }
0x14c: {  	s25 =	sadd.s32 $0x4, s25;
	v0 =	vld [tilespmem:s24+$0xFFFFFF00]  }
0x14d: {  	p2 =	slt.u32 s25, $0x1C;
	_ =	sdelay $0x3  }
0x14e: {  	v0 =	vadd.f32 v1, v0;
	_ =	sdelay $0x1  }
0x14f: {  	[tilespmem:s26+$0xFFFFFF00] =	vst v0;
	v0 =	vld [tilespmem:s26+$0xFFFFFF10]  }
0x150: {  	v1 =	vld [tilespmem:s24+$0xFFFFFF10];
	_ =	sdelay $0x4  }
0x151: {  	v0 =	vadd.f32 v0, v1;
	_ =	sdelay $0x1  }
0x152: {  	[tilespmem:s26+$0xFFFFFF10] =	vst v0;
	v0 =	vld [tilespmem:s26+$0xFFFFFF20]  }
0x153: {  	v1 =	vld [tilespmem:s24+$0xFFFFFF20];
	_ =	sdelay $0x4  }
0x154: {  	v0 =	vadd.f32 v0, v1;
	_ =	sdelay $0x1  }
0x155: {  	[tilespmem:s26+$0xFFFFFF20] =	vst v0;
	v0 =	vld [tilespmem:s26+$0xFFFFFF30]  }
0x156: {  	v1 =	vld [tilespmem:s24+$0xFFFFFF30];
	_ =	sdelay $0x4  }
0x157: {  	v0 =	vadd.f32 v0, v1;
	_ =	sdelay $0x1  }
0x158: {  	[tilespmem:s26+$0xFFFFFF30] =	vst v0;
	v0 =	vld [tilespmem:s26+$0xFFFFFF80]  }
0x159: {  	v1 =	vld [tilespmem:s24+$0xFFFFFF80];
	_ =	sdelay $0x4  }
0x15a: {  	v0 =	vadd.f32 v0, v1;
	_ =	sdelay $0x1  }
0x15b: {  	[tilespmem:s26+$0xFFFFFF80] =	vst v0;
	v0 =	vld [tilespmem:s26+$0xFFFFFF90]  }
0x15c: {  	v1 =	vld [tilespmem:s24+$0xFFFFFF90];
	_ =	sdelay $0x4  }
0x15d: {  	v0 =	vadd.f32 v0, v1;
	_ =	sdelay $0x1  }
0x15e: {  	[tilespmem:s26+$0xFFFFFF90] =	vst v0;
	v0 =	vld [tilespmem:s26+$0xFFFFFFA0]  }
0x15f: {  	v1 =	vld [tilespmem:s24+$0xFFFFFFA0];
	_ =	sdelay $0x4  }
0x160: {  	v0 =	vadd.f32 v0, v1;
	_ =	sdelay $0x1  }
0x161: {  	[tilespmem:s26+$0xFFFFFFA0] =	vst v0;
	v0 =	vld [tilespmem:s26+$0xFFFFFFB0]  }
0x162: {  	v1 =	vld [tilespmem:s24+$0xFFFFFFB0];
	_ =	sdelay $0x4  }
0x163: {  	v0 =	vadd.f32 v0, v1;
	_ =	sdelay $0x1  }
0x164: {  	[tilespmem:s26+$0xFFFFFFB0] =	vst v0;
	v0 =	vld [tilespmem:s26+$0x0]  }
0x165: {  	v1 =	vld [tilespmem:s24+$0x0];
	_ =	sdelay $0x4  }
0x166: {  	v0 =	vadd.f32 v0, v1;
	_ =	sdelay $0x1  }
0x167: {  	[tilespmem:s26+$0x0] =	vst v0;
	v0 =	vld [tilespmem:s26+$0x10]  }
0x168: {  	v1 =	vld [tilespmem:s24+$0x10];
	_ =	sdelay $0x4  }
0x169: {  	v0 =	vadd.f32 v0, v1;
	_ =	sdelay $0x1  }
0x16a: {  	[tilespmem:s26+$0x10] =	vst v0;
	v0 =	vld [tilespmem:s26+$0x20]  }
0x16b: {  	v1 =	vld [tilespmem:s24+$0x20];
	_ =	sdelay $0x4  }
0x16c: {  	v0 =	vadd.f32 v0, v1;
	_ =	sdelay $0x1  }
0x16d: {  	[tilespmem:s26+$0x20] =	vst v0;
	v0 =	vld [tilespmem:s26+$0x30]  }
0x16e: {  	v1 =	vld [tilespmem:s24+$0x30];
	_ =	sdelay $0x4  }
0x16f: {  	v0 =	vadd.f32 v0, v1;
	_ =	sdelay $0x1  }
0x170: {  	[tilespmem:s26+$0x30] =	vst v0;
	v0 =	vld [tilespmem:s26+$0x80]  }
0x171: {  	v1 =	vld [tilespmem:s24+$0x80];
	_ =	sdelay $0x4  }
0x172: {  	v0 =	vadd.f32 v0, v1;
	_ =	sdelay $0x1  }
0x173: {  	[tilespmem:s26+$0x80] =	vst v0;
	v0 =	vld [tilespmem:s26+$0x90]  }
0x174: {  	v1 =	vld [tilespmem:s24+$0x90];
	_ =	sdelay $0x4  }
0x175: {  	v0 =	vadd.f32 v0, v1;
	_ =	sdelay $0x1  }
0x176: {  	[tilespmem:s26+$0x90] =	vst v0;
	v0 =	vld [tilespmem:s26+$0xA0]  }
0x177: {  	v1 =	vld [tilespmem:s24+$0xA0];
	_ =	sdelay $0x4  }
0x178: {  	v0 =	vadd.f32 v0, v1;
	_ =	sdelay $0x1  }
0x179: {  	[tilespmem:s26+$0xA0] =	vst v0;
	v0 =	vld [tilespmem:s26+$0xB0]  }
0x17a: {  	v1 =	vld [tilespmem:s24+$0xB0];
	_ =	sdelay $0x1  }
.Ltmp8:
0x17b: {  	(pc) =	sbr.rel @p2 .LBB2_11-.Ltmp8, $3  }
0x17c: {  	_ =	sdelay $0x1  }
0x17d: {  	v0 =	vadd.f32 v0, v1  }
0x17e: {  	s26 =	sadd.s32 $0x200, s26  }
.Ltmp9:
0x17f: {  	[tilespmem:s23+$0xB0] =	vst v0;
	(pc) =	sbr.rel .LBB2_13-.Ltmp9, $4  }
0x180: {  	[hbm4b:s13+s3] =	stream.linear.scatter [tilespmem:s17], [sflag:$0x2], $0x1000, $0x38;
	[tilespmem:$0x8D00] =	vst v63  }
0x181: {  	_ =	swait.ge [sflag:s15], $0x1000  }
0x182: {  	[sflag:s15] =	ssyncset.done $0x0  }
0x183: {  	[sflag:s15] =	ssyncadd.s32 $0xFFFFF000  }
.LBB2_14:
0x184: {  	_ =	sfence.sel $0x180000  }
0x185: {  	[bflag:$0x0] =	sbarrier.arrive $0xFFFF  }
0x186: {  	p0 =	sne.s32 s0, $0x0;
	_ =	strace $0x90000047  }
0x187: {  	s0 =	sadd.s32 @!p0 $0x100000, s1;
	[bflag:$0x2] =	sbarrier.arrive $0xFFFF  }
0x188: {  	[sflag:s0] =	ssyncadd.tile.s32 @!p0 $0x1;
	_ =	shalt  }
.Lfunc_end2:
_tile_overlayer_lowered:
.L_overlay_start_2:
0x189: {  	(tag) =	ssettag $0x2  }
0x18a: {  	s0 =	rddreg [dreg:$0x0];
	s2 =	stileid.u32  }
0x18b: {  	s1 =	rddreg [dreg:$0x1];
	p0 =	sne.s32 s2, $0x0  }
0x18c: {  	s3 =	rddreg [dreg:$0x2];
	[bflag:$0x3] =	sbarrier.arrive $0xFFFF;
	s2 =	simm.s32 @!p0 $0x1C02  }
0x18d: {  	[timem:s3], [sflag:s2] =	dma.local @!p0 [hbm:s0], s1  }
0x18e: {  	s0 =	simm.s32 @!p0 $0x2  }
0x18f: {  	_ =	swait.ge @!p0 [sflag:s0], s1  }
0x190: {  	s1 =	ssub.s32 @!p0 $0x0, s1;
	[sflag:s0] =	ssyncset.done @!p0 $0x0  }
0x191: {  	[sflag:s0] =	ssyncadd.s32 @!p0 s1  }
0x192: {  	[bflag:$0x3] =	sbarrier.arrive $0xFFFF  }
0x193: {  	_ =	shalt  }

// kernel: kernel.7.cloned.1.call-start
scs
__scs_entry_jumppad:
0x0: {  	(pc) =	sbr.rel $0x88, $3  }
0x1: {  	(tag) =	ssettag $0x0;
	lr =	simm.s32 $0x1  }
0x2: {  	[smem:$0x3F9D] =	sst lr;
	_ =	strace $0xD0000000  }
0x3: {  	_ = 	snop  }
0x4: {  	_ = 	snop  }
0x5: {  	_ = 	snop  }
0x6: {  	_ = 	snop  }
0x7: {  	_ = 	snop  }
__scs_overlays_trampoline_lowered:
0x8: {  	[smem:$0x3FAC] =	sst s0  }
0x9: {  	[smem:$0x3FAD] =	sst s1  }
0xa: {  	[smem:$0x3FAE] =	sst s2  }
0xb: {  	[smem:$0x3FAF] =	sst s3  }
0xc: {  	[smem:$0x3FB0] =	sst s4  }
0xd: {  	[smem:$0x3FB1] =	sst s5  }
0xe: {  	[smem:$0x3FB2] =	sst s6  }
0xf: {  	[smem:$0x3FB3] =	sst s7  }
0x10: {  	[smem:$0x3FB4] =	sst s8  }
0x11: {  	[smem:$0x3FB5] =	sst s9;
	s0 =	simm.s32 @!p0 $0x0  }
0x12: {  	s1 =	sld [smem:$0x3F9B];
	s0 =	simm.s32 @p0 $0x1  }
0x13: {  	[smem:$0x3FB6] =	sst s0;
	s0 =	simm.s32 @!p1 $0x0  }
0x14: {  	s2 =	sld [smem:$0x3F9A];
	s0 =	simm.s32 @p1 $0x1  }
0x15: {  	[smem:$0x3FB7] =	sst s0;
	s0 =	simm.s32 @!p2 $0x0  }
0x16: {  	s3 =	sld [smem:$0x3FDB];
	s0 =	simm.s32 @p2 $0x1  }
0x17: {  	s4 =	simm.s32 $0x1BF5;
	[smem:$0x3FB9] =	sst s0  }
0x18: {  	s0 =	sld [smem:$0x3F9C];
	_ =	swait.ge [sflag:s4], $0x0  }
0x19: {  	s7 =	sld [smem:$0x3F9D]  }
0x1a: {  	s8 =	sadd.s32 $0xFFFFE003, lr  }
0x1b: {  	s9 =	sadd.s32 $0xFFFFFEF7, lr;
	s5 =	simm.s32 $0xFFFFFFFF;
	p2 =	slt.u32 s8, $0xFFFFF086  }
0x1c: {  	p1 =	slt.u32 s9, $0xF7A;
	s5 =	simm.s32 @!p2 $0x0  }
0x1d: {  	s5 =	simm.s32 @p1 $0x1;
	p0 =	seq.s32 s7, s2  }
0x1e: {  	s7 =	smul.u32 @!p0 $0xF7A, s2;
	p2 =	seq.s32 @!p0 s5, $0x0  }
0x1f: {  	s9 =	smul.u32 $0xF7A, s1;
	s8 =	simm.s32 @!p0 $0x1BF5;
	p2 =	por !p2, p0  }
0x20: {  	[sflag:s8] =	ssyncset.s32 @!p0 $0xFFFFF086;
	s6 =	sadd.s32 @!p0 s3, s7;
	s7 =	simm.s32 @!p0 $0x108  }
0x21: {  	s3 =	sadd.s32 s3, s9;
	s6 =	sadd.s32 @!p0 $0x88, s6;
	s7 =	simm.s32 @p2 $0x1082  }
0x22: {  	[simem:s7], [sflag:s8] =	dma.local @!p0 [hbm:s6], $0xF7A  }
0x23: {  	s9 =	sor.u32 $0xD0000000, s2;
	s6 =	simm.s32 $0x108;
	_ =	swait.ge @!p0 [sflag:s8], $0x0  }
0x24: {  	s3 =	sadd.s32 $0x88, s3;
	s6 =	simm.s32 @!p1 $0x1082;
	[sflag:s4] =	ssyncset.s32 $0xFFFFF086  }
0x25: {  	[simem:s6], [sflag:s4] =	dma.local [hbm:s3], $0xF7A  }
0x26: {  	[smem:$0x3F9D] =	sst s1;
	(tag) =	ssettag s2;
	_ =	strace s9  }
0x27: {  	s1 =	sld [smem:$0x3FAD]  }
0x28: {  	s2 =	sld [smem:$0x3FAE]  }
0x29: {  	s4 =	sld [smem:$0x3FB0]  }
0x2a: {  	p0 =	seq.s32 s5, $0x0;
	s5 =	sld [smem:$0x3FB1]  }
0x2b: {  	s6 =	sld [smem:$0x3FB2]  }
0x2c: {  	s7 =	sld [smem:$0x3FB3]  }
0x2d: {  	s3 =	simm.s32 $0x108;
	s8 =	sld [smem:$0x3FB4]  }
0x2e: {  	s3 =	simm.s32 @!p0 $0x1082;
	s9 =	sld [smem:$0x3FB5]  }
0x2f: {  	lr =	sadd.s32 s0, s3;
	s0 =	sld [smem:$0x3FAC]  }
0x30: {  	s3 =	sld [smem:$0x3FAF]  }
0x31: {  	[smem:$0x3FB8] =	sst s10  }
0x32: {  	s10 =	sld [smem:$0x3FB6];
	_ =	sdelay $0x3  }
0x33: {  	p0 =	seq.s32 s10, $0x1;
	s10 =	sld [smem:$0x3FB8];
	_ =	sdelay $0x3  }
0x34: {  	[smem:$0x3FB8] =	sst s10  }
0x35: {  	s10 =	sld [smem:$0x3FB7];
	_ =	sdelay $0x3  }
0x36: {  	p1 =	seq.s32 s10, $0x1;
	s10 =	sld [smem:$0x3FB8];
	_ =	sdelay $0x3  }
0x37: {  	[smem:$0x3FB8] =	sst s10  }
0x38: {  	s10 =	sld [smem:$0x3FB9]  }
0x39: {  	_ = 	snop;
	(pc) =	sbr.ind lr, $3  }
0x3a: {  	_ = 	snop  }
0x3b: {  	_ = 	snop  }
0x3c: {  	p2 =	seq.s32 s10, $0x1;
	s10 =	sld [smem:$0x3FB8]  }
0x3d: {  	_ =	shalt  }
0x3e: {  	_ =	shalt  }
0x3f: {  	_ =	shalt  }
0x40: {  	_ =	shalt  }
0x41: {  	_ =	shalt  }
0x42: {  	_ =	shalt  }
0x43: {  	_ =	shalt  }
0x44: {  	_ =	shalt  }
0x45: {  	_ =	shalt  }
0x46: {  	_ =	shalt  }
0x47: {  	_ =	shalt  }
0x48: {  	_ =	shalt  }
0x49: {  	_ =	shalt  }
0x4a: {  	_ =	shalt  }
0x4b: {  	_ =	shalt  }
0x4c: {  	_ =	shalt  }
0x4d: {  	_ =	shalt  }
0x4e: {  	_ =	shalt  }
0x4f: {  	_ =	shalt  }
0x50: {  	_ =	shalt  }
0x51: {  	_ =	shalt  }
0x52: {  	_ =	shalt  }
0x53: {  	_ =	shalt  }
0x54: {  	_ =	shalt  }
0x55: {  	_ =	shalt  }
0x56: {  	_ =	shalt  }
0x57: {  	_ =	shalt  }
0x58: {  	_ =	shalt  }
0x59: {  	_ =	shalt  }
0x5a: {  	_ =	shalt  }
0x5b: {  	_ =	shalt  }
0x5c: {  	_ =	shalt  }
0x5d: {  	_ =	shalt  }
0x5e: {  	_ =	shalt  }
0x5f: {  	_ =	shalt  }
0x60: {  	_ =	shalt  }
0x61: {  	_ =	shalt  }
0x62: {  	_ =	shalt  }
0x63: {  	_ =	shalt  }
0x64: {  	_ =	shalt  }
0x65: {  	_ =	shalt  }
0x66: {  	_ =	shalt  }
0x67: {  	_ =	shalt  }
0x68: {  	_ =	shalt  }
0x69: {  	_ =	shalt  }
0x6a: {  	_ =	shalt  }
0x6b: {  	_ =	shalt  }
0x6c: {  	_ =	shalt  }
0x6d: {  	_ =	shalt  }
0x6e: {  	_ =	shalt  }
0x6f: {  	_ =	shalt  }
0x70: {  	_ =	shalt  }
0x71: {  	_ =	shalt  }
0x72: {  	_ =	shalt  }
0x73: {  	_ =	shalt  }
0x74: {  	_ =	shalt  }
0x75: {  	_ =	shalt  }
0x76: {  	_ =	shalt  }
0x77: {  	_ =	shalt  }
0x78: {  	_ =	shalt  }
0x79: {  	_ =	shalt  }
0x7a: {  	_ =	shalt  }
0x7b: {  	_ =	shalt  }
0x7c: {  	_ =	shalt  }
0x7d: {  	_ =	shalt  }
0x7e: {  	_ =	shalt  }
0x7f: {  	_ =	shalt  }
0x80: {  	_ =	shalt  }
0x81: {  	_ =	shalt  }
0x82: {  	_ =	shalt  }
0x83: {  	_ =	shalt  }
0x84: {  	_ =	shalt  }
0x85: {  	_ =	shalt  }
0x86: {  	_ =	shalt  }
0x87: {  	_ =	shalt  }
.Lfunc_end0:
.L_simem_size_0:
called_computation.2_lowered:
.L_overlay_start_0:
0x88: {  	s2 =	sld [smem:$0x3FD9]  }
0x89: {  	s3 =	sld [smem:$0x3FFE];
	_ =	sdelay $0x1  }
0x8a: {  	s1 =	srdreg.scid  }
0x8b: {  	s0 =	sand.u32 $0x1, s1  }
0x8c: {  	s16 =	sshll.u32 s0, $0xA;
	s2 =	sadd.s32 s3, s2  }
0x8d: {  	s2 =	sadd.s32 s2, s16  }
0x8e: {  	[smem:$0x3FC4] =	sst s2  }
0x8f: {  	_ = 	snop  }
0x90: {  	(tm) =	ssettm $0x1  }
0x91: {  	s17 =	sld [smem:$0x3FFB];
	_ =	sdelay $0x3  }
0x92: {  	_ =	strace s17  }
0x93: {  	s2 =	sld [smem:$0x3FFC];
	_ =	sdelay $0x3  }
0x94: {  	_ =	strace s2  }
0x95: {  	s2 =	sld [smem:$0x3FFD];
	_ =	sdelay $0x3  }
0x96: {  	_ =	strace s2  }
0x97: {  	_ =	strace $0x8FFFFFFF  }
0x98: {  	s18 =	sld [smem:$0x3FDB];
	_ =	sdelay $0x1  }
0x99: {  	s19 =	simm.s32 $_scs_section_size  }
0x9a: {  	s4 =	simm.s32 $_size__tile_overlayer_lowered;
	s5 =	simm.s32 $_tile_overlayer_lowered  }
0x9b: {  	s22 =	simm.s32 $0x1BFF;
	s21 =	sshll.u32 s5, $0x1;
	s2 =	sadd.s32 s19, s18  }
0x9c: {  	s6 =	simm.s32 $0x0;
	s20 =	sshll.u32 s4, $0x1;
	s4 =	sadd.s32 s21, s2  }
0x9d: {  	[timem:s6], [sflag:s22] =	dma.local [hbm:s4], s20  }
0x9e: {  	_ =	swait.ge [sflag:s22], s20  }
0x9f: {  	s3 =	ssub.s32 $0x0, s20;
	[sflag:s22] =	ssyncset.done $0x0  }
0xa0: {  	[sflag:s22] =	ssyncadd.s32 s3;
	_ =	sdelay $0x1  }
0xa1: {  	s23 =	simm.s32 $0x1B8B  }
0xa2: {  	_ =	swait.ge [sflag:s23], $0x1  }
0xa3: {  	[sflag:s23] =	ssyncset.done $0x0  }
0xa4: {  	s25 =	simm.s32 $0x1B8E;
	s24 =	sld [smem:$0x3FFE];
	[sflag:s23] =	ssyncadd.s32 $0xFFFFFFFF  }
0xa5: {  	s26 =	simm.s32 $execute0_lowered;
	[smem:$0x3FD2] =	sst s25  }
0xa6: {  	s4 =	sshll.u32 s26, $0x1;
	_ =	strace $0x80000049;
	[dreg:$0x1] =	wrdreg $0xFFFFFFFF  }
0xa7: {  	s28 =	simm.s32 $_size_execute0_lowered;
	s2 =	sadd.s32 s2, s4;
	[dreg:$0x0] =	wrdreg $0x0  }
0xa8: {  	s4 =	sshll.u32 s28, $0x1;
	[dreg:$0x2] =	wrdreg s2  }
0xa9: {  	[dreg:$0x3] =	wrdreg s4  }
0xaa: {  	[dreg:$0x4] =	wrdreg $0xC0  }
0xab: {  	_ =	task [dreg:s6], $0x5FFFF  }
0xac: {  	[dreg:$0x1] =	wrdreg $0xFFFFFFFF  }
0xad: {  	[dreg:$0x0] =	wrdreg $0x60  }
0xae: {  	[dreg:$0x2] =	wrdreg s24  }
0xaf: {  	[dreg:$0x3] =	wrdreg $0x9  }
0xb0: {  	_ =	task.clear_ibuf [dreg:s6], $0x4FFFF;
	_ =	strace $0x90000049  }
0xb1: {  	s29 =	simm.s32 $0x9;
	_ =	strace $0x8000004B  }
0xb2: {  	_ =	swait.ge [sflag:s29], $0x1  }
0xb3: {  	[sflag:s29] =	ssyncadd.s32 $0xFFFFFFFF  }
0xb4: {  	_ =	strace $0x9000004B  }
0xb5: {  	_ =	sfence  }
0xb6: {  	s30 =	sld [smem:$0x0];
	_ =	sdelay $0x2  }
0xb7: {  	s31 =	sshll.u32 s1, $0xD;
	s1 =	sshrl.u32 s1, $0x2  }
0xb8: {  	s3 =	sand.u32 $0x4000, s31;
	s1 =	sadd.s32 s1, s30  }
0xb9: {  	s0 =	sor.u32 s3, s0;
	s1 =	sshll.u32 s1, $0x11  }
0xba: {  	s0 =	sor.u32 s1, s0  }
0xbb: {  	s0 =	sadd.s32 $0x8F2B, s0  }
0xbc: {  	[sflag:s0] =	ssyncadd.remote.s32 $0x1  }
0xbd: {  	_ =	sfence.sel $0xFFFF  }
0xbe: {  	[dreg:$0x0] =	wrdreg $0xFFFFFFFF;
	(pc) =	sbr.abs _section_cstart, $3  }
0xbf: {  	[dreg:$0x1] =	wrdreg $0xFFFFFFFF  }
0xc0: {  	_ =	task.clear_ibuf [dreg:s6], $0x2FFFF;
	_ =	strace $0x9FFFFFFF  }
0xc1: {  	(tm) =	ssettm $0x7FFFFFFF  }
tec
execute0_lowered:
.L_overlay_start_1:
0x0: {  	(tag) =	ssettag $0x1  }
0x1: {  	s5 =	rddreg [dreg:$0x0];
	s3 =	srdreg.scid  }
0x2: {  	s1 =	stileid.u32;
	s2 =	simm.s32 $0x0;
	s9 =	simm.s32 $0x7  }
0x3: {  	s10 =	simm.s32 $0x80;
	s11 =	simm.s32 $0x6400;
	s12 =	simm.s32 $0xA400  }
0x4: {  	s13 =	simm.s32 $0x1;
	s14 =	simm.s32 $0xE400;
	s15 =	simm.s32 $0x16400  }
0x5: {  	s16 =	simm.s32 $0x2;
	s17 =	simm.s32 $0x12400;
	s18 =	simm.s32 $0x1A400  }
0x6: {  	s19 =	simm.s32 $0x3;
	s20 =	simm.s32 $0x5;
	s21 =	simm.s32 $0x4  }
0x7: {  	s22 =	simm.s32 $0x6;
	s3 =	sand.u32 $0x1, s3;
	s4 =	sshll.u32 s1, $0x1  }
0x8: {  	s23 =	simm.s32 $0x0;
	[smem:$0x7FF] =	sst s2;
	s4 =	sor.u32 s3, s4  }
0x9: {  	_ =	strace $0x8000004A;
	s7 =	ssub.s32 $0x2, s3;
	s6 =	smul.u32 $0xC80, s4  }
0xa: {  	s3 =	sadd.s32 $0x8200, s5;
	s8 =	sshrl.u32 s7, $0x1;
	s4 =	smul.u32 $0xC8, s4  }
0xb: {  	s8 =	ssub.s32 s7, s8;
	s6 =	sadd.s32 s6, s5;
	s5 =	sadd.s32 $0x1A7C00, s5  }
0xc: {  	s7 =	sor.u32 $0x1, s4;
	s8 =	smax.u32 s8, $0x1;
	s6 =	sadd.s32 $0x18EC00, s6  }
.LBB2_1:
0xd: {  	[tilespmem:s2], [sflag:$0x7] =	stream.linear.gather [hbm4b:s6+s2], $0x6400, $0x38;
	[tilespmem:$0x1E400] =	vst v63  }
0xe: {  	_ =	swait.ge [sflag:s9], $0x6400  }
0xf: {  	[sflag:s9] =	ssyncset.done $0x0  }
0x10: {  	[sflag:s9] =	ssyncadd.s32 $0xFFFF9C00  }
0x11: {  	[tilespmem:s11], [sflag:$0x1] =	stream.indirect.gather [hbm4b:s3+s10], $0x80, s2, s10, $0xb8;
	[tilespmem:$0x1E400] =	vst v63  }
0x12: {  	s24 =	simm.s32 $0x0  }
0x13: {  	[tilespmem:s12], [sflag:$0x2] =	stream.indirect.gather [hbm4b:s3+s10], $0x80, s10, s10, $0xb8;
	[tilespmem:$0x1E400] =	vst v63  }
.LBB2_2:
0x14: {  	s28 =	sshll.u32 s24, $0x2  }
0x15: {  	_ =	swait.ge [sflag:s13], $0x4000;
	s25 =	sor.u32 $0x2, s28  }
0x16: {  	[sflag:s13] =	ssyncset.done $0x0;
	s26 =	sshll.u32 s25, $0x7  }
0x17: {  	p0 =	seq.s32 s24, $0x0;
	[sflag:s13] =	ssyncadd.s32 $0xFFFFC000;
	s26 =	sand.u32 $0x3FFFFF00, s26  }
0x18: {  	[tilespmem:s14], [sflag:$0x3] =	stream.indirect.gather [hbm4b:s3+s10], $0x80, s26, s10, $0xb8;
	[tilespmem:$0x1E400] =	vst v63  }
0x19: {  	s26 =	simm.s32 @!p0 $0x5  }
0x1a: {  	_ =	swait.ge @!p0 [sflag:s26], $0x4000  }
0x1b: {  	[sflag:s26] =	ssyncset.done @!p0 $0x0  }
0x1c: {  	s29 =	simm.s32 $0x6500;
	[sflag:s26] =	ssyncadd.s32 @!p0 $0xFFFFC000  }
0x1d: {  	v0 =	vld [tilespmem:s29+$0xFFFFFF00];
	_ =	sdelay $0x3  }
0x1e: {  	s26 =	simm.s32 $0x16500  }
0x1f: {  	[tilespmem:s26+$0xFFFFFF00] =	vst v0  }
0x20: {  	v0 =	vld [tilespmem:s29+$0xFFFFFF10];
	_ =	sdelay $0x4  }
0x21: {  	[tilespmem:s26+$0xFFFFFF10] =	vst v0  }
0x22: {  	v0 =	vld [tilespmem:s29+$0xFFFFFF20];
	_ =	sdelay $0x4  }
0x23: {  	[tilespmem:s26+$0xFFFFFF20] =	vst v0  }
0x24: {  	v0 =	vld [tilespmem:s29+$0xFFFFFF30];
	_ =	sdelay $0x4  }
0x25: {  	[tilespmem:s26+$0xFFFFFF30] =	vst v0  }
0x26: {  	v0 =	vld [tilespmem:s29+$0xFFFFFF80];
	_ =	sdelay $0x4  }
0x27: {  	[tilespmem:s26+$0xFFFFFF80] =	vst v0  }
0x28: {  	v0 =	vld [tilespmem:s29+$0xFFFFFF90];
	_ =	sdelay $0x4  }
0x29: {  	[tilespmem:s26+$0xFFFFFF90] =	vst v0  }
0x2a: {  	v0 =	vld [tilespmem:s29+$0xFFFFFFA0];
	_ =	sdelay $0x4  }
0x2b: {  	[tilespmem:s26+$0xFFFFFFA0] =	vst v0  }
0x2c: {  	v0 =	vld [tilespmem:s29+$0xFFFFFFB0];
	_ =	sdelay $0x4  }
0x2d: {  	[tilespmem:s26+$0xFFFFFFB0] =	vst v0  }
0x2e: {  	v0 =	vld [tilespmem:s29+$0x0];
	_ =	sdelay $0x4  }
0x2f: {  	[tilespmem:s26+$0x0] =	vst v0  }
0x30: {  	v0 =	vld [tilespmem:s29+$0x10];
	_ =	sdelay $0x4  }
0x31: {  	[tilespmem:s26+$0x10] =	vst v0  }
0x32: {  	v0 =	vld [tilespmem:s29+$0x20];
	_ =	sdelay $0x4  }
0x33: {  	[tilespmem:s26+$0x20] =	vst v0  }
0x34: {  	v0 =	vld [tilespmem:s29+$0x30];
	_ =	sdelay $0x4  }
0x35: {  	[tilespmem:s26+$0x30] =	vst v0  }
0x36: {  	v0 =	vld [tilespmem:s29+$0x80];
	_ =	sdelay $0x4  }
0x37: {  	[tilespmem:s26+$0x80] =	vst v0  }
0x38: {  	v0 =	vld [tilespmem:s29+$0x90];
	_ =	sdelay $0x4  }
0x39: {  	[tilespmem:s26+$0x90] =	vst v0  }
0x3a: {  	v0 =	vld [tilespmem:s29+$0xA0];
	_ =	sdelay $0x4  }
0x3b: {  	[tilespmem:s26+$0xA0] =	vst v0  }
0x3c: {  	v0 =	vld [tilespmem:s29+$0xB0];
	_ =	sdelay $0x4  }
0x3d: {  	s30 =	simm.s32 $0x6700;
	s29 =	simm.s32 $0x0;
	[tilespmem:s26+$0xB0] =	vst v0  }
.LBB2_3:
0x3e: {  	v0 =	vld [tilespmem:s30+$0xFFFFFF00];
	s29 =	sadd.s32 $0x4, s29  }
0x3f: {  	p1 =	slt.u32 s29, $0x7C;
	_ =	sdelay $0x2  }
0x40: {  	s26 =	sadd.s32 $0x200, s26  }
0x41: {  	[tilespmem:s26+$0xFFFFFF00] =	vst v0  }
0x42: {  	v0 =	vld [tilespmem:s30+$0xFFFFFF10];
	_ =	sdelay $0x4  }
0x43: {  	[tilespmem:s26+$0xFFFFFF10] =	vst v0  }
0x44: {  	v0 =	vld [tilespmem:s30+$0xFFFFFF20];
	_ =	sdelay $0x4  }
0x45: {  	[tilespmem:s26+$0xFFFFFF20] =	vst v0  }
0x46: {  	v0 =	vld [tilespmem:s30+$0xFFFFFF30];
	_ =	sdelay $0x4  }
0x47: {  	[tilespmem:s26+$0xFFFFFF30] =	vst v0  }
0x48: {  	v0 =	vld [tilespmem:s30+$0xFFFFFF80];
	_ =	sdelay $0x4  }
0x49: {  	[tilespmem:s26+$0xFFFFFF80] =	vst v0  }
0x4a: {  	v0 =	vld [tilespmem:s30+$0xFFFFFF90];
	_ =	sdelay $0x4  }
0x4b: {  	[tilespmem:s26+$0xFFFFFF90] =	vst v0  }
0x4c: {  	v0 =	vld [tilespmem:s30+$0xFFFFFFA0];
	_ =	sdelay $0x4  }
0x4d: {  	[tilespmem:s26+$0xFFFFFFA0] =	vst v0  }
0x4e: {  	v0 =	vld [tilespmem:s30+$0xFFFFFFB0];
	_ =	sdelay $0x4  }
0x4f: {  	[tilespmem:s26+$0xFFFFFFB0] =	vst v0  }
0x50: {  	v0 =	vld [tilespmem:s30+$0x0];
	_ =	sdelay $0x4  }
0x51: {  	[tilespmem:s26+$0x0] =	vst v0  }
0x52: {  	v0 =	vld [tilespmem:s30+$0x10];
	_ =	sdelay $0x4  }
0x53: {  	[tilespmem:s26+$0x10] =	vst v0  }
0x54: {  	v0 =	vld [tilespmem:s30+$0x20];
	_ =	sdelay $0x4  }
0x55: {  	[tilespmem:s26+$0x20] =	vst v0  }
0x56: {  	v0 =	vld [tilespmem:s30+$0x30];
	_ =	sdelay $0x4  }
0x57: {  	[tilespmem:s26+$0x30] =	vst v0  }
0x58: {  	v0 =	vld [tilespmem:s30+$0x80];
	_ =	sdelay $0x4  }
0x59: {  	[tilespmem:s26+$0x80] =	vst v0  }
0x5a: {  	v0 =	vld [tilespmem:s30+$0x90];
	_ =	sdelay $0x4  }
0x5b: {  	[tilespmem:s26+$0x90] =	vst v0  }
0x5c: {  	v0 =	vld [tilespmem:s30+$0xA0];
	_ =	sdelay $0x4  }
0x5d: {  	[tilespmem:s26+$0xA0] =	vst v0  }
0x5e: {  	v0 =	vld [tilespmem:s30+$0xB0]  }
.Ltmp0:
0x5f: {  	(pc) =	sbr.rel @p1 .LBB2_3-.Ltmp0, $2  }
0x60: {  	_ =	sdelay $0x2  }
0x61: {  	s30 =	sadd.s32 $0x200, s30;
	[tilespmem:s26+$0xB0] =	vst v0  }
0x62: {  	s26 =	sadd.s32 s4, s28  }
0x63: {  	s26 =	sshll.u32 s26, $0xB  }
0x64: {  	s26 =	sadd.s32 s5, s26  }
0x65: {  	[hbm4b:s26+s2] =	stream.linear.scatter [tilespmem:s15], [sflag:$0x5], $0x4000, $0x38;
	[tilespmem:$0x1E400] =	vst v63  }
0x66: {  	s26 =	sor.u32 $0x3, s28;
	_ =	swait.ge [sflag:s16], $0x4000  }
0x67: {  	s29 =	sshll.u32 s26, $0x7;
	[sflag:s16] =	ssyncset.done $0x0  }
0x68: {  	s29 =	sand.u32 $0x3FFFFF80, s29;
	[sflag:s16] =	ssyncadd.s32 $0xFFFFC000  }
0x69: {  	[tilespmem:s17], [sflag:$0x4] =	stream.indirect.gather [hbm4b:s3+s10], $0x80, s29, s10, $0xb8;
	[tilespmem:$0x1E400] =	vst v63  }
0x6a: {  	s29 =	simm.s32 @!p0 $0x6  }
0x6b: {  	_ =	swait.ge @!p0 [sflag:s29], $0x4000  }
0x6c: {  	[sflag:s29] =	ssyncset.done @!p0 $0x0  }
0x6d: {  	[sflag:s29] =	ssyncadd.s32 @!p0 $0xFFFFC000;
	s29 =	simm.s32 $0x0  }
0x6e: {  	v0 =	vld [tilespmem:s29+$0xA5B0]  }
0x6f: {  	v1 =	vld [tilespmem:s29+$0xA400]  }
0x70: {  	v2 =	vld [tilespmem:s29+$0xA410]  }
0x71: {  	v3 =	vld [tilespmem:s29+$0xA420]  }
0x72: {  	v4 =	vld [tilespmem:s29+$0xA430]  }
0x73: {  	v5 =	vld [tilespmem:s29+$0xA480];
	[tilespmem:s29+$0x1A5B0] =	vst v0  }
0x74: {  	[tilespmem:s29+$0x1A400] =	vst v1;
	v0 =	vld [tilespmem:s29+$0xA490]  }
0x75: {  	[tilespmem:s29+$0x1A410] =	vst v2;
	v1 =	vld [tilespmem:s29+$0xA4A0]  }
0x76: {  	[tilespmem:s29+$0x1A420] =	vst v3;
	v2 =	vld [tilespmem:s29+$0xA4B0]  }
0x77: {  	[tilespmem:s29+$0x1A430] =	vst v4;
	v4 =	vld [tilespmem:s29+$0xA500]  }
0x78: {  	[tilespmem:s29+$0x1A480] =	vst v5;
	v3 =	vld [tilespmem:s29+$0xA510]  }
0x79: {  	[tilespmem:s29+$0x1A490] =	vst v0;
	v0 =	vld [tilespmem:s29+$0xA520]  }
0x7a: {  	[tilespmem:s29+$0x1A4A0] =	vst v1;
	v1 =	vld [tilespmem:s29+$0xA530]  }
0x7b: {  	[tilespmem:s29+$0x1A4B0] =	vst v2;
	v2 =	vld [tilespmem:s29+$0xA580]  }
0x7c: {  	s30 =	simm.s32 $0x0;
	s31 =	simm.s32 $0x800;
	[tilespmem:s29+$0x1A500] =	vst v4;
	v4 =	vld [tilespmem:s29+$0xA590]  }
.LBB2_5:
0x7d: {  	s0 =	sshra.s32 s31, $0x2;
	s30 =	sadd.s32 $0x4, s30;
	[tilespmem:s29+$0x1A510] =	vst v3;
	v3 =	vld [tilespmem:s29+$0xA5A0]  }
0x7e: {  	v5 =	vld [tilespmem:s0+$0xA5B0];
	p0 =	slt.u32 s30, $0x7C;
	[tilespmem:s29+$0x1A520] =	vst v0  }
0x7f: {  	v0 =	vld [tilespmem:s0+$0xA400];
	[tilespmem:s29+$0x1A530] =	vst v1  }
0x80: {  	v1 =	vld [tilespmem:s0+$0xA410];
	[tilespmem:s29+$0x1A580] =	vst v2  }
0x81: {  	v2 =	vld [tilespmem:s0+$0xA420];
	[tilespmem:s29+$0x1A590] =	vst v4  }
0x82: {  	v4 =	vld [tilespmem:s0+$0xA430];
	[tilespmem:s29+$0x1A5A0] =	vst v3;
	s29 =	smov.u32 s0  }
0x83: {  	v3 =	vld [tilespmem:s29+$0xA480];
	[tilespmem:s29+$0x1A5B0] =	vst v5  }
0x84: {  	[tilespmem:s29+$0x1A400] =	vst v0;
	v0 =	vld [tilespmem:s29+$0xA490]  }
0x85: {  	[tilespmem:s29+$0x1A410] =	vst v1;
	v1 =	vld [tilespmem:s29+$0xA4A0]  }
0x86: {  	[tilespmem:s29+$0x1A420] =	vst v2;
	v2 =	vld [tilespmem:s29+$0xA4B0]  }
0x87: {  	[tilespmem:s29+$0x1A430] =	vst v4;
	v4 =	vld [tilespmem:s29+$0xA500]  }
.Ltmp1:
0x88: {  	[tilespmem:s29+$0x1A480] =	vst v3;
	v3 =	vld [tilespmem:s29+$0xA510];
	(pc) =	sbr.rel @p0 .LBB2_5-.Ltmp1, $4  }
0x89: {  	[tilespmem:s29+$0x1A490] =	vst v0;
	v0 =	vld [tilespmem:s29+$0xA520]  }
0x8a: {  	[tilespmem:s29+$0x1A4A0] =	vst v1;
	v1 =	vld [tilespmem:s29+$0xA530]  }
0x8b: {  	[tilespmem:s29+$0x1A4B0] =	vst v2;
	v2 =	vld [tilespmem:s29+$0xA580]  }
0x8c: {  	s31 =	sadd.s32 $0x800, s31;
	[tilespmem:s29+$0x1A500] =	vst v4;
	v4 =	vld [tilespmem:s29+$0xA590]  }
0x8d: {  	[tilespmem:s29+$0x1A510] =	vst v3;
	v3 =	vld [tilespmem:s29+$0xA5A0]  }
0x8e: {  	[tilespmem:s29+$0x1A520] =	vst v0  }
0x8f: {  	s0 =	sadd.s32 s28, s7;
	[tilespmem:s29+$0x1A530] =	vst v1  }
0x90: {  	s0 =	sshll.u32 s0, $0xB;
	[tilespmem:s29+$0x1A580] =	vst v2  }
0x91: {  	s0 =	sand.u32 $0x1FFFE800, s0;
	[tilespmem:s29+$0x1A590] =	vst v4  }
0x92: {  	p0 =	seq.s32 s24, $0x31;
	s0 =	sadd.s32 s5, s0;
	[tilespmem:s29+$0x1A5A0] =	vst v3  }
0x93: {  	[hbm4b:s0+s2] =	stream.linear.scatter [tilespmem:s18], [sflag:$0x6], $0x4000, $0x38;
	[tilespmem:$0x1E400] =	vst v63  }
0x94: {  	s0 =	sshll.u32 @!p0 s24, $0x9;
	_ =	swait.ge [sflag:s19], $0x4000  }
0x95: {  	s30 =	simm.s32 @!p0 $0x6400;
	s28 =	sand.u32 @!p0 $0x3FFFFE00, s0;
	[sflag:s19] =	ssyncset.done $0x0  }
0x96: {  	s29 =	simm.s32 @!p0 $0x80;
	s0 =	sadd.s32 @!p0 $0x200, s28;
	[sflag:s19] =	ssyncadd.s32 $0xFFFFC000  }
0x97: {  	[tilespmem:s30], [sflag:$0x1] =	stream.indirect.gather @!p0 [hbm4b:s3+s29], $0x80, s0, s29, $0xb8;
	[tilespmem:$0x1E400] =	vst v63  }
0x98: {  	_ =	swait.ge [sflag:s20], $0x4000  }
0x99: {  	[sflag:s20] =	ssyncset.done $0x0  }
0x9a: {  	s29 =	simm.s32 $0x0;
	[sflag:s20] =	ssyncadd.s32 $0xFFFFC000  }
0x9b: {  	v0 =	vld [tilespmem:s29+$0xE5B0]  }
0x9c: {  	v1 =	vld [tilespmem:s29+$0xE400]  }
0x9d: {  	v2 =	vld [tilespmem:s29+$0xE410]  }
0x9e: {  	v3 =	vld [tilespmem:s29+$0xE420]  }
0x9f: {  	v4 =	vld [tilespmem:s29+$0xE430]  }
0xa0: {  	v5 =	vld [tilespmem:s29+$0xE480];
	[tilespmem:s29+$0x165B0] =	vst v0  }
0xa1: {  	[tilespmem:s29+$0x16400] =	vst v1;
	v0 =	vld [tilespmem:s29+$0xE490]  }
0xa2: {  	[tilespmem:s29+$0x16410] =	vst v2;
	v1 =	vld [tilespmem:s29+$0xE4A0]  }
0xa3: {  	[tilespmem:s29+$0x16420] =	vst v3;
	v2 =	vld [tilespmem:s29+$0xE4B0]  }
0xa4: {  	[tilespmem:s29+$0x16430] =	vst v4;
	v4 =	vld [tilespmem:s29+$0xE500]  }
0xa5: {  	[tilespmem:s29+$0x16480] =	vst v5;
	v3 =	vld [tilespmem:s29+$0xE510]  }
0xa6: {  	[tilespmem:s29+$0x16490] =	vst v0;
	v0 =	vld [tilespmem:s29+$0xE520]  }
0xa7: {  	[tilespmem:s29+$0x164A0] =	vst v1;
	v1 =	vld [tilespmem:s29+$0xE530]  }
0xa8: {  	[tilespmem:s29+$0x164B0] =	vst v2;
	v2 =	vld [tilespmem:s29+$0xE580]  }
0xa9: {  	s31 =	simm.s32 $0x800;
	s30 =	simm.s32 $0x0;
	[tilespmem:s29+$0x16500] =	vst v4;
	v4 =	vld [tilespmem:s29+$0xE590]  }
.LBB2_7:
0xaa: {  	s0 =	sshra.s32 s31, $0x2;
	s30 =	sadd.s32 $0x4, s30;
	[tilespmem:s29+$0x16510] =	vst v3;
	v3 =	vld [tilespmem:s29+$0xE5A0]  }
0xab: {  	v5 =	vld [tilespmem:s0+$0xE5B0];
	p1 =	slt.u32 s30, $0x7C;
	[tilespmem:s29+$0x16520] =	vst v0  }
0xac: {  	v0 =	vld [tilespmem:s0+$0xE400];
	[tilespmem:s29+$0x16530] =	vst v1  }
0xad: {  	v1 =	vld [tilespmem:s0+$0xE410];
	[tilespmem:s29+$0x16580] =	vst v2  }
0xae: {  	v2 =	vld [tilespmem:s0+$0xE420];
	[tilespmem:s29+$0x16590] =	vst v4  }
0xaf: {  	v4 =	vld [tilespmem:s0+$0xE430];
	[tilespmem:s29+$0x165A0] =	vst v3;
	s29 =	smov.u32 s0  }
0xb0: {  	v3 =	vld [tilespmem:s29+$0xE480];
	[tilespmem:s29+$0x165B0] =	vst v5  }
0xb1: {  	[tilespmem:s29+$0x16400] =	vst v0;
	v0 =	vld [tilespmem:s29+$0xE490]  }
0xb2: {  	[tilespmem:s29+$0x16410] =	vst v1;
	v1 =	vld [tilespmem:s29+$0xE4A0]  }
0xb3: {  	[tilespmem:s29+$0x16420] =	vst v2;
	v2 =	vld [tilespmem:s29+$0xE4B0]  }
0xb4: {  	[tilespmem:s29+$0x16430] =	vst v4;
	v4 =	vld [tilespmem:s29+$0xE500]  }
.Ltmp2:
0xb5: {  	[tilespmem:s29+$0x16480] =	vst v3;
	v3 =	vld [tilespmem:s29+$0xE510];
	(pc) =	sbr.rel @p1 .LBB2_7-.Ltmp2, $4  }
0xb6: {  	[tilespmem:s29+$0x16490] =	vst v0;
	v0 =	vld [tilespmem:s29+$0xE520]  }
0xb7: {  	[tilespmem:s29+$0x164A0] =	vst v1;
	v1 =	vld [tilespmem:s29+$0xE530]  }
0xb8: {  	[tilespmem:s29+$0x164B0] =	vst v2;
	v2 =	vld [tilespmem:s29+$0xE580]  }
0xb9: {  	s31 =	sadd.s32 $0x800, s31;
	[tilespmem:s29+$0x16500] =	vst v4;
	v4 =	vld [tilespmem:s29+$0xE590]  }
0xba: {  	[tilespmem:s29+$0x16510] =	vst v3;
	v3 =	vld [tilespmem:s29+$0xE5A0]  }
0xbb: {  	[tilespmem:s29+$0x16520] =	vst v0  }
0xbc: {  	s0 =	sadd.s32 s4, s25;
	[tilespmem:s29+$0x16530] =	vst v1  }
0xbd: {  	s0 =	sshll.u32 s0, $0xB;
	[tilespmem:s29+$0x16580] =	vst v2  }
0xbe: {  	s0 =	sand.u32 $0x1FFFF000, s0;
	[tilespmem:s29+$0x16590] =	vst v4  }
0xbf: {  	s0 =	sadd.s32 s5, s0;
	[tilespmem:s29+$0x165A0] =	vst v3  }
0xc0: {  	[hbm4b:s0+s2] =	stream.linear.scatter [tilespmem:s15], [sflag:$0x5], $0x4000, $0x38;
	[tilespmem:$0x1E400] =	vst v63  }
0xc1: {  	_ =	swait.ge [sflag:s21], $0x4000  }
0xc2: {  	s25 =	simm.s32 @!p0 $0x80;
	[sflag:s21] =	ssyncset.done $0x0  }
0xc3: {  	s0 =	sadd.s32 @!p0 $0x280, s28;
	s28 =	simm.s32 @!p0 $0xA400;
	[sflag:s21] =	ssyncadd.s32 $0xFFFFC000  }
0xc4: {  	[tilespmem:s28], [sflag:$0x2] =	stream.indirect.gather @!p0 [hbm4b:s3+s25], $0x80, s0, s25, $0xb8;
	[tilespmem:$0x1E400] =	vst v63  }
0xc5: {  	_ =	swait.ge [sflag:s22], $0x4000  }
0xc6: {  	[sflag:s22] =	ssyncset.done $0x0  }
0xc7: {  	s25 =	simm.s32 $0x0;
	[sflag:s22] =	ssyncadd.s32 $0xFFFFC000  }
0xc8: {  	v0 =	vld [tilespmem:s25+$0x125B0]  }
0xc9: {  	v1 =	vld [tilespmem:s25+$0x12400]  }
0xca: {  	v2 =	vld [tilespmem:s25+$0x12410]  }
0xcb: {  	v3 =	vld [tilespmem:s25+$0x12420]  }
0xcc: {  	v4 =	vld [tilespmem:s25+$0x12430]  }
0xcd: {  	v5 =	vld [tilespmem:s25+$0x12480];
	[tilespmem:s25+$0x1A5B0] =	vst v0  }
0xce: {  	[tilespmem:s25+$0x1A400] =	vst v1;
	v0 =	vld [tilespmem:s25+$0x12490]  }
0xcf: {  	[tilespmem:s25+$0x1A410] =	vst v2;
	v1 =	vld [tilespmem:s25+$0x124A0]  }
0xd0: {  	[tilespmem:s25+$0x1A420] =	vst v3;
	v2 =	vld [tilespmem:s25+$0x124B0]  }
0xd1: {  	[tilespmem:s25+$0x1A430] =	vst v4;
	v4 =	vld [tilespmem:s25+$0x12500]  }
0xd2: {  	[tilespmem:s25+$0x1A480] =	vst v5;
	v3 =	vld [tilespmem:s25+$0x12510]  }
0xd3: {  	[tilespmem:s25+$0x1A490] =	vst v0;
	v0 =	vld [tilespmem:s25+$0x12520]  }
0xd4: {  	[tilespmem:s25+$0x1A4A0] =	vst v1;
	v1 =	vld [tilespmem:s25+$0x12530]  }
0xd5: {  	[tilespmem:s25+$0x1A4B0] =	vst v2;
	v2 =	vld [tilespmem:s25+$0x12580]  }
0xd6: {  	s29 =	simm.s32 $0x800;
	s28 =	simm.s32 $0x0;
	[tilespmem:s25+$0x1A500] =	vst v4;
	v4 =	vld [tilespmem:s25+$0x12590]  }
.LBB2_9:
0xd7: {  	s0 =	sshra.s32 s29, $0x2;
	s28 =	sadd.s32 $0x4, s28;
	[tilespmem:s25+$0x1A510] =	vst v3;
	v3 =	vld [tilespmem:s25+$0x125A0]  }
0xd8: {  	v5 =	vld [tilespmem:s0+$0x125B0];
	p0 =	slt.u32 s28, $0x7C;
	[tilespmem:s25+$0x1A520] =	vst v0  }
0xd9: {  	v0 =	vld [tilespmem:s0+$0x12400];
	[tilespmem:s25+$0x1A530] =	vst v1  }
0xda: {  	v1 =	vld [tilespmem:s0+$0x12410];
	[tilespmem:s25+$0x1A580] =	vst v2  }
0xdb: {  	v2 =	vld [tilespmem:s0+$0x12420];
	[tilespmem:s25+$0x1A590] =	vst v4  }
0xdc: {  	v4 =	vld [tilespmem:s0+$0x12430];
	[tilespmem:s25+$0x1A5A0] =	vst v3;
	s25 =	smov.u32 s0  }
0xdd: {  	v3 =	vld [tilespmem:s25+$0x12480];
	[tilespmem:s25+$0x1A5B0] =	vst v5  }
0xde: {  	[tilespmem:s25+$0x1A400] =	vst v0;
	v0 =	vld [tilespmem:s25+$0x12490]  }
0xdf: {  	[tilespmem:s25+$0x1A410] =	vst v1;
	v1 =	vld [tilespmem:s25+$0x124A0]  }
0xe0: {  	[tilespmem:s25+$0x1A420] =	vst v2;
	v2 =	vld [tilespmem:s25+$0x124B0]  }
0xe1: {  	[tilespmem:s25+$0x1A430] =	vst v4;
	v4 =	vld [tilespmem:s25+$0x12500]  }
.Ltmp3:
0xe2: {  	[tilespmem:s25+$0x1A480] =	vst v3;
	v3 =	vld [tilespmem:s25+$0x12510];
	(pc) =	sbr.rel @p0 .LBB2_9-.Ltmp3, $4  }
0xe3: {  	[tilespmem:s25+$0x1A490] =	vst v0;
	v0 =	vld [tilespmem:s25+$0x12520]  }
0xe4: {  	[tilespmem:s25+$0x1A4A0] =	vst v1;
	v1 =	vld [tilespmem:s25+$0x12530]  }
0xe5: {  	[tilespmem:s25+$0x1A4B0] =	vst v2;
	v2 =	vld [tilespmem:s25+$0x12580]  }
0xe6: {  	s29 =	sadd.s32 $0x800, s29;
	[tilespmem:s25+$0x1A500] =	vst v4;
	v4 =	vld [tilespmem:s25+$0x12590]  }
0xe7: {  	[tilespmem:s25+$0x1A510] =	vst v3;
	v63 =	vld [tilespmem:s25+$0x125A0];
	s24 =	sadd.s32 $0x1, s24  }
0xe8: {  	[tilespmem:s25+$0x1A520] =	vst v0;
	p0 =	sne.s32 s24, $0x32  }
.Ltmp4:
0xe9: {  	s0 =	sadd.s32 s4, s26;
	[tilespmem:s25+$0x1A530] =	vst v1;
	(pc) =	sbr.rel @p0 .LBB2_2-.Ltmp4, $4  }
0xea: {  	s0 =	sshll.u32 s0, $0xB;
	[tilespmem:s25+$0x1A580] =	vst v2  }
0xeb: {  	s0 =	sand.u32 $0x1FFFF800, s0;
	[tilespmem:s25+$0x1A590] =	vst v4  }
0xec: {  	s0 =	sadd.s32 s5, s0;
	[tilespmem:s25+$0x1A5A0] =	vst v63  }
0xed: {  	[hbm4b:s0+s2] =	stream.linear.scatter [tilespmem:s18], [sflag:$0x6], $0x4000, $0x38;
	[tilespmem:$0x1E400] =	vst v63  }
0xee: {  	s23 =	sadd.s32 $0x1, s23  }
0xef: {  	_ =	swait.ge [sflag:s20], $0x4000;
	p0 =	sne.s32 s23, s8  }
.Ltmp5:
0xf0: {  	[sflag:s20] =	ssyncset.done $0x0;
	(pc) =	sbr.rel @p0 .LBB2_1-.Ltmp5, $4  }
0xf1: {  	[sflag:s20] =	ssyncadd.s32 $0xFFFFC000  }
0xf2: {  	_ =	swait.ge [sflag:s22], $0x4000  }
0xf3: {  	[sflag:s22] =	ssyncset.done $0x0  }
0xf4: {  	[sflag:s22] =	ssyncadd.s32 $0xFFFFC000  }
0xf5: {  	_ =	sfence.sel $0x180000  }
0xf6: {  	[bflag:$0x0] =	sbarrier.arrive $0xFFFF  }
0xf7: {  	_ =	strace $0x9000004A  }
0xf8: {  	[bflag:$0x2] =	sbarrier.arrive $0xFFFF  }
0xf9: {  	p0 =	sne.s32 s1, $0x0;
	s0 =	rddreg [dreg:$0x1]  }
0xfa: {  	s0 =	sadd.s32 @!p0 $0x100000, s0  }
0xfb: {  	[sflag:s0] =	ssyncadd.tile.s32 @!p0 $0x1;
	_ =	shalt  }
.Lfunc_end2:
_tile_overlayer_lowered:
.L_overlay_start_2:
0xfc: {  	(tag) =	ssettag $0x2  }
0xfd: {  	s0 =	rddreg [dreg:$0x0];
	s2 =	stileid.u32  }
0xfe: {  	s1 =	rddreg [dreg:$0x1];
	p0 =	sne.s32 s2, $0x0  }
0xff: {  	s3 =	rddreg [dreg:$0x2];
	[bflag:$0x3] =	sbarrier.arrive $0xFFFF;
	s2 =	simm.s32 @!p0 $0x1C07  }
0x100: {  	[timem:s3], [sflag:s2] =	dma.local @!p0 [hbm:s0], s1  }
0x101: {  	s0 =	simm.s32 @!p0 $0x7  }
0x102: {  	_ =	swait.ge @!p0 [sflag:s0], s1  }
0x103: {  	s1 =	ssub.s32 @!p0 $0x0, s1;
	[sflag:s0] =	ssyncset.done @!p0 $0x0  }
0x104: {  	[sflag:s0] =	ssyncadd.s32 @!p0 s1  }
0x105: {  	[bflag:$0x3] =	sbarrier.arrive $0xFFFF  }
0x106: {  	_ =	shalt  }

// kernel: sparse-core-data-format-call.cloned.1.call-start
scs
called_computation_lowered:
.L_overlay_start_0:
0x0: {  	s2 =	sld [smem:$0x3FD9]  }
0x1: {  	s3 =	sld [smem:$0x3FFE];
	_ =	sdelay $0x1  }
0x2: {  	s1 =	srdreg.scid  }
0x3: {  	s0 =	sand.u32 $0x1, s1  }
0x4: {  	s18 =	sshll.u32 s0, $0xA;
	s2 =	sadd.s32 s3, s2  }
0x5: {  	s2 =	sadd.s32 s2, s18  }
0x6: {  	[smem:$0x3FC4] =	sst s2  }
0x7: {  	_ = 	snop  }
0x8: {  	s2 =	sld [smem:$0x3FD0];
	(tm) =	ssettm $0x1  }
0x9: {  	s19 =	sld [smem:$0x3FFB];
	_ =	sdelay $0x3  }
0xa: {  	_ =	strace s19  }
0xb: {  	s3 =	sld [smem:$0x3FFC];
	_ =	sdelay $0x3  }
0xc: {  	_ =	strace s3  }
0xd: {  	s3 =	sld [smem:$0x3FFD];
	_ =	sdelay $0x3  }
0xe: {  	_ =	strace s3  }
0xf: {  	_ =	strace $0x8FFFFFFF  }
0x10: {  	s20 =	sld [smem:$0x3FDB];
	_ =	sdelay $0x1  }
0x11: {  	s4 =	simm.s32 $_scs_section_size  }
0x12: {  	s5 =	simm.s32 $_size__tile_overlayer_lowered;
	s6 =	simm.s32 $_tile_overlayer_lowered  }
0x13: {  	s23 =	simm.s32 $0x1BFF;
	s22 =	sshll.u32 s6, $0x1;
	s3 =	sadd.s32 s4, s20  }
0x14: {  	s7 =	simm.s32 $0x0;
	s21 =	sshll.u32 s5, $0x1;
	s5 =	sadd.s32 s22, s3  }
0x15: {  	[timem:s7], [sflag:s23] =	dma.local [hbm:s5], s21  }
0x16: {  	_ =	swait.ge [sflag:s23], s21  }
0x17: {  	s4 =	ssub.s32 $0x0, s21;
	[sflag:s23] =	ssyncset.done $0x0  }
0x18: {  	[sflag:s23] =	ssyncadd.s32 s4;
	_ =	sdelay $0x1  }
0x19: {  	s24 =	simm.s32 $0x1B8B  }
0x1a: {  	_ =	swait.ge [sflag:s24], $0x1  }
0x1b: {  	[sflag:s24] =	ssyncset.done $0x0  }
0x1c: {  	s26 =	simm.s32 $0x1B8E;
	s25 =	sld [smem:$0x3FFE];
	[sflag:s24] =	ssyncadd.s32 $0xFFFFFFFF  }
0x1d: {  	s27 =	simm.s32 $execute0_lowered;
	[smem:$0x3FD2] =	sst s26  }
0x1e: {  	s5 =	sshll.u32 s27, $0x1;
	_ =	strace $0x8000004C;
	[dreg:$0x1] =	wrdreg $0xFFFFFFFF  }
0x1f: {  	s28 =	simm.s32 $_size_execute0_lowered;
	s3 =	sadd.s32 s3, s5;
	[dreg:$0x0] =	wrdreg $0x0  }
0x20: {  	s5 =	sshll.u32 s28, $0x1;
	[dreg:$0x2] =	wrdreg s3  }
0x21: {  	[dreg:$0x3] =	wrdreg s5  }
0x22: {  	[dreg:$0x4] =	wrdreg $0xC0  }
0x23: {  	_ =	task [dreg:s7], $0x5FFFF  }
0x24: {  	[dreg:$0x1] =	wrdreg $0xFFFFFFFF  }
0x25: {  	[dreg:$0x0] =	wrdreg $0x60  }
0x26: {  	[dreg:$0x2] =	wrdreg s25  }
0x27: {  	[dreg:$0x3] =	wrdreg s2  }
0x28: {  	[dreg:$0x4] =	wrdreg $0x9  }
0x29: {  	_ =	task.clear_ibuf [dreg:s7], $0x5FFFF;
	_ =	strace $0x9000004C  }
0x2a: {  	s29 =	simm.s32 $0x9;
	_ =	strace $0x8000004E  }
0x2b: {  	_ =	swait.ge [sflag:s29], $0x1  }
0x2c: {  	[sflag:s29] =	ssyncadd.s32 $0xFFFFFFFF  }
0x2d: {  	_ =	strace $0x9000004E  }
0x2e: {  	_ =	sfence  }
0x2f: {  	s30 =	sld [smem:$0x0];
	_ =	sdelay $0x2  }
0x30: {  	s31 =	sshll.u32 s1, $0xD;
	s1 =	sshrl.u32 s1, $0x2  }
0x31: {  	s3 =	sand.u32 $0x4000, s31;
	s1 =	sadd.s32 s1, s30  }
0x32: {  	s0 =	sor.u32 s3, s0;
	s1 =	sshll.u32 s1, $0x11  }
0x33: {  	s0 =	sor.u32 s1, s0  }
0x34: {  	s0 =	sadd.s32 $0x8F2B, s0  }
0x35: {  	[sflag:s0] =	ssyncadd.remote.s32 $0x1  }
0x36: {  	_ =	sfence.sel $0xFFFF  }
0x37: {  	[dreg:$0x0] =	wrdreg $0xFFFFFFFF;
	(pc) =	sbr.abs _section_cstart, $3  }
0x38: {  	[dreg:$0x1] =	wrdreg $0xFFFFFFFF  }
0x39: {  	_ =	task.clear_ibuf [dreg:s7], $0x2FFFF;
	_ =	strace $0x9FFFFFFF  }
0x3a: {  	(tm) =	ssettm $0x7FFFFFFF  }
0x3b: {  	_ =	shalt  }
tec
execute0_lowered:
.L_overlay_start_1:
0x0: {  	(tag) =	ssettag $0x1  }
0x1: {  	s0 =	srdreg.scid  }
0x2: {  	s1 =	sshll.u32 s0, $0x4  }
0x3: {  	s0 =	stileid.u32;
	s1 =	sand.u32 $0x10, s1  }
0x4: {  	s1 =	sor.u32 s0, s1  }
0x5: {  	s6 =	rddreg [dreg:$0x0];
	s4 =	simm.s32 $0x1;
	s2 =	sshll.u32 s1, $0x7  }
0x6: {  	s7 =	simm.s32 $0x2;
	s12 =	simm.s32 $0x0;
	s1 =	ssub.s32 $0x1000, s2  }
0x7: {  	s8 =	simm.s32 $0x8000;
	s13 =	simm.s32 $0x0;
	s3 =	sand.u32 $0xF80, s1  }
0x8: {  	s9 =	simm.s32 $0x0;
	s5 =	sshrl.u32 s1, $0xC;
	p0 =	sne.s32 s3, $0x0  }
.Ltmp0:
0x9: {  	s1 =	rddreg [dreg:$0x2];
	s4 =	simm.s32 @!p0 $0x0;
	(pc) =	sbr.rel .LBB1_1-.Ltmp0, $4  }
0xa: {  	s11 =	simm.s32 $0x0;
	s3 =	rddreg [dreg:$0x1];
	s5 =	sadd.s32 s4, s5  }
0xb: {  	_ =	strace $0x8000004D;
	s4 =	simm.s32 $0x1;
	s5 =	smul.u32 $0xC8, s5  }
0xc: {  	s6 =	sadd.s32 $0x1A7C00, s6;
	s10 =	smov.u32 s2;
	[sflag:s4] =	ssyncpa.u1 $0x0  }
0xd: {  	p0 =	por $0x0, $0x0;
	[sflag:s7] =	ssyncpa.u1 $0x0;
	s7 =	sor.u32 $0x1, s5  }
.LBB1_4:
0xe: {  	s16 =	sshll.u32 s13, $0x3;
	s17 =	sand.u32 $0x78, s13  }
0xf: {  	s30 =	sand.u32 $0x7E00, s13;
	s12 =	sshll.u32 s12, $0xF;
	s16 =	sand.u32 $0xC00, s16  }
0x10: {  	[tilespmem:s15+$0x810 ss:$0x81] =	vst.msk $0xffff, v2;
	s31 =	sand.u32 $0x7, s13;
	s16 =	sor.u32 s17, s16;
	s17 =	sadd.s32 s3, s30  }
0x11: {  	[tilespmem:s15+$0x1020 ss:$0x81] =	vst.msk $0xffff, v0;
	s13 =	sshll.u32 s31, $0x12;
	s12 =	sadd.s32 s12, s17;
	s16 =	sshrl.u32 s16, $0x3  }
0x12: {  	[tilespmem:s15+$0x0 ss:$0x81] =	vst.msk $0xffff, v1;
	s13 =	sor.u32 $0x400, s13;
	s12 =	sadd.s32 s16, s12  }
0x13: {  	[hbm4b:s12+s13] =	stream.strided.scatter [tilespmem:s14], [sflag:$0x2], $0x2000, s8, s13, $0x20;
	[tilespmem:$0x8080] =	vst v63  }
.LBB1_5:
0x14: {  	s14 =	sadd.s32 $0x1, s9  }
0x15: {  	s12 =	sadd.s32 $0x1000, s10;
	s16 =	smov.u32 s10;
	p2 =	sgt.s32 s14, $0xC7  }
0x16: {  	s16 =	smov.u32 @p2 s12  }
0x17: {  	s14 =	simm.s32 @p2 $0x0;
	p2 =	sgt.s32 s16, $0xFFF  }
0x18: {  	s16 =	smov.u32 @p2 s2;
	p2 =	sne.s32 s11, s7  }
.Ltmp1:
0x19: {  	p1 =	slt.u32 s11, $0x2;
	(pc) =	sbr.rel @!p2 .LBB1_6-.Ltmp1, $4  }
0x1a: {  	s15 =	simm.s32 @!p1 $0x2  }
0x1b: {  	s13 =	smov.u32 s10;
	p0 =	por !p0, !p0;
	_ =	swait.ge @!p1 [sflag:s15], $0x2000  }
0x1c: {  	s12 =	smov.u32 s9;
	[sflag:s15] =	ssyncset.done @!p1 $0x0;
	s9 =	smov.u32 s14  }
0x1d: {  	s11 =	sadd.s32 $0x1, s11;
	[sflag:s15] =	ssyncadd.s32 @!p1 $0xFFFFE000;
	s10 =	smov.u32 s16  }
.LBB1_1:
0x1e: {  	p1 =	sge.u32 s11, s5  }
0x1f: {  	s14 =	sand.u32 @!p1 $0x1FFFFFF, s9  }
0x20: {  	s15 =	smulhi.u32 @!p1 $0x147AE15, s14;
	_ =	sdelay $0x1  }
0x21: {  	s15 =	smul.u32 @!p1 $0xC8, s15  }
0x22: {  	s16 =	sxor.u32 @!p1 $0xFFFFFFFF, s11;
	s17 =	smul.u32 @!p1 $0xC80, s10  }
0x23: {  	s31 =	sadd.s32 $0xFFFFFFFF, s11;
	s16 =	sshll.u32 @!p1 s16, $0xD;
	s14 =	ssub.s32 @!p1 s14, s15  }
0x24: {  	s15 =	sand.u32 @!p1 $0x2000, s16;
	s16 =	sadd.s32 @!p1 s6, s17;
	s14 =	sshll.u32 @!p1 s14, $0x4  }
0x25: {  	s17 =	simm.s32 @!p1 $0x6400;
	s14 =	sadd.s32 @!p1 s14, s16;
	s16 =	simm.s32 @!p1 $0x40  }
0x26: {  	[tilespmem:s15], [sflag:$0x1] =	stream.strided.gather @!p1 [hbm4b:s14+s16], $0x2000, s17, s16, $0x38;
	[tilespmem:$0x8080] =	vst v63  }
0x27: {  	p1 =	sge.u32 s31, s5  }
.Ltmp2:
0x28: {  	_ = 	snop;
	(pc) =	sbr.rel @p1 .LBB1_5-.Ltmp2, $1  }
0x29: {  	_ =	sdelay $0x3  }
0x2a: {  	s14 =	simm.s32 $0x1  }
0x2b: {  	_ =	swait.ge [sflag:s4], $0x2000;
	s14 =	simm.s32 @!p0 $0x0  }
0x2c: {  	[sflag:s4] =	ssyncset.done $0x0;
	s15 =	sshll.u32 s14, $0xD  }
0x2d: {  	[sflag:s4] =	ssyncadd.s32 $0xFFFFE000;
	s18 =	sor.u32 $0x20, s15  }
0x2e: {  	s14 =	smul.u32 $0x8100, s14;
	v3 =	vld [tilespmem:s18+$0x10]  }
0x2f: {  	s30 =	sand.u32 $0x1, s11;
	v2 =	vld [tilespmem:s18+$0xFFFFFFF0]  }
0x30: {  	s15 =	smul.u32 $0x8100, s30;
	s14 =	sshrl.u32 s14, $0x2;
	v0 =	vld [tilespmem:s18+$0x0]  }
0x31: {  	v1 =	vld [tilespmem:s18+$0xFFFFFFE0];
	s16 =	sor.u32 $0x4000, s14  }
0x32: {  	s31 =	sshrl.u32 s15, $0x2;
	s15 =	sadd.s32 $0x0, s16  }
0x33: {  	s17 =	simm.s32 $0x4;
	s18 =	sadd.s32 $0x40, s18;
	s14 =	sor.u32 $0x4000, s31;
	[tilespmem:s15+$0x1830 ss:$0x81] =	vst.msk $0xffff, v3  }
.LBB1_3:
0x34: {  	v3 =	vld [tilespmem:s18+$0x10];
	p1 =	sne.s32 s17, $0x1FC;
	[tilespmem:s15+$0x810 ss:$0x81] =	vst.msk $0xffff, v2;
	s19 =	smov.u32 s17;
	s17 =	sadd.s32 $0x4, s17  }
.Ltmp3:
0x35: {  	v2 =	vld [tilespmem:s18+$0xFFFFFFF0];
	[tilespmem:s15+$0x1020 ss:$0x81] =	vst.msk $0xffff, v0;
	(pc) =	sbr.rel @p1 .LBB1_3-.Ltmp3, $4  }
0x36: {  	v0 =	vld [tilespmem:s18+$0x0];
	[tilespmem:s15+$0x0 ss:$0x81] =	vst.msk $0xffff, v1  }
0x37: {  	s15 =	sshra.s32 s19, $0x2;
	v1 =	vld [tilespmem:s18+$0xFFFFFFE0]  }
0x38: {  	s15 =	sadd.s32 s15, s16  }
0x39: {  	s18 =	sadd.s32 $0x40, s18;
	[tilespmem:s15+$0x1830 ss:$0x81] =	vst.msk $0xffff, v3  }
.Ltmp4:
0x3a: {  	_ = 	snop;
	(pc) =	sbr.rel .LBB1_4-.Ltmp4, $1  }
0x3b: {  	_ =	sdelay $0x3  }
.LBB1_6:
0x3c: {  	_ =	sfence.sel $0x180000  }
0x3d: {  	s2 =	simm.s32 $0x1;
	[bflag:$0x0] =	sbarrier.arrive $0xFFFF  }
0x3e: {  	s31 =	simm.s32 $0x2;
	[sflag:s2] =	ssyncpa.u1 $0x1  }
0x3f: {  	[sflag:s31] =	ssyncpa.u1 $0x1  }
0x40: {  	p0 =	sne.s32 s0, $0x0;
	_ =	strace $0x9000004D  }
0x41: {  	s0 =	sadd.s32 @!p0 $0x100000, s1;
	[bflag:$0x2] =	sbarrier.arrive $0xFFFF  }
0x42: {  	[sflag:s0] =	ssyncadd.tile.s32 @!p0 $0x1;
	_ =	shalt  }
.Lfunc_end1:
_tile_overlayer_lowered:
.L_overlay_start_2:
0x43: {  	(tag) =	ssettag $0x2  }
0x44: {  	s0 =	rddreg [dreg:$0x0];
	s2 =	stileid.u32  }
0x45: {  	s1 =	rddreg [dreg:$0x1];
	p0 =	sne.s32 s2, $0x0  }
0x46: {  	s3 =	rddreg [dreg:$0x2];
	[bflag:$0x3] =	sbarrier.arrive $0xFFFF;
	s2 =	simm.s32 @!p0 $0x1C01  }
0x47: {  	[timem:s3], [sflag:s2] =	dma.local @!p0 [hbm:s0], s1  }
0x48: {  	s0 =	simm.s32 @!p0 $0x1  }
0x49: {  	_ =	swait.ge @!p0 [sflag:s0], s1  }
0x4a: {  	s1 =	ssub.s32 @!p0 $0x0, s1;
	[sflag:s0] =	ssyncset.done @!p0 $0x0  }
0x4b: {  	[sflag:s0] =	ssyncadd.s32 @!p0 s1  }
0x4c: {  	[bflag:$0x3] =	sbarrier.arrive $0xFFFF  }
0x4d: {  	_ =	shalt  }

</sc_bundles>
